<compile_context>
chip_gen: v7x
topology: tpu7x:2x2x1
jax: 0.10.2.dev20260603
libtpu: 0.0.44.dev20260713+nightly
codegen_flags: <defaults>
</compile_context>

<pallas_src>
import functools

import jax
import jax.numpy as jnp
from jax import lax
from jax.experimental import pallas as pl
from jax.experimental.pallas import tpu as pltpu
from jax.experimental.pallas import tpu_sc as plsc

_N = 16
_H = 512
_W = 512
_L = _H * _W
_M = int(0.1 * _L)

_NSC = 2
_NSUB = 16
_NW = _NSC * _NSUB
_HALF = _L * _N // _NW
_CHUNK = 16384
_NCHUNK = _HALF // _CHUNK
_BINS = 2048
_UNROLL = 8


def _dense_body(lg_ref, tg_ref, stats_ref, tn_ref):
    lg = lg_ref[0]
    tg = tg_ref[0]
    m1 = jax.nn.sigmoid(lg)
    tn = (1.0 - m1) * (1.0 - tg)
    tn_ref[0] = tn
    s1 = jnp.sum(m1)
    s2 = jnp.sum(tg)
    s12 = jnp.sum(m1 * tg)
    idx = lax.broadcasted_iota(jnp.int32, (1, 4), 1)
    stats_ref[0] = jnp.where(
        idx == 0, s1, jnp.where(idx == 1, s2, jnp.where(idx == 2, s12, 0.0))
    )


_ROWS = _CHUNK // _W
_NCHUNK_H = (_H // 4) // _ROWS


def _sc_hist_body(tn_hbm, out_hbm, chunk0_v, chunk1_v, sum_v, sem0, sem1):
    wid = lax.axis_index("s") * _NSC + lax.axis_index("c")
    smp = wid // 4
    row0 = (wid % 4) * (_H // 4)
    zeros = jnp.zeros((16,), jnp.float32)
    bufs = (chunk0_v, chunk1_v)
    sems = (sem0, sem1)

    def _src(c):
        return tn_hbm.at[smp, pl.ds(row0 + c * _ROWS, _ROWS)]

    pltpu.make_async_copy(_src(0), chunk0_v, sem0).start()

    def zbody(i, carry):
        sum_v[pl.ds(i * 16, 16)] = zeros
        return carry

    lax.fori_loop(0, _BINS // 16, zbody, 0)

    def _process(buf):
        def ibody(r, icarry):
            vs = [buf[r, pl.ds(j * 16, 16)] for j in range(_W // 16)]
            bs = [
                jnp.minimum(
                    lax.convert_element_type(v * float(_BINS), jnp.int32),
                    _BINS - 1,
                )
                for v in vs
            ]
            for v, b in zip(vs, bs):
                plsc.addupdate_scatter(sum_v, [b], v)
            return icarry

        lax.fori_loop(0, _ROWS, ibody, 0)

    def cbody(g, carry):
        for b in range(2):
            c = 2 * g + b
            pltpu.make_async_copy(_src(c), bufs[b], sems[b]).wait()

            @pl.when(c + 1 < _NCHUNK_H)
            def _():
                pltpu.make_async_copy(
                    _src(c + 1), bufs[1 - b], sems[1 - b]
                ).start()

            _process(bufs[b])
        return carry

    lax.fori_loop(0, _NCHUNK_H // 2, cbody, 0)
    pltpu.sync_copy(sum_v, out_hbm.at[wid])


@functools.cache
def _make_sc_hist():
    mesh = plsc.VectorSubcoreMesh(
        core_axis_name="c",
        subcore_axis_name="s",
        num_cores=_NSC,
        num_subcores=_NSUB,
    )
    return pl.kernel(
        _sc_hist_body,
        out_type=jax.ShapeDtypeStruct((_NW, _BINS), jnp.float32),
        name="sc_hist_half",
        mesh=mesh,
        scratch_types=[
            pltpu.VMEM((_ROWS, _W), jnp.float32),
            pltpu.VMEM((_ROWS, _W), jnp.float32),
            pltpu.VMEM((_BINS,), jnp.float32),
            pltpu.SemaphoreType.DMA,
            pltpu.SemaphoreType.DMA,
        ],
        compiler_params=pltpu.CompilerParams(needs_layout_passes=False),
    )


def _fin_body(hist0_ref, hist1_ref, topm_ref):
    h = jnp.concatenate(
        [
            hist0_ref[...].reshape(_N // 2, 4, _BINS),
            hist1_ref[...].reshape(_N // 2, 4, _BINS),
        ],
        axis=0,
    )
    hsum = h[:, 0] + h[:, 1] + h[:, 2] + h[:, 3]
    iota_b = lax.broadcasted_iota(jnp.int32, (_N, _BINS), 1)
    cnt_lo = hsum * (
        float(_BINS) / (lax.convert_element_type(iota_b, jnp.float32) + 1.0)
    )
    rc = cnt_lo
    k = 1
    while k < _BINS:
        rc = rc + jnp.concatenate(
            [rc[:, k:], jnp.zeros((_N, k), jnp.float32)], axis=1
        )
        k *= 2
    bstar = jnp.max(
        jnp.where(rc >= float(_M), iota_b, 0), axis=1, keepdims=True
    )
    t = lax.convert_element_type(bstar, jnp.float32) * (1.0 / float(_BINS))
    above = iota_b >= bstar
    c_above = jnp.sum(jnp.where(above, cnt_lo, 0.0), axis=1, keepdims=True)
    s_above = jnp.sum(jnp.where(above, hsum, 0.0), axis=1, keepdims=True)
    topm_ref[...] = s_above - t * c_above + float(_M) * t


def kernel(logits, targets):
    nh = _N // 2
    stats_h = []
    hists_h = []
    for h in range(2):
        stats1, tn1 = pl.pallas_call(
            _dense_body,
            grid=(nh,),
            in_specs=[
                pl.BlockSpec((1, _H, _W), lambda i, h=h: (i + h * nh, 0, 0)),
                pl.BlockSpec((1, _H, _W), lambda i, h=h: (i + h * nh, 0, 0)),
            ],
            out_specs=[
                pl.BlockSpec((1, 1, 4), lambda i: (i, 0, 0)),
                pl.BlockSpec((1, _H, _W), lambda i: (i, 0, 0)),
            ],
            out_shape=[
                jax.ShapeDtypeStruct((nh, 1, 4), jnp.float32),
                jax.ShapeDtypeStruct((nh, _H, _W), jnp.float32),
            ],
        )(logits, targets)
        stats_h.append(stats1)
        hists_h.append(_make_sc_hist()(tn1))

    stats = jnp.concatenate(stats_h, axis=0)
    topm = pl.pallas_call(
        _fin_body,
        out_shape=jax.ShapeDtypeStruct((_N, 1), jnp.float32),
    )(hists_h[0], hists_h[1])

    s1 = stats[:, 0, 0]
    s2 = stats[:, 0, 1]
    s12 = stats[:, 0, 2]
    tm = topm[:, 0]
    score = 2.0 * (s12 + 1.0) / (s1 + 2.0 * s2 - s12 + tm + 1.0)
    return (1.0 - jnp.sum(score) / _N).astype(jnp.float32)

# --- scband reference (transcript-rebuilt; emitter-appended) ---
"""Pipeline reference for scband-soft-dice-loss-31808527794362 (READ-ONLY COPY).

The authoritative reference and input builder live on the scoring server;
editing this copy changes nothing except your own understanding.
"""

import jax, jax.numpy as jnp
import numpy as np


def setup_inputs(seed: int = 0) -> dict:
    key = jax.random.key(seed)
    k1, k2 = jax.random.split(key)
    logits = jax.random.normal(k1, (16, 512, 512), dtype=jnp.float32)
    targets = jax.random.uniform(k2, (16, 512, 512), dtype=jnp.float32)
    return {"logits": logits, "targets": targets}


def reference(logits, targets):
    smooth = 1
    num = targets.shape[0]
    probs = jax.nn.sigmoid(logits)
    m1 = probs.reshape(num, -1)
    m2 = targets.reshape(num, -1)
    intersection = m1 * m2
    fp = (1 - m2) * m1
    tn = (1 - m1) * (1 - m2)
    # descending sort along dim 1
    sorted_tn = -jnp.sort(-tn, axis=1)
    M = int(0.1 * tn.shape[1])
    extra = sorted_tn[:, :M]
    fn = m2 * (1 - m1)
    AB = jnp.concatenate((intersection, fn, fp, extra), axis=1)
    score = 2 * (intersection.sum(axis=1) + smooth) / (AB.sum(axis=1) + m2.sum(axis=1) + smooth)
    score = 1 - score.sum() / num
    return score

if __name__ == "__main__":
    import jax
    _d = setup_inputs()
    print(jax.jit(kernel)(*tuple(_d.values())))

</pallas_src>

<mosaic_0001>
#map = affine_map<(d0, d1) -> (0, 0, 0)>
#map1 = affine_map<(d0, d1) -> (0, 0)>
module attributes {stable_mosaic.version = 14 : i64} {
  func.func @sc_hist_half(%arg0: i32, %arg1: i32, %arg2: memref<8x512x512xf32, #tpu.memory_space<hbm>>, %arg3: memref<32x2048xf32, #tpu.memory_space<hbm>>, %arg4: memref<32x512xf32, #tpu.memory_space<vmem>>, %arg5: memref<32x512xf32, #tpu.memory_space<vmem>>, %arg6: memref<2048xf32, #tpu.memory_space<vmem>>, %arg7: memref<!tpu.dma_semaphore, #tpu.memory_space<semaphore_mem>>, %arg8: memref<!tpu.dma_semaphore, #tpu.memory_space<semaphore_mem>>) attributes {dimension_semantics = [#tpu.dimension_semantics<core_parallel>, #tpu.dimension_semantics<subcore_parallel>], iteration_bounds = array<i64: 2, 16>, scalar_prefetch = 0 : i64, scratch_operands = 5 : i64, tpu.core_type = #tpu.core_type<sc_vector_subcore>, window_params = [{transform_indices = #map}, {transform_indices = #map1}]} {
    %mul3A = arith.constant 2 : i32
    %mul3A_0 = arith.muli %arg1, %mul3A : i32
    %add3A = arith.addi %mul3A_0, %arg0 : i32
    %jit3A = arith.constant 4 : i32
    %div3A = arith.divsi %add3A, %jit3A : i32
    %sign3A = arith.constant 0 : i32
    %sign3A_1 = arith.cmpi sgt, %add3A, %sign3A : i32
    %sign3A_2 = arith.extui %sign3A_1 : i1 to i32
    %sign3A_3 = arith.constant 0 : i32
    %sign3A_4 = arith.cmpi slt, %add3A, %sign3A_3 : i32
    %sign3A_5 = arith.extui %sign3A_4 : i1 to i32
    %sign3A_6 = arith.subi %sign3A_2, %sign3A_5 : i32
    %sign3A_7 = arith.constant 0 : i32
    %sign3A_8 = arith.cmpi sgt, %jit3A, %sign3A_7 : i32
    %sign3A_9 = arith.extui %sign3A_8 : i1 to i32
    %sign3A_10 = arith.constant 0 : i32
    %sign3A_11 = arith.cmpi slt, %jit3A, %sign3A_10 : i32
    %sign3A_12 = arith.extui %sign3A_11 : i1 to i32
    %sign3A_13 = arith.subi %sign3A_9, %sign3A_12 : i32
    %ne3A = arith.cmpi ne, %sign3A_6, %sign3A_13 : i32
    %rem3A = arith.remsi %add3A, %jit3A : i32
    %ne3A_14 = arith.constant 0 : i32
    %ne3A_15 = arith.cmpi ne, %rem3A, %ne3A_14 : i32
    %and3A = arith.andi %ne3A, %ne3A_15 : i1
    %sub3A = arith.constant 1 : i32
    %sub3A_16 = arith.subi %div3A, %sub3A : i32
    %select_n3A = arith.select %and3A, %sub3A_16, %div3A : i32
    %jit3A_17 = arith.constant 4 : i32
    %eq3A = arith.constant 0 : i32
    %eq3A_18 = arith.cmpi eq, %jit3A_17, %eq3A : i32
    %jit3A_19 = arith.constant 1 : i32
    %select_n3A_20 = arith.select %eq3A_18, %jit3A_19, %jit3A_17 : i32
    %rem3A_21 = arith.remsi %add3A, %select_n3A_20 : i32
    %ne3A_22 = arith.constant 0 : i32
    %ne3A_23 = arith.cmpi ne, %rem3A_21, %ne3A_22 : i32
    %lt3A = arith.constant 0 : i32
    %lt3A_24 = arith.cmpi slt, %rem3A_21, %lt3A : i32
    %lt3A_25 = arith.constant 0 : i32
    %lt3A_26 = arith.cmpi slt, %select_n3A_20, %lt3A_25 : i32
    %ne3A_27 = arith.xori %lt3A_24, %lt3A_26 : i1
    %and3A_28 = arith.andi %ne3A_27, %ne3A_23 : i1
    %add3A_29 = arith.addi %rem3A_21, %select_n3A_20 : i32
    %select_n3A_30 = arith.select %and3A_28, %add3A_29, %rem3A_21 : i32
    %mul3A_31 = arith.constant 128 : i32
    %mul3A_32 = arith.muli %select_n3A_30, %mul3A_31 : i32
    %broadcast_in_dim3A = arith.constant 0.000000e+00 : f32
    %broadcast_in_dim3A_33 = vector.broadcast %broadcast_in_dim3A : f32 to vector<16xf32>
    %add3A_34 = arith.constant 0 : i32
    %add3A_35 = arith.addi %mul3A_32, %add3A_34 : i32
    %dma_start3A = arith.constant 0 : i32
    %dma_start3A_36 = tpu.memref_slice %arg2[%select_n3A, %add3A_35, %dma_start3A] : memref<8x512x512xf32, #tpu.memory_space<hbm>> -> memref<1x32x512xf32, #tpu.memory_space<hbm>>
    %dma_start3A_37 = tpu.memref_squeeze %dma_start3A_36 : memref<1x32x512xf32, #tpu.memory_space<hbm>> -> memref<32x512xf32, #tpu.memory_space<hbm>>
    %dma_start3A_38 = arith.constant 0 : i32
    %dma_start3A_39 = tpu.memref_slice %arg2[%select_n3A, %add3A_35, %dma_start3A_38] : memref<8x512x512xf32, #tpu.memory_space<hbm>> -> memref<1x32x512xf32, #tpu.memory_space<hbm>>
    %dma_start3A_40 = tpu.memref_squeeze %dma_start3A_39 : memref<1x32x512xf32, #tpu.memory_space<hbm>> -> memref<32x512xf32, #tpu.memory_space<hbm>>
    tpu.enqueue_dma source(%dma_start3A_40 : memref<32x512xf32, #tpu.memory_space<hbm>>) target(%arg4 : memref<32x512xf32, #tpu.memory_space<vmem>>) target_semaphore(%arg7 : memref<!tpu.dma_semaphore, #tpu.memory_space<semaphore_mem>>)
    %scan3A = arith.constant 0 : i32
    %scan3A_41 = arith.constant 0 : i32
    %scan3A_42 = arith.constant 128 : i32
    %scan3A_43 = arith.addi %scan3A_41, %scan3A_42 : i32
    %scan3A_44 = arith.constant 1 : i32
    scf.for %scan3A_52 = %scan3A_41 to %scan3A_43 step %scan3A_44  : i32 {
      %mul3A_53 = arith.constant 16 : i32
      %mul3A_54 = arith.muli %scan3A_52, %mul3A_53 : i32
      %swap3A = arith.index_cast %mul3A_54 : i32 to index
      %swap3A_55 = tpu.vector_load %arg6[%swap3A] {strides = array<i32>} : memref<2048xf32, #tpu.memory_space<vmem>>, vector<16xf32>,
      tpu.vector_store %arg6[%swap3A], %broadcast_in_dim3A_33 {strides = array<i32>} : memref<2048xf32, #tpu.memory_space<vmem>>, vector<16xf32>,
    }
    %scan3A_45 = arith.constant 128 : i32
    %scan3A_46 = arith.constant 0 : i32
    %scan3A_47 = arith.constant 0 : i32
    %scan3A_48 = arith.constant 2 : i32
    %scan3A_49 = arith.addi %scan3A_47, %scan3A_48 : i32
    %scan3A_50 = arith.constant 1 : i32
    scf.for %scan3A_52 = %scan3A_47 to %scan3A_49 step %scan3A_50  : i32 {
      %mul3A_53 = arith.constant 2 : i32
      %mul3A_54 = arith.muli %mul3A_53, %scan3A_52 : i32
      %add3A_55 = arith.constant 0 : i32
      %add3A_56 = arith.addi %mul3A_54, %add3A_55 : i32
      %mul3A_57 = arith.constant 32 : i32
      %mul3A_58 = arith.muli %add3A_56, %mul3A_57 : i32
      %add3A_59 = arith.addi %mul3A_32, %mul3A_58 : i32
      %dma_wait3A = arith.constant 0 : i32
      %dma_wait3A_60 = tpu.memref_slice %arg2[%select_n3A, %add3A_59, %dma_wait3A] : memref<8x512x512xf32, #tpu.memory_space<hbm>> -> memref<1x32x512xf32, #tpu.memory_space<hbm>>
      %dma_wait3A_61 = tpu.memref_squeeze %dma_wait3A_60 : memref<1x32x512xf32, #tpu.memory_space<hbm>> -> memref<32x512xf32, #tpu.memory_space<hbm>>
      %dma_wait3A_62 = arith.constant 0 : i32
      %dma_wait3A_63 = tpu.memref_slice %arg2[%select_n3A, %add3A_59, %dma_wait3A_62] : memref<8x512x512xf32, #tpu.memory_space<hbm>> -> memref<1x32x512xf32, #tpu.memory_space<hbm>>
      %dma_wait3A_64 = tpu.memref_squeeze %dma_wait3A_63 : memref<1x32x512xf32, #tpu.memory_space<hbm>> -> memref<32x512xf32, #tpu.memory_space<hbm>>
      tpu.wait_dma2 semaphore(%arg7 : memref<!tpu.dma_semaphore, #tpu.memory_space<semaphore_mem>>) src(%dma_wait3A_64 : memref<32x512xf32, #tpu.memory_space<hbm>>) dst(%arg4 : memref<32x512xf32, #tpu.memory_space<vmem>>)
      %add3A_65 = arith.constant 1 : i32
      %add3A_66 = arith.addi %add3A_56, %add3A_65 : i32
      %lt3A_67 = arith.constant 4 : i32
      %lt3A_68 = arith.cmpi slt, %add3A_66, %lt3A_67 : i32
      %convert_element_type3A = arith.extui %lt3A_68 : i1 to i32
      %cond3A = arith.constant 0 : i32
      %cond3A_69 = arith.cmpi ne, %convert_element_type3A, %cond3A : i32
      scf.if %cond3A_69 {
        %add3A_102 = arith.constant 1 : i32
        %add3A_103 = arith.addi %add3A_56, %add3A_102 : i32
        %mul3A_104 = arith.constant 32 : i32
        %mul3A_105 = arith.muli %add3A_103, %mul3A_104 : i32
        %add3A_106 = arith.addi %mul3A_32, %mul3A_105 : i32
        %dma_start3A_107 = arith.constant 0 : i32
        %dma_start3A_108 = tpu.memref_slice %arg2[%select_n3A, %add3A_106, %dma_start3A_107] : memref<8x512x512xf32, #tpu.memory_space<hbm>> -> memref<1x32x512xf32, #tpu.memory_space<hbm>>
        %dma_start3A_109 = tpu.memref_squeeze %dma_start3A_108 : memref<1x32x512xf32, #tpu.memory_space<hbm>> -> memref<32x512xf32, #tpu.memory_space<hbm>>
        %dma_start3A_110 = arith.constant 0 : i32
        %dma_start3A_111 = tpu.memref_slice %arg2[%select_n3A, %add3A_106, %dma_start3A_110] : memref<8x512x512xf32, #tpu.memory_space<hbm>> -> memref<1x32x512xf32, #tpu.memory_space<hbm>>
        %dma_start3A_112 = tpu.memref_squeeze %dma_start3A_111 : memref<1x32x512xf32, #tpu.memory_space<hbm>> -> memref<32x512xf32, #tpu.memory_space<hbm>>
        tpu.enqueue_dma source(%dma_start3A_112 : memref<32x512xf32, #tpu.memory_space<hbm>>) target(%arg5 : memref<32x512xf32, #tpu.memory_space<vmem>>) target_semaphore(%arg8 : memref<!tpu.dma_semaphore, #tpu.memory_space<semaphore_mem>>)
      } else {
      }
      %scan3A_70 = arith.constant 0 : i32
      %scan3A_71 = arith.constant 0 : i32
      %scan3A_72 = arith.constant 32 : i32
      %scan3A_73 = arith.addi %scan3A_71, %scan3A_72 : i32
      %scan3A_74 = arith.constant 1 : i32
      scf.for %scan3A_102 = %scan3A_71 to %scan3A_73 step %scan3A_74  : i32 {
        %get3A = arith.index_cast %scan3A_102 : i32 to index
        %get3A_103 = arith.constant 0 : index
        %get3A_104 = tpu.vector_load %arg4[%get3A, %get3A_103] {strides = array<i32>} : memref<32x512xf32, #tpu.memory_space<vmem>>, vector<16xf32>,
        %get3A_105 = arith.index_cast %scan3A_102 : i32 to index
        %get3A_106 = arith.constant 16 : index
        %get3A_107 = tpu.vector_load %arg4[%get3A_105, %get3A_106] {strides = array<i32>} : memref<32x512xf32, #tpu.memory_space<vmem>>, vector<16xf32>,
        %get3A_108 = arith.index_cast %scan3A_102 : i32 to index
        %get3A_109 = arith.constant 32 : index
        %get3A_110 = tpu.vector_load %arg4[%get3A_108, %get3A_109] {strides = array<i32>} : memref<32x512xf32, #tpu.memory_space<vmem>>, vector<16xf32>,
        %get3A_111 = arith.index_cast %scan3A_102 : i32 to index
        %get3A_112 = arith.constant 48 : index
        %get3A_113 = tpu.vector_load %arg4[%get3A_111, %get3A_112] {strides = array<i32>} : memref<32x512xf32, #tpu.memory_space<vmem>>, vector<16xf32>,
        %get3A_114 = arith.index_cast %scan3A_102 : i32 to index
        %get3A_115 = arith.constant 64 : index
        %get3A_116 = tpu.vector_load %arg4[%get3A_114, %get3A_115] {strides = array<i32>} : memref<32x512xf32, #tpu.memory_space<vmem>>, vector<16xf32>,
        %get3A_117 = arith.index_cast %scan3A_102 : i32 to index
        %get3A_118 = arith.constant 80 : index
        %get3A_119 = tpu.vector_load %arg4[%get3A_117, %get3A_118] {strides = array<i32>} : memref<32x512xf32, #tpu.memory_space<vmem>>, vector<16xf32>,
        %get3A_120 = arith.index_cast %scan3A_102 : i32 to index
        %get3A_121 = arith.constant 96 : index
        %get3A_122 = tpu.vector_load %arg4[%get3A_120, %get3A_121] {strides = array<i32>} : memref<32x512xf32, #tpu.memory_space<vmem>>, vector<16xf32>,
        %get3A_123 = arith.index_cast %scan3A_102 : i32 to index
        %get3A_124 = arith.constant 112 : index
        %get3A_125 = tpu.vector_load %arg4[%get3A_123, %get3A_124] {strides = array<i32>} : memref<32x512xf32, #tpu.memory_space<vmem>>, vector<16xf32>,
        %get3A_126 = arith.index_cast %scan3A_102 : i32 to index
        %get3A_127 = arith.constant 128 : index
        %get3A_128 = tpu.vector_load %arg4[%get3A_126, %get3A_127] {strides = array<i32>} : memref<32x512xf32, #tpu.memory_space<vmem>>, vector<16xf32>,
        %get3A_129 = arith.index_cast %scan3A_102 : i32 to index
        %get3A_130 = arith.constant 144 : index
        %get3A_131 = tpu.vector_load %arg4[%get3A_129, %get3A_130] {strides = array<i32>} : memref<32x512xf32, #tpu.memory_space<vmem>>, vector<16xf32>,
        %get3A_132 = arith.index_cast %scan3A_102 : i32 to index
        %get3A_133 = arith.constant 160 : index
        %get3A_134 = tpu.vector_load %arg4[%get3A_132, %get3A_133] {strides = array<i32>} : memref<32x512xf32, #tpu.memory_space<vmem>>, vector<16xf32>,
        %get3A_135 = arith.index_cast %scan3A_102 : i32 to index
        %get3A_136 = arith.constant 176 : index
        %get3A_137 = tpu.vector_load %arg4[%get3A_135, %get3A_136] {strides = array<i32>} : memref<32x512xf32, #tpu.memory_space<vmem>>, vector<16xf32>,
        %get3A_138 = arith.index_cast %scan3A_102 : i32 to index
        %get3A_139 = arith.constant 192 : index
        %get3A_140 = tpu.vector_load %arg4[%get3A_138, %get3A_139] {strides = array<i32>} : memref<32x512xf32, #tpu.memory_space<vmem>>, vector<16xf32>,
        %get3A_141 = arith.index_cast %scan3A_102 : i32 to index
        %get3A_142 = arith.constant 208 : index
        %get3A_143 = tpu.vector_load %arg4[%get3A_141, %get3A_142] {strides = array<i32>} : memref<32x512xf32, #tpu.memory_space<vmem>>, vector<16xf32>,
        %get3A_144 = arith.index_cast %scan3A_102 : i32 to index
        %get3A_145 = arith.constant 224 : index
        %get3A_146 = tpu.vector_load %arg4[%get3A_144, %get3A_145] {strides = array<i32>} : memref<32x512xf32, #tpu.memory_space<vmem>>, vector<16xf32>,
        %get3A_147 = arith.index_cast %scan3A_102 : i32 to index
        %get3A_148 = arith.constant 240 : index
        %get3A_149 = tpu.vector_load %arg4[%get3A_147, %get3A_148] {strides = array<i32>} : memref<32x512xf32, #tpu.memory_space<vmem>>, vector<16xf32>,
        %get3A_150 = arith.index_cast %scan3A_102 : i32 to index
        %get3A_151 = arith.constant 256 : index
        %get3A_152 = tpu.vector_load %arg4[%get3A_150, %get3A_151] {strides = array<i32>} : memref<32x512xf32, #tpu.memory_space<vmem>>, vector<16xf32>,
        %get3A_153 = arith.index_cast %scan3A_102 : i32 to index
        %get3A_154 = arith.constant 272 : index
        %get3A_155 = tpu.vector_load %arg4[%get3A_153, %get3A_154] {strides = array<i32>} : memref<32x512xf32, #tpu.memory_space<vmem>>, vector<16xf32>,
        %get3A_156 = arith.index_cast %scan3A_102 : i32 to index
        %get3A_157 = arith.constant 288 : index
        %get3A_158 = tpu.vector_load %arg4[%get3A_156, %get3A_157] {strides = array<i32>} : memref<32x512xf32, #tpu.memory_space<vmem>>, vector<16xf32>,
        %get3A_159 = arith.index_cast %scan3A_102 : i32 to index
        %get3A_160 = arith.constant 304 : index
        %get3A_161 = tpu.vector_load %arg4[%get3A_159, %get3A_160] {strides = array<i32>} : memref<32x512xf32, #tpu.memory_space<vmem>>, vector<16xf32>,
        %get3A_162 = arith.index_cast %scan3A_102 : i32 to index
        %get3A_163 = arith.constant 320 : index
        %get3A_164 = tpu.vector_load %arg4[%get3A_162, %get3A_163] {strides = array<i32>} : memref<32x512xf32, #tpu.memory_space<vmem>>, vector<16xf32>,
        %get3A_165 = arith.index_cast %scan3A_102 : i32 to index
        %get3A_166 = arith.constant 336 : index
        %get3A_167 = tpu.vector_load %arg4[%get3A_165, %get3A_166] {strides = array<i32>} : memref<32x512xf32, #tpu.memory_space<vmem>>, vector<16xf32>,
        %get3A_168 = arith.index_cast %scan3A_102 : i32 to index
        %get3A_169 = arith.constant 352 : index
        %get3A_170 = tpu.vector_load %arg4[%get3A_168, %get3A_169] {strides = array<i32>} : memref<32x512xf32, #tpu.memory_space<vmem>>, vector<16xf32>,
        %get3A_171 = arith.index_cast %scan3A_102 : i32 to index
        %get3A_172 = arith.constant 368 : index
        %get3A_173 = tpu.vector_load %arg4[%get3A_171, %get3A_172] {strides = array<i32>} : memref<32x512xf32, #tpu.memory_space<vmem>>, vector<16xf32>,
        %get3A_174 = arith.index_cast %scan3A_102 : i32 to index
        %get3A_175 = arith.constant 384 : index
        %get3A_176 = tpu.vector_load %arg4[%get3A_174, %get3A_175] {strides = array<i32>} : memref<32x512xf32, #tpu.memory_space<vmem>>, vector<16xf32>,
        %get3A_177 = arith.index_cast %scan3A_102 : i32 to index
        %get3A_178 = arith.constant 400 : index
        %get3A_179 = tpu.vector_load %arg4[%get3A_177, %get3A_178] {strides = array<i32>} : memref<32x512xf32, #tpu.memory_space<vmem>>, vector<16xf32>,
        %get3A_180 = arith.index_cast %scan3A_102 : i32 to index
        %get3A_181 = arith.constant 416 : index
        %get3A_182 = tpu.vector_load %arg4[%get3A_180, %get3A_181] {strides = array<i32>} : memref<32x512xf32, #tpu.memory_space<vmem>>, vector<16xf32>,
        %get3A_183 = arith.index_cast %scan3A_102 : i32 to index
        %get3A_184 = arith.constant 432 : index
        %get3A_185 = tpu.vector_load %arg4[%get3A_183, %get3A_184] {strides = array<i32>} : memref<32x512xf32, #tpu.memory_space<vmem>>, vector<16xf32>,
        %get3A_186 = arith.index_cast %scan3A_102 : i32 to index
        %get3A_187 = arith.constant 448 : index
        %get3A_188 = tpu.vector_load %arg4[%get3A_186, %get3A_187] {strides = array<i32>} : memref<32x512xf32, #tpu.memory_space<vmem>>, vector<16xf32>,
        %get3A_189 = arith.index_cast %scan3A_102 : i32 to index
        %get3A_190 = arith.constant 464 : index
        %get3A_191 = tpu.vector_load %arg4[%get3A_189, %get3A_190] {strides = array<i32>} : memref<32x512xf32, #tpu.memory_space<vmem>>, vector<16xf32>,
        %get3A_192 = arith.index_cast %scan3A_102 : i32 to index
        %get3A_193 = arith.constant 480 : index
        %get3A_194 = tpu.vector_load %arg4[%get3A_192, %get3A_193] {strides = array<i32>} : memref<32x512xf32, #tpu.memory_space<vmem>>, vector<16xf32>,
        %get3A_195 = arith.index_cast %scan3A_102 : i32 to index
        %get3A_196 = arith.constant 496 : index
        %get3A_197 = tpu.vector_load %arg4[%get3A_195, %get3A_196] {strides = array<i32>} : memref<32x512xf32, #tpu.memory_space<vmem>>, vector<16xf32>,
        %mul3A_198 = arith.constant 2.048000e+03 : f32
        %mul3A_199 = vector.broadcast %mul3A_198 : f32 to vector<16xf32>
        %mul3A_200 = arith.mulf %get3A_104, %mul3A_199 : vector<16xf32>
        %convert_element_type3A_201 = arith.fptosi %mul3A_200 : vector<16xf32> to vector<16xi32>
        %min3A = arith.constant 2047 : i32
        %min3A_202 = vector.broadcast %min3A : i32 to vector<16xi32>
        %min3A_203 = arith.minsi %convert_element_type3A_201, %min3A_202 : vector<16xi32>
        %mul3A_204 = arith.constant 2.048000e+03 : f32
        %mul3A_205 = vector.broadcast %mul3A_204 : f32 to vector<16xf32>
        %mul3A_206 = arith.mulf %get3A_107, %mul3A_205 : vector<16xf32>
        %convert_element_type3A_207 = arith.fptosi %mul3A_206 : vector<16xf32> to vector<16xi32>
        %min3A_208 = arith.constant 2047 : i32
        %min3A_209 = vector.broadcast %min3A_208 : i32 to vector<16xi32>
        %min3A_210 = arith.minsi %convert_element_type3A_207, %min3A_209 : vector<16xi32>
        %mul3A_211 = arith.constant 2.048000e+03 : f32
        %mul3A_212 = vector.broadcast %mul3A_211 : f32 to vector<16xf32>
        %mul3A_213 = arith.mulf %get3A_110, %mul3A_212 : vector<16xf32>
        %convert_element_type3A_214 = arith.fptosi %mul3A_213 : vector<16xf32> to vector<16xi32>
        %min3A_215 = arith.constant 2047 : i32
        %min3A_216 = vector.broadcast %min3A_215 : i32 to vector<16xi32>
        %min3A_217 = arith.minsi %convert_element_type3A_214, %min3A_216 : vector<16xi32>
        %mul3A_218 = arith.constant 2.048000e+03 : f32
        %mul3A_219 = vector.broadcast %mul3A_218 : f32 to vector<16xf32>
        %mul3A_220 = arith.mulf %get3A_113, %mul3A_219 : vector<16xf32>
        %convert_element_type3A_221 = arith.fptosi %mul3A_220 : vector<16xf32> to vector<16xi32>
        %min3A_222 = arith.constant 2047 : i32
        %min3A_223 = vector.broadcast %min3A_222 : i32 to vector<16xi32>
        %min3A_224 = arith.minsi %convert_element_type3A_221, %min3A_223 : vector<16xi32>
        %mul3A_225 = arith.constant 2.048000e+03 : f32
        %mul3A_226 = vector.broadcast %mul3A_225 : f32 to vector<16xf32>
        %mul3A_227 = arith.mulf %get3A_116, %mul3A_226 : vector<16xf32>
        %convert_element_type3A_228 = arith.fptosi %mul3A_227 : vector<16xf32> to vector<16xi32>
        %min3A_229 = arith.constant 2047 : i32
        %min3A_230 = vector.broadcast %min3A_229 : i32 to vector<16xi32>
        %min3A_231 = arith.minsi %convert_element_type3A_228, %min3A_230 : vector<16xi32>
        %mul3A_232 = arith.constant 2.048000e+03 : f32
        %mul3A_233 = vector.broadcast %mul3A_232 : f32 to vector<16xf32>
        %mul3A_234 = arith.mulf %get3A_119, %mul3A_233 : vector<16xf32>
        %convert_element_type3A_235 = arith.fptosi %mul3A_234 : vector<16xf32> to vector<16xi32>
        %min3A_236 = arith.constant 2047 : i32
        %min3A_237 = vector.broadcast %min3A_236 : i32 to vector<16xi32>
        %min3A_238 = arith.minsi %convert_element_type3A_235, %min3A_237 : vector<16xi32>
        %mul3A_239 = arith.constant 2.048000e+03 : f32
        %mul3A_240 = vector.broadcast %mul3A_239 : f32 to vector<16xf32>
        %mul3A_241 = arith.mulf %get3A_122, %mul3A_240 : vector<16xf32>
        %convert_element_type3A_242 = arith.fptosi %mul3A_241 : vector<16xf32> to vector<16xi32>
        %min3A_243 = arith.constant 2047 : i32
        %min3A_244 = vector.broadcast %min3A_243 : i32 to vector<16xi32>
        %min3A_245 = arith.minsi %convert_element_type3A_242, %min3A_244 : vector<16xi32>
        %mul3A_246 = arith.constant 2.048000e+03 : f32
        %mul3A_247 = vector.broadcast %mul3A_246 : f32 to vector<16xf32>
        %mul3A_248 = arith.mulf %get3A_125, %mul3A_247 : vector<16xf32>
        %convert_element_type3A_249 = arith.fptosi %mul3A_248 : vector<16xf32> to vector<16xi32>
        %min3A_250 = arith.constant 2047 : i32
        %min3A_251 = vector.broadcast %min3A_250 : i32 to vector<16xi32>
        %min3A_252 = arith.minsi %convert_element_type3A_249, %min3A_251 : vector<16xi32>
        %mul3A_253 = arith.constant 2.048000e+03 : f32
        %mul3A_254 = vector.broadcast %mul3A_253 : f32 to vector<16xf32>
        %mul3A_255 = arith.mulf %get3A_128, %mul3A_254 : vector<16xf32>
        %convert_element_type3A_256 = arith.fptosi %mul3A_255 : vector<16xf32> to vector<16xi32>
        %min3A_257 = arith.constant 2047 : i32
        %min3A_258 = vector.broadcast %min3A_257 : i32 to vector<16xi32>
        %min3A_259 = arith.minsi %convert_element_type3A_256, %min3A_258 : vector<16xi32>
        %mul3A_260 = arith.constant 2.048000e+03 : f32
        %mul3A_261 = vector.broadcast %mul3A_260 : f32 to vector<16xf32>
        %mul3A_262 = arith.mulf %get3A_131, %mul3A_261 : vector<16xf32>
        %convert_element_type3A_263 = arith.fptosi %mul3A_262 : vector<16xf32> to vector<16xi32>
        %min3A_264 = arith.constant 2047 : i32
        %min3A_265 = vector.broadcast %min3A_264 : i32 to vector<16xi32>
        %min3A_266 = arith.minsi %convert_element_type3A_263, %min3A_265 : vector<16xi32>
        %mul3A_267 = arith.constant 2.048000e+03 : f32
        %mul3A_268 = vector.broadcast %mul3A_267 : f32 to vector<16xf32>
        %mul3A_269 = arith.mulf %get3A_134, %mul3A_268 : vector<16xf32>
        %convert_element_type3A_270 = arith.fptosi %mul3A_269 : vector<16xf32> to vector<16xi32>
        %min3A_271 = arith.constant 2047 : i32
        %min3A_272 = vector.broadcast %min3A_271 : i32 to vector<16xi32>
        %min3A_273 = arith.minsi %convert_element_type3A_270, %min3A_272 : vector<16xi32>
        %mul3A_274 = arith.constant 2.048000e+03 : f32
        %mul3A_275 = vector.broadcast %mul3A_274 : f32 to vector<16xf32>
        %mul3A_276 = arith.mulf %get3A_137, %mul3A_275 : vector<16xf32>
        %convert_element_type3A_277 = arith.fptosi %mul3A_276 : vector<16xf32> to vector<16xi32>
        %min3A_278 = arith.constant 2047 : i32
        %min3A_279 = vector.broadcast %min3A_278 : i32 to vector<16xi32>
        %min3A_280 = arith.minsi %convert_element_type3A_277, %min3A_279 : vector<16xi32>
        %mul3A_281 = arith.constant 2.048000e+03 : f32
        %mul3A_282 = vector.broadcast %mul3A_281 : f32 to vector<16xf32>
        %mul3A_283 = arith.mulf %get3A_140, %mul3A_282 : vector<16xf32>
        %convert_element_type3A_284 = arith.fptosi %mul3A_283 : vector<16xf32> to vector<16xi32>
        %min3A_285 = arith.constant 2047 : i32
        %min3A_286 = vector.broadcast %min3A_285 : i32 to vector<16xi32>
        %min3A_287 = arith.minsi %convert_element_type3A_284, %min3A_286 : vector<16xi32>
        %mul3A_288 = arith.constant 2.048000e+03 : f32
        %mul3A_289 = vector.broadcast %mul3A_288 : f32 to vector<16xf32>
        %mul3A_290 = arith.mulf %get3A_143, %mul3A_289 : vector<16xf32>
        %convert_element_type3A_291 = arith.fptosi %mul3A_290 : vector<16xf32> to vector<16xi32>
        %min3A_292 = arith.constant 2047 : i32
        %min3A_293 = vector.broadcast %min3A_292 : i32 to vector<16xi32>
        %min3A_294 = arith.minsi %convert_element_type3A_291, %min3A_293 : vector<16xi32>
        %mul3A_295 = arith.constant 2.048000e+03 : f32
        %mul3A_296 = vector.broadcast %mul3A_295 : f32 to vector<16xf32>
        %mul3A_297 = arith.mulf %get3A_146, %mul3A_296 : vector<16xf32>
        %convert_element_type3A_298 = arith.fptosi %mul3A_297 : vector<16xf32> to vector<16xi32>
        %min3A_299 = arith.constant 2047 : i32
        %min3A_300 = vector.broadcast %min3A_299 : i32 to vector<16xi32>
        %min3A_301 = arith.minsi %convert_element_type3A_298, %min3A_300 : vector<16xi32>
        %mul3A_302 = arith.constant 2.048000e+03 : f32
        %mul3A_303 = vector.broadcast %mul3A_302 : f32 to vector<16xf32>
        %mul3A_304 = arith.mulf %get3A_149, %mul3A_303 : vector<16xf32>
        %convert_element_type3A_305 = arith.fptosi %mul3A_304 : vector<16xf32> to vector<16xi32>
        %min3A_306 = arith.constant 2047 : i32
        %min3A_307 = vector.broadcast %min3A_306 : i32 to vector<16xi32>
        %min3A_308 = arith.minsi %convert_element_type3A_305, %min3A_307 : vector<16xi32>
        %mul3A_309 = arith.constant 2.048000e+03 : f32
        %mul3A_310 = vector.broadcast %mul3A_309 : f32 to vector<16xf32>
        %mul3A_311 = arith.mulf %get3A_152, %mul3A_310 : vector<16xf32>
        %convert_element_type3A_312 = arith.fptosi %mul3A_311 : vector<16xf32> to vector<16xi32>
        %min3A_313 = arith.constant 2047 : i32
        %min3A_314 = vector.broadcast %min3A_313 : i32 to vector<16xi32>
        %min3A_315 = arith.minsi %convert_element_type3A_312, %min3A_314 : vector<16xi32>
        %mul3A_316 = arith.constant 2.048000e+03 : f32
        %mul3A_317 = vector.broadcast %mul3A_316 : f32 to vector<16xf32>
        %mul3A_318 = arith.mulf %get3A_155, %mul3A_317 : vector<16xf32>
        %convert_element_type3A_319 = arith.fptosi %mul3A_318 : vector<16xf32> to vector<16xi32>
        %min3A_320 = arith.constant 2047 : i32
        %min3A_321 = vector.broadcast %min3A_320 : i32 to vector<16xi32>
        %min3A_322 = arith.minsi %convert_element_type3A_319, %min3A_321 : vector<16xi32>
        %mul3A_323 = arith.constant 2.048000e+03 : f32
        %mul3A_324 = vector.broadcast %mul3A_323 : f32 to vector<16xf32>
        %mul3A_325 = arith.mulf %get3A_158, %mul3A_324 : vector<16xf32>
        %convert_element_type3A_326 = arith.fptosi %mul3A_325 : vector<16xf32> to vector<16xi32>
        %min3A_327 = arith.constant 2047 : i32
        %min3A_328 = vector.broadcast %min3A_327 : i32 to vector<16xi32>
        %min3A_329 = arith.minsi %convert_element_type3A_326, %min3A_328 : vector<16xi32>
        %mul3A_330 = arith.constant 2.048000e+03 : f32
        %mul3A_331 = vector.broadcast %mul3A_330 : f32 to vector<16xf32>
        %mul3A_332 = arith.mulf %get3A_161, %mul3A_331 : vector<16xf32>
        %convert_element_type3A_333 = arith.fptosi %mul3A_332 : vector<16xf32> to vector<16xi32>
        %min3A_334 = arith.constant 2047 : i32
        %min3A_335 = vector.broadcast %min3A_334 : i32 to vector<16xi32>
        %min3A_336 = arith.minsi %convert_element_type3A_333, %min3A_335 : vector<16xi32>
        %mul3A_337 = arith.constant 2.048000e+03 : f32
        %mul3A_338 = vector.broadcast %mul3A_337 : f32 to vector<16xf32>
        %mul3A_339 = arith.mulf %get3A_164, %mul3A_338 : vector<16xf32>
        %convert_element_type3A_340 = arith.fptosi %mul3A_339 : vector<16xf32> to vector<16xi32>
        %min3A_341 = arith.constant 2047 : i32
        %min3A_342 = vector.broadcast %min3A_341 : i32 to vector<16xi32>
        %min3A_343 = arith.minsi %convert_element_type3A_340, %min3A_342 : vector<16xi32>
        %mul3A_344 = arith.constant 2.048000e+03 : f32
        %mul3A_345 = vector.broadcast %mul3A_344 : f32 to vector<16xf32>
        %mul3A_346 = arith.mulf %get3A_167, %mul3A_345 : vector<16xf32>
        %convert_element_type3A_347 = arith.fptosi %mul3A_346 : vector<16xf32> to vector<16xi32>
        %min3A_348 = arith.constant 2047 : i32
        %min3A_349 = vector.broadcast %min3A_348 : i32 to vector<16xi32>
        %min3A_350 = arith.minsi %convert_element_type3A_347, %min3A_349 : vector<16xi32>
        %mul3A_351 = arith.constant 2.048000e+03 : f32
        %mul3A_352 = vector.broadcast %mul3A_351 : f32 to vector<16xf32>
        %mul3A_353 = arith.mulf %get3A_170, %mul3A_352 : vector<16xf32>
        %convert_element_type3A_354 = arith.fptosi %mul3A_353 : vector<16xf32> to vector<16xi32>
        %min3A_355 = arith.constant 2047 : i32
        %min3A_356 = vector.broadcast %min3A_355 : i32 to vector<16xi32>
        %min3A_357 = arith.minsi %convert_element_type3A_354, %min3A_356 : vector<16xi32>
        %mul3A_358 = arith.constant 2.048000e+03 : f32
        %mul3A_359 = vector.broadcast %mul3A_358 : f32 to vector<16xf32>
        %mul3A_360 = arith.mulf %get3A_173, %mul3A_359 : vector<16xf32>
        %convert_element_type3A_361 = arith.fptosi %mul3A_360 : vector<16xf32> to vector<16xi32>
        %min3A_362 = arith.constant 2047 : i32
        %min3A_363 = vector.broadcast %min3A_362 : i32 to vector<16xi32>
        %min3A_364 = arith.minsi %convert_element_type3A_361, %min3A_363 : vector<16xi32>
        %mul3A_365 = arith.constant 2.048000e+03 : f32
        %mul3A_366 = vector.broadcast %mul3A_365 : f32 to vector<16xf32>
        %mul3A_367 = arith.mulf %get3A_176, %mul3A_366 : vector<16xf32>
        %convert_element_type3A_368 = arith.fptosi %mul3A_367 : vector<16xf32> to vector<16xi32>
        %min3A_369 = arith.constant 2047 : i32
        %min3A_370 = vector.broadcast %min3A_369 : i32 to vector<16xi32>
        %min3A_371 = arith.minsi %convert_element_type3A_368, %min3A_370 : vector<16xi32>
        %mul3A_372 = arith.constant 2.048000e+03 : f32
        %mul3A_373 = vector.broadcast %mul3A_372 : f32 to vector<16xf32>
        %mul3A_374 = arith.mulf %get3A_179, %mul3A_373 : vector<16xf32>
        %convert_element_type3A_375 = arith.fptosi %mul3A_374 : vector<16xf32> to vector<16xi32>
        %min3A_376 = arith.constant 2047 : i32
        %min3A_377 = vector.broadcast %min3A_376 : i32 to vector<16xi32>
        %min3A_378 = arith.minsi %convert_element_type3A_375, %min3A_377 : vector<16xi32>
        %mul3A_379 = arith.constant 2.048000e+03 : f32
        %mul3A_380 = vector.broadcast %mul3A_379 : f32 to vector<16xf32>
        %mul3A_381 = arith.mulf %get3A_182, %mul3A_380 : vector<16xf32>
        %convert_element_type3A_382 = arith.fptosi %mul3A_381 : vector<16xf32> to vector<16xi32>
        %min3A_383 = arith.constant 2047 : i32
        %min3A_384 = vector.broadcast %min3A_383 : i32 to vector<16xi32>
        %min3A_385 = arith.minsi %convert_element_type3A_382, %min3A_384 : vector<16xi32>
        %mul3A_386 = arith.constant 2.048000e+03 : f32
        %mul3A_387 = vector.broadcast %mul3A_386 : f32 to vector<16xf32>
        %mul3A_388 = arith.mulf %get3A_185, %mul3A_387 : vector<16xf32>
        %convert_element_type3A_389 = arith.fptosi %mul3A_388 : vector<16xf32> to vector<16xi32>
        %min3A_390 = arith.constant 2047 : i32
        %min3A_391 = vector.broadcast %min3A_390 : i32 to vector<16xi32>
        %min3A_392 = arith.minsi %convert_element_type3A_389, %min3A_391 : vector<16xi32>
        %mul3A_393 = arith.constant 2.048000e+03 : f32
        %mul3A_394 = vector.broadcast %mul3A_393 : f32 to vector<16xf32>
        %mul3A_395 = arith.mulf %get3A_188, %mul3A_394 : vector<16xf32>
        %convert_element_type3A_396 = arith.fptosi %mul3A_395 : vector<16xf32> to vector<16xi32>
        %min3A_397 = arith.constant 2047 : i32
        %min3A_398 = vector.broadcast %min3A_397 : i32 to vector<16xi32>
        %min3A_399 = arith.minsi %convert_element_type3A_396, %min3A_398 : vector<16xi32>
        %mul3A_400 = arith.constant 2.048000e+03 : f32
        %mul3A_401 = vector.broadcast %mul3A_400 : f32 to vector<16xf32>
        %mul3A_402 = arith.mulf %get3A_191, %mul3A_401 : vector<16xf32>
        %convert_element_type3A_403 = arith.fptosi %mul3A_402 : vector<16xf32> to vector<16xi32>
        %min3A_404 = arith.constant 2047 : i32
        %min3A_405 = vector.broadcast %min3A_404 : i32 to vector<16xi32>
        %min3A_406 = arith.minsi %convert_element_type3A_403, %min3A_405 : vector<16xi32>
        %mul3A_407 = arith.constant 2.048000e+03 : f32
        %mul3A_408 = vector.broadcast %mul3A_407 : f32 to vector<16xf32>
        %mul3A_409 = arith.mulf %get3A_194, %mul3A_408 : vector<16xf32>
        %convert_element_type3A_410 = arith.fptosi %mul3A_409 : vector<16xf32> to vector<16xi32>
        %min3A_411 = arith.constant 2047 : i32
        %min3A_412 = vector.broadcast %min3A_411 : i32 to vector<16xi32>
        %min3A_413 = arith.minsi %convert_element_type3A_410, %min3A_412 : vector<16xi32>
        %mul3A_414 = arith.constant 2.048000e+03 : f32
        %mul3A_415 = vector.broadcast %mul3A_414 : f32 to vector<16xf32>
        %mul3A_416 = arith.mulf %get3A_197, %mul3A_415 : vector<16xf32>
        %convert_element_type3A_417 = arith.fptosi %mul3A_416 : vector<16xf32> to vector<16xi32>
        %min3A_418 = arith.constant 2047 : i32
        %min3A_419 = vector.broadcast %min3A_418 : i32 to vector<16xi32>
        %min3A_420 = arith.minsi %convert_element_type3A_417, %min3A_419 : vector<16xi32>
        tpu.vector_store_idx %arg6[%min3A_203], %get3A_104 {add = true} : memref<2048xf32, #tpu.memory_space<vmem>>[vector<16xi32>], vector<16xf32>,
        tpu.vector_store_idx %arg6[%min3A_210], %get3A_107 {add = true} : memref<2048xf32, #tpu.memory_space<vmem>>[vector<16xi32>], vector<16xf32>,
        tpu.vector_store_idx %arg6[%min3A_217], %get3A_110 {add = true} : memref<2048xf32, #tpu.memory_space<vmem>>[vector<16xi32>], vector<16xf32>,
        tpu.vector_store_idx %arg6[%min3A_224], %get3A_113 {add = true} : memref<2048xf32, #tpu.memory_space<vmem>>[vector<16xi32>], vector<16xf32>,
        tpu.vector_store_idx %arg6[%min3A_231], %get3A_116 {add = true} : memref<2048xf32, #tpu.memory_space<vmem>>[vector<16xi32>], vector<16xf32>,
        tpu.vector_store_idx %arg6[%min3A_238], %get3A_119 {add = true} : memref<2048xf32, #tpu.memory_space<vmem>>[vector<16xi32>], vector<16xf32>,
        tpu.vector_store_idx %arg6[%min3A_245], %get3A_122 {add = true} : memref<2048xf32, #tpu.memory_space<vmem>>[vector<16xi32>], vector<16xf32>,
        tpu.vector_store_idx %arg6[%min3A_252], %get3A_125 {add = true} : memref<2048xf32, #tpu.memory_space<vmem>>[vector<16xi32>], vector<16xf32>,
        tpu.vector_store_idx %arg6[%min3A_259], %get3A_128 {add = true} : memref<2048xf32, #tpu.memory_space<vmem>>[vector<16xi32>], vector<16xf32>,
        tpu.vector_store_idx %arg6[%min3A_266], %get3A_131 {add = true} : memref<2048xf32, #tpu.memory_space<vmem>>[vector<16xi32>], vector<16xf32>,
        tpu.vector_store_idx %arg6[%min3A_273], %get3A_134 {add = true} : memref<2048xf32, #tpu.memory_space<vmem>>[vector<16xi32>], vector<16xf32>,
        tpu.vector_store_idx %arg6[%min3A_280], %get3A_137 {add = true} : memref<2048xf32, #tpu.memory_space<vmem>>[vector<16xi32>], vector<16xf32>,
        tpu.vector_store_idx %arg6[%min3A_287], %get3A_140 {add = true} : memref<2048xf32, #tpu.memory_space<vmem>>[vector<16xi32>], vector<16xf32>,
        tpu.vector_store_idx %arg6[%min3A_294], %get3A_143 {add = true} : memref<2048xf32, #tpu.memory_space<vmem>>[vector<16xi32>], vector<16xf32>,
        tpu.vector_store_idx %arg6[%min3A_301], %get3A_146 {add = true} : memref<2048xf32, #tpu.memory_space<vmem>>[vector<16xi32>], vector<16xf32>,
        tpu.vector_store_idx %arg6[%min3A_308], %get3A_149 {add = true} : memref<2048xf32, #tpu.memory_space<vmem>>[vector<16xi32>], vector<16xf32>,
        tpu.vector_store_idx %arg6[%min3A_315], %get3A_152 {add = true} : memref<2048xf32, #tpu.memory_space<vmem>>[vector<16xi32>], vector<16xf32>,
        tpu.vector_store_idx %arg6[%min3A_322], %get3A_155 {add = true} : memref<2048xf32, #tpu.memory_space<vmem>>[vector<16xi32>], vector<16xf32>,
        tpu.vector_store_idx %arg6[%min3A_329], %get3A_158 {add = true} : memref<2048xf32, #tpu.memory_space<vmem>>[vector<16xi32>], vector<16xf32>,
        tpu.vector_store_idx %arg6[%min3A_336], %get3A_161 {add = true} : memref<2048xf32, #tpu.memory_space<vmem>>[vector<16xi32>], vector<16xf32>,
        tpu.vector_store_idx %arg6[%min3A_343], %get3A_164 {add = true} : memref<2048xf32, #tpu.memory_space<vmem>>[vector<16xi32>], vector<16xf32>,
        tpu.vector_store_idx %arg6[%min3A_350], %get3A_167 {add = true} : memref<2048xf32, #tpu.memory_space<vmem>>[vector<16xi32>], vector<16xf32>,
        tpu.vector_store_idx %arg6[%min3A_357], %get3A_170 {add = true} : memref<2048xf32, #tpu.memory_space<vmem>>[vector<16xi32>], vector<16xf32>,
        tpu.vector_store_idx %arg6[%min3A_364], %get3A_173 {add = true} : memref<2048xf32, #tpu.memory_space<vmem>>[vector<16xi32>], vector<16xf32>,
        tpu.vector_store_idx %arg6[%min3A_371], %get3A_176 {add = true} : memref<2048xf32, #tpu.memory_space<vmem>>[vector<16xi32>], vector<16xf32>,
        tpu.vector_store_idx %arg6[%min3A_378], %get3A_179 {add = true} : memref<2048xf32, #tpu.memory_space<vmem>>[vector<16xi32>], vector<16xf32>,
        tpu.vector_store_idx %arg6[%min3A_385], %get3A_182 {add = true} : memref<2048xf32, #tpu.memory_space<vmem>>[vector<16xi32>], vector<16xf32>,
        tpu.vector_store_idx %arg6[%min3A_392], %get3A_185 {add = true} : memref<2048xf32, #tpu.memory_space<vmem>>[vector<16xi32>], vector<16xf32>,
        tpu.vector_store_idx %arg6[%min3A_399], %get3A_188 {add = true} : memref<2048xf32, #tpu.memory_space<vmem>>[vector<16xi32>], vector<16xf32>,
        tpu.vector_store_idx %arg6[%min3A_406], %get3A_191 {add = true} : memref<2048xf32, #tpu.memory_space<vmem>>[vector<16xi32>], vector<16xf32>,
        tpu.vector_store_idx %arg6[%min3A_413], %get3A_194 {add = true} : memref<2048xf32, #tpu.memory_space<vmem>>[vector<16xi32>], vector<16xf32>,
        tpu.vector_store_idx %arg6[%min3A_420], %get3A_197 {add = true} : memref<2048xf32, #tpu.memory_space<vmem>>[vector<16xi32>], vector<16xf32>,
      }
      %scan3A_75 = arith.constant 32 : i32
      %mul3A_76 = arith.constant 2 : i32
      %mul3A_77 = arith.muli %mul3A_76, %scan3A_52 : i32
      %add3A_78 = arith.constant 1 : i32
      %add3A_79 = arith.addi %mul3A_77, %add3A_78 : i32
      %mul3A_80 = arith.constant 32 : i32
      %mul3A_81 = arith.muli %add3A_79, %mul3A_80 : i32
      %add3A_82 = arith.addi %mul3A_32, %mul3A_81 : i32
      %dma_wait3A_83 = arith.constant 0 : i32
      %dma_wait3A_84 = tpu.memref_slice %arg2[%select_n3A, %add3A_82, %dma_wait3A_83] : memref<8x512x512xf32, #tpu.memory_space<hbm>> -> memref<1x32x512xf32, #tpu.memory_space<hbm>>
      %dma_wait3A_85 = tpu.memref_squeeze %dma_wait3A_84 : memref<1x32x512xf32, #tpu.memory_space<hbm>> -> memref<32x512xf32, #tpu.memory_space<hbm>>
      %dma_wait3A_86 = arith.constant 0 : i32
      %dma_wait3A_87 = tpu.memref_slice %arg2[%select_n3A, %add3A_82, %dma_wait3A_86] : memref<8x512x512xf32, #tpu.memory_space<hbm>> -> memref<1x32x512xf32, #tpu.memory_space<hbm>>
      %dma_wait3A_88 = tpu.memref_squeeze %dma_wait3A_87 : memref<1x32x512xf32, #tpu.memory_space<hbm>> -> memref<32x512xf32, #tpu.memory_space<hbm>>
      tpu.wait_dma2 semaphore(%arg8 : memref<!tpu.dma_semaphore, #tpu.memory_space<semaphore_mem>>) src(%dma_wait3A_88 : memref<32x512xf32, #tpu.memory_space<hbm>>) dst(%arg5 : memref<32x512xf32, #tpu.memory_space<vmem>>)
      %add3A_89 = arith.constant 1 : i32
      %add3A_90 = arith.addi %add3A_79, %add3A_89 : i32
      %lt3A_91 = arith.constant 4 : i32
      %lt3A_92 = arith.cmpi slt, %add3A_90, %lt3A_91 : i32
      %convert_element_type3A_93 = arith.extui %lt3A_92 : i1 to i32
      %cond3A_94 = arith.constant 0 : i32
      %cond3A_95 = arith.cmpi ne, %convert_element_type3A_93, %cond3A_94 : i32
      scf.if %cond3A_95 {
        %add3A_102 = arith.constant 1 : i32
        %add3A_103 = arith.addi %add3A_79, %add3A_102 : i32
        %mul3A_104 = arith.constant 32 : i32
        %mul3A_105 = arith.muli %add3A_103, %mul3A_104 : i32
        %add3A_106 = arith.addi %mul3A_32, %mul3A_105 : i32
        %dma_start3A_107 = arith.constant 0 : i32
        %dma_start3A_108 = tpu.memref_slice %arg2[%select_n3A, %add3A_106, %dma_start3A_107] : memref<8x512x512xf32, #tpu.memory_space<hbm>> -> memref<1x32x512xf32, #tpu.memory_space<hbm>>
        %dma_start3A_109 = tpu.memref_squeeze %dma_start3A_108 : memref<1x32x512xf32, #tpu.memory_space<hbm>> -> memref<32x512xf32, #tpu.memory_space<hbm>>
        %dma_start3A_110 = arith.constant 0 : i32
        %dma_start3A_111 = tpu.memref_slice %arg2[%select_n3A, %add3A_106, %dma_start3A_110] : memref<8x512x512xf32, #tpu.memory_space<hbm>> -> memref<1x32x512xf32, #tpu.memory_space<hbm>>
        %dma_start3A_112 = tpu.memref_squeeze %dma_start3A_111 : memref<1x32x512xf32, #tpu.memory_space<hbm>> -> memref<32x512xf32, #tpu.memory_space<hbm>>
        tpu.enqueue_dma source(%dma_start3A_112 : memref<32x512xf32, #tpu.memory_space<hbm>>) target(%arg4 : memref<32x512xf32, #tpu.memory_space<vmem>>) target_semaphore(%arg7 : memref<!tpu.dma_semaphore, #tpu.memory_space<semaphore_mem>>)
      } else {
      }
      %scan3A_96 = arith.constant 0 : i32
      %scan3A_97 = arith.constant 0 : i32
      %scan3A_98 = arith.constant 32 : i32
      %scan3A_99 = arith.addi %scan3A_97, %scan3A_98 : i32
      %scan3A_100 = arith.constant 1 : i32
      scf.for %scan3A_102 = %scan3A_97 to %scan3A_99 step %scan3A_100  : i32 {
        %get3A = arith.index_cast %scan3A_102 : i32 to index
        %get3A_103 = arith.constant 0 : index
        %get3A_104 = tpu.vector_load %arg5[%get3A, %get3A_103] {strides = array<i32>} : memref<32x512xf32, #tpu.memory_space<vmem>>, vector<16xf32>,
        %get3A_105 = arith.index_cast %scan3A_102 : i32 to index
        %get3A_106 = arith.constant 16 : index
        %get3A_107 = tpu.vector_load %arg5[%get3A_105, %get3A_106] {strides = array<i32>} : memref<32x512xf32, #tpu.memory_space<vmem>>, vector<16xf32>,
        %get3A_108 = arith.index_cast %scan3A_102 : i32 to index
        %get3A_109 = arith.constant 32 : index
        %get3A_110 = tpu.vector_load %arg5[%get3A_108, %get3A_109] {strides = array<i32>} : memref<32x512xf32, #tpu.memory_space<vmem>>, vector<16xf32>,
        %get3A_111 = arith.index_cast %scan3A_102 : i32 to index
        %get3A_112 = arith.constant 48 : index
        %get3A_113 = tpu.vector_load %arg5[%get3A_111, %get3A_112] {strides = array<i32>} : memref<32x512xf32, #tpu.memory_space<vmem>>, vector<16xf32>,
        %get3A_114 = arith.index_cast %scan3A_102 : i32 to index
        %get3A_115 = arith.constant 64 : index
        %get3A_116 = tpu.vector_load %arg5[%get3A_114, %get3A_115] {strides = array<i32>} : memref<32x512xf32, #tpu.memory_space<vmem>>, vector<16xf32>,
        %get3A_117 = arith.index_cast %scan3A_102 : i32 to index
        %get3A_118 = arith.constant 80 : index
        %get3A_119 = tpu.vector_load %arg5[%get3A_117, %get3A_118] {strides = array<i32>} : memref<32x512xf32, #tpu.memory_space<vmem>>, vector<16xf32>,
        %get3A_120 = arith.index_cast %scan3A_102 : i32 to index
        %get3A_121 = arith.constant 96 : index
        %get3A_122 = tpu.vector_load %arg5[%get3A_120, %get3A_121] {strides = array<i32>} : memref<32x512xf32, #tpu.memory_space<vmem>>, vector<16xf32>,
        %get3A_123 = arith.index_cast %scan3A_102 : i32 to index
        %get3A_124 = arith.constant 112 : index
        %get3A_125 = tpu.vector_load %arg5[%get3A_123, %get3A_124] {strides = array<i32>} : memref<32x512xf32, #tpu.memory_space<vmem>>, vector<16xf32>,
        %get3A_126 = arith.index_cast %scan3A_102 : i32 to index
        %get3A_127 = arith.constant 128 : index
        %get3A_128 = tpu.vector_load %arg5[%get3A_126, %get3A_127] {strides = array<i32>} : memref<32x512xf32, #tpu.memory_space<vmem>>, vector<16xf32>,
        %get3A_129 = arith.index_cast %scan3A_102 : i32 to index
        %get3A_130 = arith.constant 144 : index
        %get3A_131 = tpu.vector_load %arg5[%get3A_129, %get3A_130] {strides = array<i32>} : memref<32x512xf32, #tpu.memory_space<vmem>>, vector<16xf32>,
        %get3A_132 = arith.index_cast %scan3A_102 : i32 to index
        %get3A_133 = arith.constant 160 : index
        %get3A_134 = tpu.vector_load %arg5[%get3A_132, %get3A_133] {strides = array<i32>} : memref<32x512xf32, #tpu.memory_space<vmem>>, vector<16xf32>,
        %get3A_135 = arith.index_cast %scan3A_102 : i32 to index
        %get3A_136 = arith.constant 176 : index
        %get3A_137 = tpu.vector_load %arg5[%get3A_135, %get3A_136] {strides = array<i32>} : memref<32x512xf32, #tpu.memory_space<vmem>>, vector<16xf32>,
        %get3A_138 = arith.index_cast %scan3A_102 : i32 to index
        %get3A_139 = arith.constant 192 : index
        %get3A_140 = tpu.vector_load %arg5[%get3A_138, %get3A_139] {strides = array<i32>} : memref<32x512xf32, #tpu.memory_space<vmem>>, vector<16xf32>,
        %get3A_141 = arith.index_cast %scan3A_102 : i32 to index
        %get3A_142 = arith.constant 208 : index
        %get3A_143 = tpu.vector_load %arg5[%get3A_141, %get3A_142] {strides = array<i32>} : memref<32x512xf32, #tpu.memory_space<vmem>>, vector<16xf32>,
        %get3A_144 = arith.index_cast %scan3A_102 : i32 to index
        %get3A_145 = arith.constant 224 : index
        %get3A_146 = tpu.vector_load %arg5[%get3A_144, %get3A_145] {strides = array<i32>} : memref<32x512xf32, #tpu.memory_space<vmem>>, vector<16xf32>,
        %get3A_147 = arith.index_cast %scan3A_102 : i32 to index
        %get3A_148 = arith.constant 240 : index
        %get3A_149 = tpu.vector_load %arg5[%get3A_147, %get3A_148] {strides = array<i32>} : memref<32x512xf32, #tpu.memory_space<vmem>>, vector<16xf32>,
        %get3A_150 = arith.index_cast %scan3A_102 : i32 to index
        %get3A_151 = arith.constant 256 : index
        %get3A_152 = tpu.vector_load %arg5[%get3A_150, %get3A_151] {strides = array<i32>} : memref<32x512xf32, #tpu.memory_space<vmem>>, vector<16xf32>,
        %get3A_153 = arith.index_cast %scan3A_102 : i32 to index
        %get3A_154 = arith.constant 272 : index
        %get3A_155 = tpu.vector_load %arg5[%get3A_153, %get3A_154] {strides = array<i32>} : memref<32x512xf32, #tpu.memory_space<vmem>>, vector<16xf32>,
        %get3A_156 = arith.index_cast %scan3A_102 : i32 to index
        %get3A_157 = arith.constant 288 : index
        %get3A_158 = tpu.vector_load %arg5[%get3A_156, %get3A_157] {strides = array<i32>} : memref<32x512xf32, #tpu.memory_space<vmem>>, vector<16xf32>,
        %get3A_159 = arith.index_cast %scan3A_102 : i32 to index
        %get3A_160 = arith.constant 304 : index
        %get3A_161 = tpu.vector_load %arg5[%get3A_159, %get3A_160] {strides = array<i32>} : memref<32x512xf32, #tpu.memory_space<vmem>>, vector<16xf32>,
        %get3A_162 = arith.index_cast %scan3A_102 : i32 to index
        %get3A_163 = arith.constant 320 : index
        %get3A_164 = tpu.vector_load %arg5[%get3A_162, %get3A_163] {strides = array<i32>} : memref<32x512xf32, #tpu.memory_space<vmem>>, vector<16xf32>,
        %get3A_165 = arith.index_cast %scan3A_102 : i32 to index
        %get3A_166 = arith.constant 336 : index
        %get3A_167 = tpu.vector_load %arg5[%get3A_165, %get3A_166] {strides = array<i32>} : memref<32x512xf32, #tpu.memory_space<vmem>>, vector<16xf32>,
        %get3A_168 = arith.index_cast %scan3A_102 : i32 to index
        %get3A_169 = arith.constant 352 : index
        %get3A_170 = tpu.vector_load %arg5[%get3A_168, %get3A_169] {strides = array<i32>} : memref<32x512xf32, #tpu.memory_space<vmem>>, vector<16xf32>,
        %get3A_171 = arith.index_cast %scan3A_102 : i32 to index
        %get3A_172 = arith.constant 368 : index
        %get3A_173 = tpu.vector_load %arg5[%get3A_171, %get3A_172] {strides = array<i32>} : memref<32x512xf32, #tpu.memory_space<vmem>>, vector<16xf32>,
        %get3A_174 = arith.index_cast %scan3A_102 : i32 to index
        %get3A_175 = arith.constant 384 : index
        %get3A_176 = tpu.vector_load %arg5[%get3A_174, %get3A_175] {strides = array<i32>} : memref<32x512xf32, #tpu.memory_space<vmem>>, vector<16xf32>,
        %get3A_177 = arith.index_cast %scan3A_102 : i32 to index
        %get3A_178 = arith.constant 400 : index
        %get3A_179 = tpu.vector_load %arg5[%get3A_177, %get3A_178] {strides = array<i32>} : memref<32x512xf32, #tpu.memory_space<vmem>>, vector<16xf32>,
        %get3A_180 = arith.index_cast %scan3A_102 : i32 to index
        %get3A_181 = arith.constant 416 : index
        %get3A_182 = tpu.vector_load %arg5[%get3A_180, %get3A_181] {strides = array<i32>} : memref<32x512xf32, #tpu.memory_space<vmem>>, vector<16xf32>,
        %get3A_183 = arith.index_cast %scan3A_102 : i32 to index
        %get3A_184 = arith.constant 432 : index
        %get3A_185 = tpu.vector_load %arg5[%get3A_183, %get3A_184] {strides = array<i32>} : memref<32x512xf32, #tpu.memory_space<vmem>>, vector<16xf32>,
        %get3A_186 = arith.index_cast %scan3A_102 : i32 to index
        %get3A_187 = arith.constant 448 : index
        %get3A_188 = tpu.vector_load %arg5[%get3A_186, %get3A_187] {strides = array<i32>} : memref<32x512xf32, #tpu.memory_space<vmem>>, vector<16xf32>,
        %get3A_189 = arith.index_cast %scan3A_102 : i32 to index
        %get3A_190 = arith.constant 464 : index
        %get3A_191 = tpu.vector_load %arg5[%get3A_189, %get3A_190] {strides = array<i32>} : memref<32x512xf32, #tpu.memory_space<vmem>>, vector<16xf32>,
        %get3A_192 = arith.index_cast %scan3A_102 : i32 to index
        %get3A_193 = arith.constant 480 : index
        %get3A_194 = tpu.vector_load %arg5[%get3A_192, %get3A_193] {strides = array<i32>} : memref<32x512xf32, #tpu.memory_space<vmem>>, vector<16xf32>,
        %get3A_195 = arith.index_cast %scan3A_102 : i32 to index
        %get3A_196 = arith.constant 496 : index
        %get3A_197 = tpu.vector_load %arg5[%get3A_195, %get3A_196] {strides = array<i32>} : memref<32x512xf32, #tpu.memory_space<vmem>>, vector<16xf32>,
        %mul3A_198 = arith.constant 2.048000e+03 : f32
        %mul3A_199 = vector.broadcast %mul3A_198 : f32 to vector<16xf32>
        %mul3A_200 = arith.mulf %get3A_104, %mul3A_199 : vector<16xf32>
        %convert_element_type3A_201 = arith.fptosi %mul3A_200 : vector<16xf32> to vector<16xi32>
        %min3A = arith.constant 2047 : i32
        %min3A_202 = vector.broadcast %min3A : i32 to vector<16xi32>
        %min3A_203 = arith.minsi %convert_element_type3A_201, %min3A_202 : vector<16xi32>
        %mul3A_204 = arith.constant 2.048000e+03 : f32
        %mul3A_205 = vector.broadcast %mul3A_204 : f32 to vector<16xf32>
        %mul3A_206 = arith.mulf %get3A_107, %mul3A_205 : vector<16xf32>
        %convert_element_type3A_207 = arith.fptosi %mul3A_206 : vector<16xf32> to vector<16xi32>
        %min3A_208 = arith.constant 2047 : i32
        %min3A_209 = vector.broadcast %min3A_208 : i32 to vector<16xi32>
        %min3A_210 = arith.minsi %convert_element_type3A_207, %min3A_209 : vector<16xi32>
        %mul3A_211 = arith.constant 2.048000e+03 : f32
        %mul3A_212 = vector.broadcast %mul3A_211 : f32 to vector<16xf32>
        %mul3A_213 = arith.mulf %get3A_110, %mul3A_212 : vector<16xf32>
        %convert_element_type3A_214 = arith.fptosi %mul3A_213 : vector<16xf32> to vector<16xi32>
        %min3A_215 = arith.constant 2047 : i32
        %min3A_216 = vector.broadcast %min3A_215 : i32 to vector<16xi32>
        %min3A_217 = arith.minsi %convert_element_type3A_214, %min3A_216 : vector<16xi32>
        %mul3A_218 = arith.constant 2.048000e+03 : f32
        %mul3A_219 = vector.broadcast %mul3A_218 : f32 to vector<16xf32>
        %mul3A_220 = arith.mulf %get3A_113, %mul3A_219 : vector<16xf32>
        %convert_element_type3A_221 = arith.fptosi %mul3A_220 : vector<16xf32> to vector<16xi32>
        %min3A_222 = arith.constant 2047 : i32
        %min3A_223 = vector.broadcast %min3A_222 : i32 to vector<16xi32>
        %min3A_224 = arith.minsi %convert_element_type3A_221, %min3A_223 : vector<16xi32>
        %mul3A_225 = arith.constant 2.048000e+03 : f32
        %mul3A_226 = vector.broadcast %mul3A_225 : f32 to vector<16xf32>
        %mul3A_227 = arith.mulf %get3A_116, %mul3A_226 : vector<16xf32>
        %convert_element_type3A_228 = arith.fptosi %mul3A_227 : vector<16xf32> to vector<16xi32>
        %min3A_229 = arith.constant 2047 : i32
        %min3A_230 = vector.broadcast %min3A_229 : i32 to vector<16xi32>
        %min3A_231 = arith.minsi %convert_element_type3A_228, %min3A_230 : vector<16xi32>
        %mul3A_232 = arith.constant 2.048000e+03 : f32
        %mul3A_233 = vector.broadcast %mul3A_232 : f32 to vector<16xf32>
        %mul3A_234 = arith.mulf %get3A_119, %mul3A_233 : vector<16xf32>
        %convert_element_type3A_235 = arith.fptosi %mul3A_234 : vector<16xf32> to vector<16xi32>
        %min3A_236 = arith.constant 2047 : i32
        %min3A_237 = vector.broadcast %min3A_236 : i32 to vector<16xi32>
        %min3A_238 = arith.minsi %convert_element_type3A_235, %min3A_237 : vector<16xi32>
        %mul3A_239 = arith.constant 2.048000e+03 : f32
        %mul3A_240 = vector.broadcast %mul3A_239 : f32 to vector<16xf32>
        %mul3A_241 = arith.mulf %get3A_122, %mul3A_240 : vector<16xf32>
        %convert_element_type3A_242 = arith.fptosi %mul3A_241 : vector<16xf32> to vector<16xi32>
        %min3A_243 = arith.constant 2047 : i32
        %min3A_244 = vector.broadcast %min3A_243 : i32 to vector<16xi32>
        %min3A_245 = arith.minsi %convert_element_type3A_242, %min3A_244 : vector<16xi32>
        %mul3A_246 = arith.constant 2.048000e+03 : f32
        %mul3A_247 = vector.broadcast %mul3A_246 : f32 to vector<16xf32>
        %mul3A_248 = arith.mulf %get3A_125, %mul3A_247 : vector<16xf32>
        %convert_element_type3A_249 = arith.fptosi %mul3A_248 : vector<16xf32> to vector<16xi32>
        %min3A_250 = arith.constant 2047 : i32
        %min3A_251 = vector.broadcast %min3A_250 : i32 to vector<16xi32>
        %min3A_252 = arith.minsi %convert_element_type3A_249, %min3A_251 : vector<16xi32>
        %mul3A_253 = arith.constant 2.048000e+03 : f32
        %mul3A_254 = vector.broadcast %mul3A_253 : f32 to vector<16xf32>
        %mul3A_255 = arith.mulf %get3A_128, %mul3A_254 : vector<16xf32>
        %convert_element_type3A_256 = arith.fptosi %mul3A_255 : vector<16xf32> to vector<16xi32>
        %min3A_257 = arith.constant 2047 : i32
        %min3A_258 = vector.broadcast %min3A_257 : i32 to vector<16xi32>
        %min3A_259 = arith.minsi %convert_element_type3A_256, %min3A_258 : vector<16xi32>
        %mul3A_260 = arith.constant 2.048000e+03 : f32
        %mul3A_261 = vector.broadcast %mul3A_260 : f32 to vector<16xf32>
        %mul3A_262 = arith.mulf %get3A_131, %mul3A_261 : vector<16xf32>
        %convert_element_type3A_263 = arith.fptosi %mul3A_262 : vector<16xf32> to vector<16xi32>
        %min3A_264 = arith.constant 2047 : i32
        %min3A_265 = vector.broadcast %min3A_264 : i32 to vector<16xi32>
        %min3A_266 = arith.minsi %convert_element_type3A_263, %min3A_265 : vector<16xi32>
        %mul3A_267 = arith.constant 2.048000e+03 : f32
        %mul3A_268 = vector.broadcast %mul3A_267 : f32 to vector<16xf32>
        %mul3A_269 = arith.mulf %get3A_134, %mul3A_268 : vector<16xf32>
        %convert_element_type3A_270 = arith.fptosi %mul3A_269 : vector<16xf32> to vector<16xi32>
        %min3A_271 = arith.constant 2047 : i32
        %min3A_272 = vector.broadcast %min3A_271 : i32 to vector<16xi32>
        %min3A_273 = arith.minsi %convert_element_type3A_270, %min3A_272 : vector<16xi32>
        %mul3A_274 = arith.constant 2.048000e+03 : f32
        %mul3A_275 = vector.broadcast %mul3A_274 : f32 to vector<16xf32>
        %mul3A_276 = arith.mulf %get3A_137, %mul3A_275 : vector<16xf32>
        %convert_element_type3A_277 = arith.fptosi %mul3A_276 : vector<16xf32> to vector<16xi32>
        %min3A_278 = arith.constant 2047 : i32
        %min3A_279 = vector.broadcast %min3A_278 : i32 to vector<16xi32>
        %min3A_280 = arith.minsi %convert_element_type3A_277, %min3A_279 : vector<16xi32>
        %mul3A_281 = arith.constant 2.048000e+03 : f32
        %mul3A_282 = vector.broadcast %mul3A_281 : f32 to vector<16xf32>
        %mul3A_283 = arith.mulf %get3A_140, %mul3A_282 : vector<16xf32>
        %convert_element_type3A_284 = arith.fptosi %mul3A_283 : vector<16xf32> to vector<16xi32>
        %min3A_285 = arith.constant 2047 : i32
        %min3A_286 = vector.broadcast %min3A_285 : i32 to vector<16xi32>
        %min3A_287 = arith.minsi %convert_element_type3A_284, %min3A_286 : vector<16xi32>
        %mul3A_288 = arith.constant 2.048000e+03 : f32
        %mul3A_289 = vector.broadcast %mul3A_288 : f32 to vector<16xf32>
        %mul3A_290 = arith.mulf %get3A_143, %mul3A_289 : vector<16xf32>
        %convert_element_type3A_291 = arith.fptosi %mul3A_290 : vector<16xf32> to vector<16xi32>
        %min3A_292 = arith.constant 2047 : i32
        %min3A_293 = vector.broadcast %min3A_292 : i32 to vector<16xi32>
        %min3A_294 = arith.minsi %convert_element_type3A_291, %min3A_293 : vector<16xi32>
        %mul3A_295 = arith.constant 2.048000e+03 : f32
        %mul3A_296 = vector.broadcast %mul3A_295 : f32 to vector<16xf32>
        %mul3A_297 = arith.mulf %get3A_146, %mul3A_296 : vector<16xf32>
        %convert_element_type3A_298 = arith.fptosi %mul3A_297 : vector<16xf32> to vector<16xi32>
        %min3A_299 = arith.constant 2047 : i32
        %min3A_300 = vector.broadcast %min3A_299 : i32 to vector<16xi32>
        %min3A_301 = arith.minsi %convert_element_type3A_298, %min3A_300 : vector<16xi32>
        %mul3A_302 = arith.constant 2.048000e+03 : f32
        %mul3A_303 = vector.broadcast %mul3A_302 : f32 to vector<16xf32>
        %mul3A_304 = arith.mulf %get3A_149, %mul3A_303 : vector<16xf32>
        %convert_element_type3A_305 = arith.fptosi %mul3A_304 : vector<16xf32> to vector<16xi32>
        %min3A_306 = arith.constant 2047 : i32
        %min3A_307 = vector.broadcast %min3A_306 : i32 to vector<16xi32>
        %min3A_308 = arith.minsi %convert_element_type3A_305, %min3A_307 : vector<16xi32>
        %mul3A_309 = arith.constant 2.048000e+03 : f32
        %mul3A_310 = vector.broadcast %mul3A_309 : f32 to vector<16xf32>
        %mul3A_311 = arith.mulf %get3A_152, %mul3A_310 : vector<16xf32>
        %convert_element_type3A_312 = arith.fptosi %mul3A_311 : vector<16xf32> to vector<16xi32>
        %min3A_313 = arith.constant 2047 : i32
        %min3A_314 = vector.broadcast %min3A_313 : i32 to vector<16xi32>
        %min3A_315 = arith.minsi %convert_element_type3A_312, %min3A_314 : vector<16xi32>
        %mul3A_316 = arith.constant 2.048000e+03 : f32
        %mul3A_317 = vector.broadcast %mul3A_316 : f32 to vector<16xf32>
        %mul3A_318 = arith.mulf %get3A_155, %mul3A_317 : vector<16xf32>
        %convert_element_type3A_319 = arith.fptosi %mul3A_318 : vector<16xf32> to vector<16xi32>
        %min3A_320 = arith.constant 2047 : i32
        %min3A_321 = vector.broadcast %min3A_320 : i32 to vector<16xi32>
        %min3A_322 = arith.minsi %convert_element_type3A_319, %min3A_321 : vector<16xi32>
        %mul3A_323 = arith.constant 2.048000e+03 : f32
        %mul3A_324 = vector.broadcast %mul3A_323 : f32 to vector<16xf32>
        %mul3A_325 = arith.mulf %get3A_158, %mul3A_324 : vector<16xf32>
        %convert_element_type3A_326 = arith.fptosi %mul3A_325 : vector<16xf32> to vector<16xi32>
        %min3A_327 = arith.constant 2047 : i32
        %min3A_328 = vector.broadcast %min3A_327 : i32 to vector<16xi32>
        %min3A_329 = arith.minsi %convert_element_type3A_326, %min3A_328 : vector<16xi32>
        %mul3A_330 = arith.constant 2.048000e+03 : f32
        %mul3A_331 = vector.broadcast %mul3A_330 : f32 to vector<16xf32>
        %mul3A_332 = arith.mulf %get3A_161, %mul3A_331 : vector<16xf32>
        %convert_element_type3A_333 = arith.fptosi %mul3A_332 : vector<16xf32> to vector<16xi32>
        %min3A_334 = arith.constant 2047 : i32
        %min3A_335 = vector.broadcast %min3A_334 : i32 to vector<16xi32>
        %min3A_336 = arith.minsi %convert_element_type3A_333, %min3A_335 : vector<16xi32>
        %mul3A_337 = arith.constant 2.048000e+03 : f32
        %mul3A_338 = vector.broadcast %mul3A_337 : f32 to vector<16xf32>
        %mul3A_339 = arith.mulf %get3A_164, %mul3A_338 : vector<16xf32>
        %convert_element_type3A_340 = arith.fptosi %mul3A_339 : vector<16xf32> to vector<16xi32>
        %min3A_341 = arith.constant 2047 : i32
        %min3A_342 = vector.broadcast %min3A_341 : i32 to vector<16xi32>
        %min3A_343 = arith.minsi %convert_element_type3A_340, %min3A_342 : vector<16xi32>
        %mul3A_344 = arith.constant 2.048000e+03 : f32
        %mul3A_345 = vector.broadcast %mul3A_344 : f32 to vector<16xf32>
        %mul3A_346 = arith.mulf %get3A_167, %mul3A_345 : vector<16xf32>
        %convert_element_type3A_347 = arith.fptosi %mul3A_346 : vector<16xf32> to vector<16xi32>
        %min3A_348 = arith.constant 2047 : i32
        %min3A_349 = vector.broadcast %min3A_348 : i32 to vector<16xi32>
        %min3A_350 = arith.minsi %convert_element_type3A_347, %min3A_349 : vector<16xi32>
        %mul3A_351 = arith.constant 2.048000e+03 : f32
        %mul3A_352 = vector.broadcast %mul3A_351 : f32 to vector<16xf32>
        %mul3A_353 = arith.mulf %get3A_170, %mul3A_352 : vector<16xf32>
        %convert_element_type3A_354 = arith.fptosi %mul3A_353 : vector<16xf32> to vector<16xi32>
        %min3A_355 = arith.constant 2047 : i32
        %min3A_356 = vector.broadcast %min3A_355 : i32 to vector<16xi32>
        %min3A_357 = arith.minsi %convert_element_type3A_354, %min3A_356 : vector<16xi32>
        %mul3A_358 = arith.constant 2.048000e+03 : f32
        %mul3A_359 = vector.broadcast %mul3A_358 : f32 to vector<16xf32>
        %mul3A_360 = arith.mulf %get3A_173, %mul3A_359 : vector<16xf32>
        %convert_element_type3A_361 = arith.fptosi %mul3A_360 : vector<16xf32> to vector<16xi32>
        %min3A_362 = arith.constant 2047 : i32
        %min3A_363 = vector.broadcast %min3A_362 : i32 to vector<16xi32>
        %min3A_364 = arith.minsi %convert_element_type3A_361, %min3A_363 : vector<16xi32>
        %mul3A_365 = arith.constant 2.048000e+03 : f32
        %mul3A_366 = vector.broadcast %mul3A_365 : f32 to vector<16xf32>
        %mul3A_367 = arith.mulf %get3A_176, %mul3A_366 : vector<16xf32>
        %convert_element_type3A_368 = arith.fptosi %mul3A_367 : vector<16xf32> to vector<16xi32>
        %min3A_369 = arith.constant 2047 : i32
        %min3A_370 = vector.broadcast %min3A_369 : i32 to vector<16xi32>
        %min3A_371 = arith.minsi %convert_element_type3A_368, %min3A_370 : vector<16xi32>
        %mul3A_372 = arith.constant 2.048000e+03 : f32
        %mul3A_373 = vector.broadcast %mul3A_372 : f32 to vector<16xf32>
        %mul3A_374 = arith.mulf %get3A_179, %mul3A_373 : vector<16xf32>
        %convert_element_type3A_375 = arith.fptosi %mul3A_374 : vector<16xf32> to vector<16xi32>
        %min3A_376 = arith.constant 2047 : i32
        %min3A_377 = vector.broadcast %min3A_376 : i32 to vector<16xi32>
        %min3A_378 = arith.minsi %convert_element_type3A_375, %min3A_377 : vector<16xi32>
        %mul3A_379 = arith.constant 2.048000e+03 : f32
        %mul3A_380 = vector.broadcast %mul3A_379 : f32 to vector<16xf32>
        %mul3A_381 = arith.mulf %get3A_182, %mul3A_380 : vector<16xf32>
        %convert_element_type3A_382 = arith.fptosi %mul3A_381 : vector<16xf32> to vector<16xi32>
        %min3A_383 = arith.constant 2047 : i32
        %min3A_384 = vector.broadcast %min3A_383 : i32 to vector<16xi32>
        %min3A_385 = arith.minsi %convert_element_type3A_382, %min3A_384 : vector<16xi32>
        %mul3A_386 = arith.constant 2.048000e+03 : f32
        %mul3A_387 = vector.broadcast %mul3A_386 : f32 to vector<16xf32>
        %mul3A_388 = arith.mulf %get3A_185, %mul3A_387 : vector<16xf32>
        %convert_element_type3A_389 = arith.fptosi %mul3A_388 : vector<16xf32> to vector<16xi32>
        %min3A_390 = arith.constant 2047 : i32
        %min3A_391 = vector.broadcast %min3A_390 : i32 to vector<16xi32>
        %min3A_392 = arith.minsi %convert_element_type3A_389, %min3A_391 : vector<16xi32>
        %mul3A_393 = arith.constant 2.048000e+03 : f32
        %mul3A_394 = vector.broadcast %mul3A_393 : f32 to vector<16xf32>
        %mul3A_395 = arith.mulf %get3A_188, %mul3A_394 : vector<16xf32>
        %convert_element_type3A_396 = arith.fptosi %mul3A_395 : vector<16xf32> to vector<16xi32>
        %min3A_397 = arith.constant 2047 : i32
        %min3A_398 = vector.broadcast %min3A_397 : i32 to vector<16xi32>
        %min3A_399 = arith.minsi %convert_element_type3A_396, %min3A_398 : vector<16xi32>
        %mul3A_400 = arith.constant 2.048000e+03 : f32
        %mul3A_401 = vector.broadcast %mul3A_400 : f32 to vector<16xf32>
        %mul3A_402 = arith.mulf %get3A_191, %mul3A_401 : vector<16xf32>
        %convert_element_type3A_403 = arith.fptosi %mul3A_402 : vector<16xf32> to vector<16xi32>
        %min3A_404 = arith.constant 2047 : i32
        %min3A_405 = vector.broadcast %min3A_404 : i32 to vector<16xi32>
        %min3A_406 = arith.minsi %convert_element_type3A_403, %min3A_405 : vector<16xi32>
        %mul3A_407 = arith.constant 2.048000e+03 : f32
        %mul3A_408 = vector.broadcast %mul3A_407 : f32 to vector<16xf32>
        %mul3A_409 = arith.mulf %get3A_194, %mul3A_408 : vector<16xf32>
        %convert_element_type3A_410 = arith.fptosi %mul3A_409 : vector<16xf32> to vector<16xi32>
        %min3A_411 = arith.constant 2047 : i32
        %min3A_412 = vector.broadcast %min3A_411 : i32 to vector<16xi32>
        %min3A_413 = arith.minsi %convert_element_type3A_410, %min3A_412 : vector<16xi32>
        %mul3A_414 = arith.constant 2.048000e+03 : f32
        %mul3A_415 = vector.broadcast %mul3A_414 : f32 to vector<16xf32>
        %mul3A_416 = arith.mulf %get3A_197, %mul3A_415 : vector<16xf32>
        %convert_element_type3A_417 = arith.fptosi %mul3A_416 : vector<16xf32> to vector<16xi32>
        %min3A_418 = arith.constant 2047 : i32
        %min3A_419 = vector.broadcast %min3A_418 : i32 to vector<16xi32>
        %min3A_420 = arith.minsi %convert_element_type3A_417, %min3A_419 : vector<16xi32>
        tpu.vector_store_idx %arg6[%min3A_203], %get3A_104 {add = true} : memref<2048xf32, #tpu.memory_space<vmem>>[vector<16xi32>], vector<16xf32>,
        tpu.vector_store_idx %arg6[%min3A_210], %get3A_107 {add = true} : memref<2048xf32, #tpu.memory_space<vmem>>[vector<16xi32>], vector<16xf32>,
        tpu.vector_store_idx %arg6[%min3A_217], %get3A_110 {add = true} : memref<2048xf32, #tpu.memory_space<vmem>>[vector<16xi32>], vector<16xf32>,
        tpu.vector_store_idx %arg6[%min3A_224], %get3A_113 {add = true} : memref<2048xf32, #tpu.memory_space<vmem>>[vector<16xi32>], vector<16xf32>,
        tpu.vector_store_idx %arg6[%min3A_231], %get3A_116 {add = true} : memref<2048xf32, #tpu.memory_space<vmem>>[vector<16xi32>], vector<16xf32>,
        tpu.vector_store_idx %arg6[%min3A_238], %get3A_119 {add = true} : memref<2048xf32, #tpu.memory_space<vmem>>[vector<16xi32>], vector<16xf32>,
        tpu.vector_store_idx %arg6[%min3A_245], %get3A_122 {add = true} : memref<2048xf32, #tpu.memory_space<vmem>>[vector<16xi32>], vector<16xf32>,
        tpu.vector_store_idx %arg6[%min3A_252], %get3A_125 {add = true} : memref<2048xf32, #tpu.memory_space<vmem>>[vector<16xi32>], vector<16xf32>,
        tpu.vector_store_idx %arg6[%min3A_259], %get3A_128 {add = true} : memref<2048xf32, #tpu.memory_space<vmem>>[vector<16xi32>], vector<16xf32>,
        tpu.vector_store_idx %arg6[%min3A_266], %get3A_131 {add = true} : memref<2048xf32, #tpu.memory_space<vmem>>[vector<16xi32>], vector<16xf32>,
        tpu.vector_store_idx %arg6[%min3A_273], %get3A_134 {add = true} : memref<2048xf32, #tpu.memory_space<vmem>>[vector<16xi32>], vector<16xf32>,
        tpu.vector_store_idx %arg6[%min3A_280], %get3A_137 {add = true} : memref<2048xf32, #tpu.memory_space<vmem>>[vector<16xi32>], vector<16xf32>,
        tpu.vector_store_idx %arg6[%min3A_287], %get3A_140 {add = true} : memref<2048xf32, #tpu.memory_space<vmem>>[vector<16xi32>], vector<16xf32>,
        tpu.vector_store_idx %arg6[%min3A_294], %get3A_143 {add = true} : memref<2048xf32, #tpu.memory_space<vmem>>[vector<16xi32>], vector<16xf32>,
        tpu.vector_store_idx %arg6[%min3A_301], %get3A_146 {add = true} : memref<2048xf32, #tpu.memory_space<vmem>>[vector<16xi32>], vector<16xf32>,
        tpu.vector_store_idx %arg6[%min3A_308], %get3A_149 {add = true} : memref<2048xf32, #tpu.memory_space<vmem>>[vector<16xi32>], vector<16xf32>,
        tpu.vector_store_idx %arg6[%min3A_315], %get3A_152 {add = true} : memref<2048xf32, #tpu.memory_space<vmem>>[vector<16xi32>], vector<16xf32>,
        tpu.vector_store_idx %arg6[%min3A_322], %get3A_155 {add = true} : memref<2048xf32, #tpu.memory_space<vmem>>[vector<16xi32>], vector<16xf32>,
        tpu.vector_store_idx %arg6[%min3A_329], %get3A_158 {add = true} : memref<2048xf32, #tpu.memory_space<vmem>>[vector<16xi32>], vector<16xf32>,
        tpu.vector_store_idx %arg6[%min3A_336], %get3A_161 {add = true} : memref<2048xf32, #tpu.memory_space<vmem>>[vector<16xi32>], vector<16xf32>,
        tpu.vector_store_idx %arg6[%min3A_343], %get3A_164 {add = true} : memref<2048xf32, #tpu.memory_space<vmem>>[vector<16xi32>], vector<16xf32>,
        tpu.vector_store_idx %arg6[%min3A_350], %get3A_167 {add = true} : memref<2048xf32, #tpu.memory_space<vmem>>[vector<16xi32>], vector<16xf32>,
        tpu.vector_store_idx %arg6[%min3A_357], %get3A_170 {add = true} : memref<2048xf32, #tpu.memory_space<vmem>>[vector<16xi32>], vector<16xf32>,
        tpu.vector_store_idx %arg6[%min3A_364], %get3A_173 {add = true} : memref<2048xf32, #tpu.memory_space<vmem>>[vector<16xi32>], vector<16xf32>,
        tpu.vector_store_idx %arg6[%min3A_371], %get3A_176 {add = true} : memref<2048xf32, #tpu.memory_space<vmem>>[vector<16xi32>], vector<16xf32>,
        tpu.vector_store_idx %arg6[%min3A_378], %get3A_179 {add = true} : memref<2048xf32, #tpu.memory_space<vmem>>[vector<16xi32>], vector<16xf32>,
        tpu.vector_store_idx %arg6[%min3A_385], %get3A_182 {add = true} : memref<2048xf32, #tpu.memory_space<vmem>>[vector<16xi32>], vector<16xf32>,
        tpu.vector_store_idx %arg6[%min3A_392], %get3A_185 {add = true} : memref<2048xf32, #tpu.memory_space<vmem>>[vector<16xi32>], vector<16xf32>,
        tpu.vector_store_idx %arg6[%min3A_399], %get3A_188 {add = true} : memref<2048xf32, #tpu.memory_space<vmem>>[vector<16xi32>], vector<16xf32>,
        tpu.vector_store_idx %arg6[%min3A_406], %get3A_191 {add = true} : memref<2048xf32, #tpu.memory_space<vmem>>[vector<16xi32>], vector<16xf32>,
        tpu.vector_store_idx %arg6[%min3A_413], %get3A_194 {add = true} : memref<2048xf32, #tpu.memory_space<vmem>>[vector<16xi32>], vector<16xf32>,
        tpu.vector_store_idx %arg6[%min3A_420], %get3A_197 {add = true} : memref<2048xf32, #tpu.memory_space<vmem>>[vector<16xi32>], vector<16xf32>,
      }
      %scan3A_101 = arith.constant 32 : i32
    }
    %scan3A_51 = arith.constant 2 : i32
    "tpu.region"() ({
      %run_scoped3A = tpu.sem_alloc : memref<!tpu.dma_semaphore, #tpu.memory_space<semaphore_mem>>
      %dma_start3A_52 = arith.constant 0 : i32
      %dma_start3A_53 = tpu.memref_slice %arg3[%add3A, %dma_start3A_52] : memref<32x2048xf32, #tpu.memory_space<hbm>> -> memref<1x2048xf32, #tpu.memory_space<hbm>>
      %dma_start3A_54 = tpu.memref_squeeze %dma_start3A_53 : memref<1x2048xf32, #tpu.memory_space<hbm>> -> memref<2048xf32, #tpu.memory_space<hbm>>
      %dma_start3A_55 = arith.constant 0 : i32
      %dma_start3A_56 = tpu.memref_slice %arg3[%add3A, %dma_start3A_55] : memref<32x2048xf32, #tpu.memory_space<hbm>> -> memref<1x2048xf32, #tpu.memory_space<hbm>>
      %dma_start3A_57 = tpu.memref_squeeze %dma_start3A_56 : memref<1x2048xf32, #tpu.memory_space<hbm>> -> memref<2048xf32, #tpu.memory_space<hbm>>
      tpu.enqueue_dma source(%arg6 : memref<2048xf32, #tpu.memory_space<vmem>>) target(%dma_start3A_57 : memref<2048xf32, #tpu.memory_space<hbm>>) target_semaphore(%run_scoped3A : memref<!tpu.dma_semaphore, #tpu.memory_space<semaphore_mem>>)
      %dma_wait3A = arith.constant 0 : i32
      %dma_wait3A_58 = tpu.memref_slice %arg3[%add3A, %dma_wait3A] : memref<32x2048xf32, #tpu.memory_space<hbm>> -> memref<1x2048xf32, #tpu.memory_space<hbm>>
      %dma_wait3A_59 = tpu.memref_squeeze %dma_wait3A_58 : memref<1x2048xf32, #tpu.memory_space<hbm>> -> memref<2048xf32, #tpu.memory_space<hbm>>
      %dma_wait3A_60 = arith.constant 0 : i32
      %dma_wait3A_61 = tpu.memref_slice %arg3[%add3A, %dma_wait3A_60] : memref<32x2048xf32, #tpu.memory_space<hbm>> -> memref<1x2048xf32, #tpu.memory_space<hbm>>
      %dma_wait3A_62 = tpu.memref_squeeze %dma_wait3A_61 : memref<1x2048xf32, #tpu.memory_space<hbm>> -> memref<2048xf32, #tpu.memory_space<hbm>>
      tpu.wait_dma2 semaphore(%run_scoped3A : memref<!tpu.dma_semaphore, #tpu.memory_space<semaphore_mem>>) src(%arg6 : memref<2048xf32, #tpu.memory_space<vmem>>) dst(%dma_wait3A_62 : memref<2048xf32, #tpu.memory_space<hbm>>)
      tpu.yield
    }) : () -> ()
    return
  }
}

#map = affine_map<(d0, d1) -> (0, 0, 0)>
#map1 = affine_map<(d0, d1) -> (0, 0)>
module attributes {stable_mosaic.version = 14 : i64} {
  func.func @sc_hist_half(%arg0: i32, %arg1: i32, %arg2: memref<8x512x512xf32, #tpu.memory_space<hbm>>, %arg3: memref<32x2048xf32, #tpu.memory_space<hbm>>, %arg4: memref<32x512xf32, #tpu.memory_space<vmem>>, %arg5: memref<32x512xf32, #tpu.memory_space<vmem>>, %arg6: memref<2048xf32, #tpu.memory_space<vmem>>, %arg7: memref<!tpu.dma_semaphore, #tpu.memory_space<semaphore_mem>>, %arg8: memref<!tpu.dma_semaphore, #tpu.memory_space<semaphore_mem>>) attributes {dimension_semantics = [#tpu.dimension_semantics<core_parallel>, #tpu.dimension_semantics<subcore_parallel>], iteration_bounds = array<i64: 2, 16>, scalar_prefetch = 0 : i64, scratch_operands = 5 : i64, tpu.core_type = #tpu.core_type<sc_vector_subcore>, window_params = [{transform_indices = #map}, {transform_indices = #map1}]} {
    %mul3A = arith.constant 2 : i32
    %mul3A_0 = arith.muli %arg1, %mul3A : i32
    %add3A = arith.addi %mul3A_0, %arg0 : i32
    %jit3A = arith.constant 4 : i32
    %div3A = arith.divsi %add3A, %jit3A : i32
    %sign3A = arith.constant 0 : i32
    %sign3A_1 = arith.cmpi sgt, %add3A, %sign3A : i32
    %sign3A_2 = arith.extui %sign3A_1 : i1 to i32
    %sign3A_3 = arith.constant 0 : i32
    %sign3A_4 = arith.cmpi slt, %add3A, %sign3A_3 : i32
    %sign3A_5 = arith.extui %sign3A_4 : i1 to i32
    %sign3A_6 = arith.subi %sign3A_2, %sign3A_5 : i32
    %sign3A_7 = arith.constant 0 : i32
    %sign3A_8 = arith.cmpi sgt, %jit3A, %sign3A_7 : i32
    %sign3A_9 = arith.extui %sign3A_8 : i1 to i32
    %sign3A_10 = arith.constant 0 : i32
    %sign3A_11 = arith.cmpi slt, %jit3A, %sign3A_10 : i32
    %sign3A_12 = arith.extui %sign3A_11 : i1 to i32
    %sign3A_13 = arith.subi %sign3A_9, %sign3A_12 : i32
    %ne3A = arith.cmpi ne, %sign3A_6, %sign3A_13 : i32
    %rem3A = arith.remsi %add3A, %jit3A : i32
    %ne3A_14 = arith.constant 0 : i32
    %ne3A_15 = arith.cmpi ne, %rem3A, %ne3A_14 : i32
    %and3A = arith.andi %ne3A, %ne3A_15 : i1
    %sub3A = arith.constant 1 : i32
    %sub3A_16 = arith.subi %div3A, %sub3A : i32
    %select_n3A = arith.select %and3A, %sub3A_16, %div3A : i32
    %jit3A_17 = arith.constant 4 : i32
    %eq3A = arith.constant 0 : i32
    %eq3A_18 = arith.cmpi eq, %jit3A_17, %eq3A : i32
    %jit3A_19 = arith.constant 1 : i32
    %select_n3A_20 = arith.select %eq3A_18, %jit3A_19, %jit3A_17 : i32
    %rem3A_21 = arith.remsi %add3A, %select_n3A_20 : i32
    %ne3A_22 = arith.constant 0 : i32
    %ne3A_23 = arith.cmpi ne, %rem3A_21, %ne3A_22 : i32
    %lt3A = arith.constant 0 : i32
    %lt3A_24 = arith.cmpi slt, %rem3A_21, %lt3A : i32
    %lt3A_25 = arith.constant 0 : i32
    %lt3A_26 = arith.cmpi slt, %select_n3A_20, %lt3A_25 : i32
    %ne3A_27 = arith.xori %lt3A_24, %lt3A_26 : i1
    %and3A_28 = arith.andi %ne3A_27, %ne3A_23 : i1
    %add3A_29 = arith.addi %rem3A_21, %select_n3A_20 : i32
    %select_n3A_30 = arith.select %and3A_28, %add3A_29, %rem3A_21 : i32
    %mul3A_31 = arith.constant 128 : i32
    %mul3A_32 = arith.muli %select_n3A_30, %mul3A_31 : i32
    %broadcast_in_dim3A = arith.constant 0.000000e+00 : f32
    %broadcast_in_dim3A_33 = vector.broadcast %broadcast_in_dim3A : f32 to vector<16xf32>
    %add3A_34 = arith.constant 0 : i32
    %add3A_35 = arith.addi %mul3A_32, %add3A_34 : i32
    %dma_start3A = arith.constant 0 : i32
    %dma_start3A_36 = tpu.memref_slice %arg2[%select_n3A, %add3A_35, %dma_start3A] : memref<8x512x512xf32, #tpu.memory_space<hbm>> -> memref<1x32x512xf32, #tpu.memory_space<hbm>>
    %dma_start3A_37 = tpu.memref_squeeze %dma_start3A_36 : memref<1x32x512xf32, #tpu.memory_space<hbm>> -> memref<32x512xf32, #tpu.memory_space<hbm>>
    %dma_start3A_38 = arith.constant 0 : i32
    %dma_start3A_39 = tpu.memref_slice %arg2[%select_n3A, %add3A_35, %dma_start3A_38] : memref<8x512x512xf32, #tpu.memory_space<hbm>> -> memref<1x32x512xf32, #tpu.memory_space<hbm>>
    %dma_start3A_40 = tpu.memref_squeeze %dma_start3A_39 : memref<1x32x512xf32, #tpu.memory_space<hbm>> -> memref<32x512xf32, #tpu.memory_space<hbm>>
    tpu.enqueue_dma source(%dma_start3A_40 : memref<32x512xf32, #tpu.memory_space<hbm>>) target(%arg4 : memref<32x512xf32, #tpu.memory_space<vmem>>) target_semaphore(%arg7 : memref<!tpu.dma_semaphore, #tpu.memory_space<semaphore_mem>>)
    %scan3A = arith.constant 0 : i32
    %scan3A_41 = arith.constant 0 : i32
    %scan3A_42 = arith.constant 128 : i32
    %scan3A_43 = arith.addi %scan3A_41, %scan3A_42 : i32
    %scan3A_44 = arith.constant 1 : i32
    scf.for %scan3A_52 = %scan3A_41 to %scan3A_43 step %scan3A_44  : i32 {
      %mul3A_53 = arith.constant 16 : i32
      %mul3A_54 = arith.muli %scan3A_52, %mul3A_53 : i32
      %swap3A = arith.index_cast %mul3A_54 : i32 to index
      %swap3A_55 = tpu.vector_load %arg6[%swap3A] {strides = array<i32>} : memref<2048xf32, #tpu.memory_space<vmem>>, vector<16xf32>,
      tpu.vector_store %arg6[%swap3A], %broadcast_in_dim3A_33 {strides = array<i32>} : memref<2048xf32, #tpu.memory_space<vmem>>, vector<16xf32>,
    }
    %scan3A_45 = arith.constant 128 : i32
    %scan3A_46 = arith.constant 0 : i32
    %scan3A_47 = arith.constant 0 : i32
    %scan3A_48 = arith.constant 2 : i32
    %scan3A_49 = arith.addi %scan3A_47, %scan3A_48 : i32
    %scan3A_50 = arith.constant 1 : i32
    scf.for %scan3A_52 = %scan3A_47 to %scan3A_49 step %scan3A_50  : i32 {
      %mul3A_53 = arith.constant 2 : i32
      %mul3A_54 = arith.muli %mul3A_53, %scan3A_52 : i32
      %add3A_55 = arith.constant 0 : i32
      %add3A_56 = arith.addi %mul3A_54, %add3A_55 : i32
      %mul3A_57 = arith.constant 32 : i32
      %mul3A_58 = arith.muli %add3A_56, %mul3A_57 : i32
      %add3A_59 = arith.addi %mul3A_32, %mul3A_58 : i32
      %dma_wait3A = arith.constant 0 : i32
      %dma_wait3A_60 = tpu.memref_slice %arg2[%select_n3A, %add3A_59, %dma_wait3A] : memref<8x512x512xf32, #tpu.memory_space<hbm>> -> memref<1x32x512xf32, #tpu.memory_space<hbm>>
      %dma_wait3A_61 = tpu.memref_squeeze %dma_wait3A_60 : memref<1x32x512xf32, #tpu.memory_space<hbm>> -> memref<32x512xf32, #tpu.memory_space<hbm>>
      %dma_wait3A_62 = arith.constant 0 : i32
      %dma_wait3A_63 = tpu.memref_slice %arg2[%select_n3A, %add3A_59, %dma_wait3A_62] : memref<8x512x512xf32, #tpu.memory_space<hbm>> -> memref<1x32x512xf32, #tpu.memory_space<hbm>>
      %dma_wait3A_64 = tpu.memref_squeeze %dma_wait3A_63 : memref<1x32x512xf32, #tpu.memory_space<hbm>> -> memref<32x512xf32, #tpu.memory_space<hbm>>
      tpu.wait_dma2 semaphore(%arg7 : memref<!tpu.dma_semaphore, #tpu.memory_space<semaphore_mem>>) src(%dma_wait3A_64 : memref<32x512xf32, #tpu.memory_space<hbm>>) dst(%arg4 : memref<32x512xf32, #tpu.memory_space<vmem>>)
      %add3A_65 = arith.constant 1 : i32
      %add3A_66 = arith.addi %add3A_56, %add3A_65 : i32
      %lt3A_67 = arith.constant 4 : i32
      %lt3A_68 = arith.cmpi slt, %add3A_66, %lt3A_67 : i32
      %convert_element_type3A = arith.extui %lt3A_68 : i1 to i32
      %cond3A = arith.constant 0 : i32
      %cond3A_69 = arith.cmpi ne, %convert_element_type3A, %cond3A : i32
      scf.if %cond3A_69 {
        %add3A_102 = arith.constant 1 : i32
        %add3A_103 = arith.addi %add3A_56, %add3A_102 : i32
        %mul3A_104 = arith.constant 32 : i32
        %mul3A_105 = arith.muli %add3A_103, %mul3A_104 : i32
        %add3A_106 = arith.addi %mul3A_32, %mul3A_105 : i32
        %dma_start3A_107 = arith.constant 0 : i32
        %dma_start3A_108 = tpu.memref_slice %arg2[%select_n3A, %add3A_106, %dma_start3A_107] : memref<8x512x512xf32, #tpu.memory_space<hbm>> -> memref<1x32x512xf32, #tpu.memory_space<hbm>>
        %dma_start3A_109 = tpu.memref_squeeze %dma_start3A_108 : memref<1x32x512xf32, #tpu.memory_space<hbm>> -> memref<32x512xf32, #tpu.memory_space<hbm>>
        %dma_start3A_110 = arith.constant 0 : i32
        %dma_start3A_111 = tpu.memref_slice %arg2[%select_n3A, %add3A_106, %dma_start3A_110] : memref<8x512x512xf32, #tpu.memory_space<hbm>> -> memref<1x32x512xf32, #tpu.memory_space<hbm>>
        %dma_start3A_112 = tpu.memref_squeeze %dma_start3A_111 : memref<1x32x512xf32, #tpu.memory_space<hbm>> -> memref<32x512xf32, #tpu.memory_space<hbm>>
        tpu.enqueue_dma source(%dma_start3A_112 : memref<32x512xf32, #tpu.memory_space<hbm>>) target(%arg5 : memref<32x512xf32, #tpu.memory_space<vmem>>) target_semaphore(%arg8 : memref<!tpu.dma_semaphore, #tpu.memory_space<semaphore_mem>>)
      } else {
      }
      %scan3A_70 = arith.constant 0 : i32
      %scan3A_71 = arith.constant 0 : i32
      %scan3A_72 = arith.constant 32 : i32
      %scan3A_73 = arith.addi %scan3A_71, %scan3A_72 : i32
      %scan3A_74 = arith.constant 1 : i32
      scf.for %scan3A_102 = %scan3A_71 to %scan3A_73 step %scan3A_74  : i32 {
        %get3A = arith.index_cast %scan3A_102 : i32 to index
        %get3A_103 = arith.constant 0 : index
        %get3A_104 = tpu.vector_load %arg4[%get3A, %get3A_103] {strides = array<i32>} : memref<32x512xf32, #tpu.memory_space<vmem>>, vector<16xf32>,
        %get3A_105 = arith.index_cast %scan3A_102 : i32 to index
        %get3A_106 = arith.constant 16 : index
        %get3A_107 = tpu.vector_load %arg4[%get3A_105, %get3A_106] {strides = array<i32>} : memref<32x512xf32, #tpu.memory_space<vmem>>, vector<16xf32>,
        %get3A_108 = arith.index_cast %scan3A_102 : i32 to index
        %get3A_109 = arith.constant 32 : index
        %get3A_110 = tpu.vector_load %arg4[%get3A_108, %get3A_109] {strides = array<i32>} : memref<32x512xf32, #tpu.memory_space<vmem>>, vector<16xf32>,
        %get3A_111 = arith.index_cast %scan3A_102 : i32 to index
        %get3A_112 = arith.constant 48 : index
        %get3A_113 = tpu.vector_load %arg4[%get3A_111, %get3A_112] {strides = array<i32>} : memref<32x512xf32, #tpu.memory_space<vmem>>, vector<16xf32>,
        %get3A_114 = arith.index_cast %scan3A_102 : i32 to index
        %get3A_115 = arith.constant 64 : index
        %get3A_116 = tpu.vector_load %arg4[%get3A_114, %get3A_115] {strides = array<i32>} : memref<32x512xf32, #tpu.memory_space<vmem>>, vector<16xf32>,
        %get3A_117 = arith.index_cast %scan3A_102 : i32 to index
        %get3A_118 = arith.constant 80 : index
        %get3A_119 = tpu.vector_load %arg4[%get3A_117, %get3A_118] {strides = array<i32>} : memref<32x512xf32, #tpu.memory_space<vmem>>, vector<16xf32>,
        %get3A_120 = arith.index_cast %scan3A_102 : i32 to index
        %get3A_121 = arith.constant 96 : index
        %get3A_122 = tpu.vector_load %arg4[%get3A_120, %get3A_121] {strides = array<i32>} : memref<32x512xf32, #tpu.memory_space<vmem>>, vector<16xf32>,
        %get3A_123 = arith.index_cast %scan3A_102 : i32 to index
        %get3A_124 = arith.constant 112 : index
        %get3A_125 = tpu.vector_load %arg4[%get3A_123, %get3A_124] {strides = array<i32>} : memref<32x512xf32, #tpu.memory_space<vmem>>, vector<16xf32>,
        %get3A_126 = arith.index_cast %scan3A_102 : i32 to index
        %get3A_127 = arith.constant 128 : index
        %get3A_128 = tpu.vector_load %arg4[%get3A_126, %get3A_127] {strides = array<i32>} : memref<32x512xf32, #tpu.memory_space<vmem>>, vector<16xf32>,
        %get3A_129 = arith.index_cast %scan3A_102 : i32 to index
        %get3A_130 = arith.constant 144 : index
        %get3A_131 = tpu.vector_load %arg4[%get3A_129, %get3A_130] {strides = array<i32>} : memref<32x512xf32, #tpu.memory_space<vmem>>, vector<16xf32>,
        %get3A_132 = arith.index_cast %scan3A_102 : i32 to index
        %get3A_133 = arith.constant 160 : index
        %get3A_134 = tpu.vector_load %arg4[%get3A_132, %get3A_133] {strides = array<i32>} : memref<32x512xf32, #tpu.memory_space<vmem>>, vector<16xf32>,
        %get3A_135 = arith.index_cast %scan3A_102 : i32 to index
        %get3A_136 = arith.constant 176 : index
        %get3A_137 = tpu.vector_load %arg4[%get3A_135, %get3A_136] {strides = array<i32>} : memref<32x512xf32, #tpu.memory_space<vmem>>, vector<16xf32>,
        %get3A_138 = arith.index_cast %scan3A_102 : i32 to index
        %get3A_139 = arith.constant 192 : index
        %get3A_140 = tpu.vector_load %arg4[%get3A_138, %get3A_139] {strides = array<i32>} : memref<32x512xf32, #tpu.memory_space<vmem>>, vector<16xf32>,
        %get3A_141 = arith.index_cast %scan3A_102 : i32 to index
        %get3A_142 = arith.constant 208 : index
        %get3A_143 = tpu.vector_load %arg4[%get3A_141, %get3A_142] {strides = array<i32>} : memref<32x512xf32, #tpu.memory_space<vmem>>, vector<16xf32>,
        %get3A_144 = arith.index_cast %scan3A_102 : i32 to index
        %get3A_145 = arith.constant 224 : index
        %get3A_146 = tpu.vector_load %arg4[%get3A_144, %get3A_145] {strides = array<i32>} : memref<32x512xf32, #tpu.memory_space<vmem>>, vector<16xf32>,
        %get3A_147 = arith.index_cast %scan3A_102 : i32 to index
        %get3A_148 = arith.constant 240 : index
        %get3A_149 = tpu.vector_load %arg4[%get3A_147, %get3A_148] {strides = array<i32>} : memref<32x512xf32, #tpu.memory_space<vmem>>, vector<16xf32>,
        %get3A_150 = arith.index_cast %scan3A_102 : i32 to index
        %get3A_151 = arith.constant 256 : index
        %get3A_152 = tpu.vector_load %arg4[%get3A_150, %get3A_151] {strides = array<i32>} : memref<32x512xf32, #tpu.memory_space<vmem>>, vector<16xf32>,
        %get3A_153 = arith.index_cast %scan3A_102 : i32 to index
        %get3A_154 = arith.constant 272 : index
        %get3A_155 = tpu.vector_load %arg4[%get3A_153, %get3A_154] {strides = array<i32>} : memref<32x512xf32, #tpu.memory_space<vmem>>, vector<16xf32>,
        %get3A_156 = arith.index_cast %scan3A_102 : i32 to index
        %get3A_157 = arith.constant 288 : index
        %get3A_158 = tpu.vector_load %arg4[%get3A_156, %get3A_157] {strides = array<i32>} : memref<32x512xf32, #tpu.memory_space<vmem>>, vector<16xf32>,
        %get3A_159 = arith.index_cast %scan3A_102 : i32 to index
        %get3A_160 = arith.constant 304 : index
        %get3A_161 = tpu.vector_load %arg4[%get3A_159, %get3A_160] {strides = array<i32>} : memref<32x512xf32, #tpu.memory_space<vmem>>, vector<16xf32>,
        %get3A_162 = arith.index_cast %scan3A_102 : i32 to index
        %get3A_163 = arith.constant 320 : index
        %get3A_164 = tpu.vector_load %arg4[%get3A_162, %get3A_163] {strides = array<i32>} : memref<32x512xf32, #tpu.memory_space<vmem>>, vector<16xf32>,
        %get3A_165 = arith.index_cast %scan3A_102 : i32 to index
        %get3A_166 = arith.constant 336 : index
        %get3A_167 = tpu.vector_load %arg4[%get3A_165, %get3A_166] {strides = array<i32>} : memref<32x512xf32, #tpu.memory_space<vmem>>, vector<16xf32>,
        %get3A_168 = arith.index_cast %scan3A_102 : i32 to index
        %get3A_169 = arith.constant 352 : index
        %get3A_170 = tpu.vector_load %arg4[%get3A_168, %get3A_169] {strides = array<i32>} : memref<32x512xf32, #tpu.memory_space<vmem>>, vector<16xf32>,
        %get3A_171 = arith.index_cast %scan3A_102 : i32 to index
        %get3A_172 = arith.constant 368 : index
        %get3A_173 = tpu.vector_load %arg4[%get3A_171, %get3A_172] {strides = array<i32>} : memref<32x512xf32, #tpu.memory_space<vmem>>, vector<16xf32>,
        %get3A_174 = arith.index_cast %scan3A_102 : i32 to index
        %get3A_175 = arith.constant 384 : index
        %get3A_176 = tpu.vector_load %arg4[%get3A_174, %get3A_175] {strides = array<i32>} : memref<32x512xf32, #tpu.memory_space<vmem>>, vector<16xf32>,
        %get3A_177 = arith.index_cast %scan3A_102 : i32 to index
        %get3A_178 = arith.constant 400 : index
        %get3A_179 = tpu.vector_load %arg4[%get3A_177, %get3A_178] {strides = array<i32>} : memref<32x512xf32, #tpu.memory_space<vmem>>, vector<16xf32>,
        %get3A_180 = arith.index_cast %scan3A_102 : i32 to index
        %get3A_181 = arith.constant 416 : index
        %get3A_182 = tpu.vector_load %arg4[%get3A_180, %get3A_181] {strides = array<i32>} : memref<32x512xf32, #tpu.memory_space<vmem>>, vector<16xf32>,
        %get3A_183 = arith.index_cast %scan3A_102 : i32 to index
        %get3A_184 = arith.constant 432 : index
        %get3A_185 = tpu.vector_load %arg4[%get3A_183, %get3A_184] {strides = array<i32>} : memref<32x512xf32, #tpu.memory_space<vmem>>, vector<16xf32>,
        %get3A_186 = arith.index_cast %scan3A_102 : i32 to index
        %get3A_187 = arith.constant 448 : index
        %get3A_188 = tpu.vector_load %arg4[%get3A_186, %get3A_187] {strides = array<i32>} : memref<32x512xf32, #tpu.memory_space<vmem>>, vector<16xf32>,
        %get3A_189 = arith.index_cast %scan3A_102 : i32 to index
        %get3A_190 = arith.constant 464 : index
        %get3A_191 = tpu.vector_load %arg4[%get3A_189, %get3A_190] {strides = array<i32>} : memref<32x512xf32, #tpu.memory_space<vmem>>, vector<16xf32>,
        %get3A_192 = arith.index_cast %scan3A_102 : i32 to index
        %get3A_193 = arith.constant 480 : index
        %get3A_194 = tpu.vector_load %arg4[%get3A_192, %get3A_193] {strides = array<i32>} : memref<32x512xf32, #tpu.memory_space<vmem>>, vector<16xf32>,
        %get3A_195 = arith.index_cast %scan3A_102 : i32 to index
        %get3A_196 = arith.constant 496 : index
        %get3A_197 = tpu.vector_load %arg4[%get3A_195, %get3A_196] {strides = array<i32>} : memref<32x512xf32, #tpu.memory_space<vmem>>, vector<16xf32>,
        %mul3A_198 = arith.constant 2.048000e+03 : f32
        %mul3A_199 = vector.broadcast %mul3A_198 : f32 to vector<16xf32>
        %mul3A_200 = arith.mulf %get3A_104, %mul3A_199 : vector<16xf32>
        %convert_element_type3A_201 = arith.fptosi %mul3A_200 : vector<16xf32> to vector<16xi32>
        %min3A = arith.constant 2047 : i32
        %min3A_202 = vector.broadcast %min3A : i32 to vector<16xi32>
        %min3A_203 = arith.minsi %convert_element_type3A_201, %min3A_202 : vector<16xi32>
        %mul3A_204 = arith.constant 2.048000e+03 : f32
        %mul3A_205 = vector.broadcast %mul3A_204 : f32 to vector<16xf32>
        %mul3A_206 = arith.mulf %get3A_107, %mul3A_205 : vector<16xf32>
        %convert_element_type3A_207 = arith.fptosi %mul3A_206 : vector<16xf32> to vector<16xi32>
        %min3A_208 = arith.constant 2047 : i32
        %min3A_209 = vector.broadcast %min3A_208 : i32 to vector<16xi32>
        %min3A_210 = arith.minsi %convert_element_type3A_207, %min3A_209 : vector<16xi32>
        %mul3A_211 = arith.constant 2.048000e+03 : f32
        %mul3A_212 = vector.broadcast %mul3A_211 : f32 to vector<16xf32>
        %mul3A_213 = arith.mulf %get3A_110, %mul3A_212 : vector<16xf32>
        %convert_element_type3A_214 = arith.fptosi %mul3A_213 : vector<16xf32> to vector<16xi32>
        %min3A_215 = arith.constant 2047 : i32
        %min3A_216 = vector.broadcast %min3A_215 : i32 to vector<16xi32>
        %min3A_217 = arith.minsi %convert_element_type3A_214, %min3A_216 : vector<16xi32>
        %mul3A_218 = arith.constant 2.048000e+03 : f32
        %mul3A_219 = vector.broadcast %mul3A_218 : f32 to vector<16xf32>
        %mul3A_220 = arith.mulf %get3A_113, %mul3A_219 : vector<16xf32>
        %convert_element_type3A_221 = arith.fptosi %mul3A_220 : vector<16xf32> to vector<16xi32>
        %min3A_222 = arith.constant 2047 : i32
        %min3A_223 = vector.broadcast %min3A_222 : i32 to vector<16xi32>
        %min3A_224 = arith.minsi %convert_element_type3A_221, %min3A_223 : vector<16xi32>
        %mul3A_225 = arith.constant 2.048000e+03 : f32
        %mul3A_226 = vector.broadcast %mul3A_225 : f32 to vector<16xf32>
        %mul3A_227 = arith.mulf %get3A_116, %mul3A_226 : vector<16xf32>
        %convert_element_type3A_228 = arith.fptosi %mul3A_227 : vector<16xf32> to vector<16xi32>
        %min3A_229 = arith.constant 2047 : i32
        %min3A_230 = vector.broadcast %min3A_229 : i32 to vector<16xi32>
        %min3A_231 = arith.minsi %convert_element_type3A_228, %min3A_230 : vector<16xi32>
        %mul3A_232 = arith.constant 2.048000e+03 : f32
        %mul3A_233 = vector.broadcast %mul3A_232 : f32 to vector<16xf32>
        %mul3A_234 = arith.mulf %get3A_119, %mul3A_233 : vector<16xf32>
        %convert_element_type3A_235 = arith.fptosi %mul3A_234 : vector<16xf32> to vector<16xi32>
        %min3A_236 = arith.constant 2047 : i32
        %min3A_237 = vector.broadcast %min3A_236 : i32 to vector<16xi32>
        %min3A_238 = arith.minsi %convert_element_type3A_235, %min3A_237 : vector<16xi32>
        %mul3A_239 = arith.constant 2.048000e+03 : f32
        %mul3A_240 = vector.broadcast %mul3A_239 : f32 to vector<16xf32>
        %mul3A_241 = arith.mulf %get3A_122, %mul3A_240 : vector<16xf32>
        %convert_element_type3A_242 = arith.fptosi %mul3A_241 : vector<16xf32> to vector<16xi32>
        %min3A_243 = arith.constant 2047 : i32
        %min3A_244 = vector.broadcast %min3A_243 : i32 to vector<16xi32>
        %min3A_245 = arith.minsi %convert_element_type3A_242, %min3A_244 : vector<16xi32>
        %mul3A_246 = arith.constant 2.048000e+03 : f32
        %mul3A_247 = vector.broadcast %mul3A_246 : f32 to vector<16xf32>
        %mul3A_248 = arith.mulf %get3A_125, %mul3A_247 : vector<16xf32>
        %convert_element_type3A_249 = arith.fptosi %mul3A_248 : vector<16xf32> to vector<16xi32>
        %min3A_250 = arith.constant 2047 : i32
        %min3A_251 = vector.broadcast %min3A_250 : i32 to vector<16xi32>
        %min3A_252 = arith.minsi %convert_element_type3A_249, %min3A_251 : vector<16xi32>
        %mul3A_253 = arith.constant 2.048000e+03 : f32
        %mul3A_254 = vector.broadcast %mul3A_253 : f32 to vector<16xf32>
        %mul3A_255 = arith.mulf %get3A_128, %mul3A_254 : vector<16xf32>
        %convert_element_type3A_256 = arith.fptosi %mul3A_255 : vector<16xf32> to vector<16xi32>
        %min3A_257 = arith.constant 2047 : i32
        %min3A_258 = vector.broadcast %min3A_257 : i32 to vector<16xi32>
        %min3A_259 = arith.minsi %convert_element_type3A_256, %min3A_258 : vector<16xi32>
        %mul3A_260 = arith.constant 2.048000e+03 : f32
        %mul3A_261 = vector.broadcast %mul3A_260 : f32 to vector<16xf32>
        %mul3A_262 = arith.mulf %get3A_131, %mul3A_261 : vector<16xf32>
        %convert_element_type3A_263 = arith.fptosi %mul3A_262 : vector<16xf32> to vector<16xi32>
        %min3A_264 = arith.constant 2047 : i32
        %min3A_265 = vector.broadcast %min3A_264 : i32 to vector<16xi32>
        %min3A_266 = arith.minsi %convert_element_type3A_263, %min3A_265 : vector<16xi32>
        %mul3A_267 = arith.constant 2.048000e+03 : f32
        %mul3A_268 = vector.broadcast %mul3A_267 : f32 to vector<16xf32>
        %mul3A_269 = arith.mulf %get3A_134, %mul3A_268 : vector<16xf32>
        %convert_element_type3A_270 = arith.fptosi %mul3A_269 : vector<16xf32> to vector<16xi32>
        %min3A_271 = arith.constant 2047 : i32
        %min3A_272 = vector.broadcast %min3A_271 : i32 to vector<16xi32>
        %min3A_273 = arith.minsi %convert_element_type3A_270, %min3A_272 : vector<16xi32>
        %mul3A_274 = arith.constant 2.048000e+03 : f32
        %mul3A_275 = vector.broadcast %mul3A_274 : f32 to vector<16xf32>
        %mul3A_276 = arith.mulf %get3A_137, %mul3A_275 : vector<16xf32>
        %convert_element_type3A_277 = arith.fptosi %mul3A_276 : vector<16xf32> to vector<16xi32>
        %min3A_278 = arith.constant 2047 : i32
        %min3A_279 = vector.broadcast %min3A_278 : i32 to vector<16xi32>
        %min3A_280 = arith.minsi %convert_element_type3A_277, %min3A_279 : vector<16xi32>
        %mul3A_281 = arith.constant 2.048000e+03 : f32
        %mul3A_282 = vector.broadcast %mul3A_281 : f32 to vector<16xf32>
        %mul3A_283 = arith.mulf %get3A_140, %mul3A_282 : vector<16xf32>
        %convert_element_type3A_284 = arith.fptosi %mul3A_283 : vector<16xf32> to vector<16xi32>
        %min3A_285 = arith.constant 2047 : i32
        %min3A_286 = vector.broadcast %min3A_285 : i32 to vector<16xi32>
        %min3A_287 = arith.minsi %convert_element_type3A_284, %min3A_286 : vector<16xi32>
        %mul3A_288 = arith.constant 2.048000e+03 : f32
        %mul3A_289 = vector.broadcast %mul3A_288 : f32 to vector<16xf32>
        %mul3A_290 = arith.mulf %get3A_143, %mul3A_289 : vector<16xf32>
        %convert_element_type3A_291 = arith.fptosi %mul3A_290 : vector<16xf32> to vector<16xi32>
        %min3A_292 = arith.constant 2047 : i32
        %min3A_293 = vector.broadcast %min3A_292 : i32 to vector<16xi32>
        %min3A_294 = arith.minsi %convert_element_type3A_291, %min3A_293 : vector<16xi32>
        %mul3A_295 = arith.constant 2.048000e+03 : f32
        %mul3A_296 = vector.broadcast %mul3A_295 : f32 to vector<16xf32>
        %mul3A_297 = arith.mulf %get3A_146, %mul3A_296 : vector<16xf32>
        %convert_element_type3A_298 = arith.fptosi %mul3A_297 : vector<16xf32> to vector<16xi32>
        %min3A_299 = arith.constant 2047 : i32
        %min3A_300 = vector.broadcast %min3A_299 : i32 to vector<16xi32>
        %min3A_301 = arith.minsi %convert_element_type3A_298, %min3A_300 : vector<16xi32>
        %mul3A_302 = arith.constant 2.048000e+03 : f32
        %mul3A_303 = vector.broadcast %mul3A_302 : f32 to vector<16xf32>
        %mul3A_304 = arith.mulf %get3A_149, %mul3A_303 : vector<16xf32>
        %convert_element_type3A_305 = arith.fptosi %mul3A_304 : vector<16xf32> to vector<16xi32>
        %min3A_306 = arith.constant 2047 : i32
        %min3A_307 = vector.broadcast %min3A_306 : i32 to vector<16xi32>
        %min3A_308 = arith.minsi %convert_element_type3A_305, %min3A_307 : vector<16xi32>
        %mul3A_309 = arith.constant 2.048000e+03 : f32
        %mul3A_310 = vector.broadcast %mul3A_309 : f32 to vector<16xf32>
        %mul3A_311 = arith.mulf %get3A_152, %mul3A_310 : vector<16xf32>
        %convert_element_type3A_312 = arith.fptosi %mul3A_311 : vector<16xf32> to vector<16xi32>
        %min3A_313 = arith.constant 2047 : i32
        %min3A_314 = vector.broadcast %min3A_313 : i32 to vector<16xi32>
        %min3A_315 = arith.minsi %convert_element_type3A_312, %min3A_314 : vector<16xi32>
        %mul3A_316 = arith.constant 2.048000e+03 : f32
        %mul3A_317 = vector.broadcast %mul3A_316 : f32 to vector<16xf32>
        %mul3A_318 = arith.mulf %get3A_155, %mul3A_317 : vector<16xf32>
        %convert_element_type3A_319 = arith.fptosi %mul3A_318 : vector<16xf32> to vector<16xi32>
        %min3A_320 = arith.constant 2047 : i32
        %min3A_321 = vector.broadcast %min3A_320 : i32 to vector<16xi32>
        %min3A_322 = arith.minsi %convert_element_type3A_319, %min3A_321 : vector<16xi32>
        %mul3A_323 = arith.constant 2.048000e+03 : f32
        %mul3A_324 = vector.broadcast %mul3A_323 : f32 to vector<16xf32>
        %mul3A_325 = arith.mulf %get3A_158, %mul3A_324 : vector<16xf32>
        %convert_element_type3A_326 = arith.fptosi %mul3A_325 : vector<16xf32> to vector<16xi32>
        %min3A_327 = arith.constant 2047 : i32
        %min3A_328 = vector.broadcast %min3A_327 : i32 to vector<16xi32>
        %min3A_329 = arith.minsi %convert_element_type3A_326, %min3A_328 : vector<16xi32>
        %mul3A_330 = arith.constant 2.048000e+03 : f32
        %mul3A_331 = vector.broadcast %mul3A_330 : f32 to vector<16xf32>
        %mul3A_332 = arith.mulf %get3A_161, %mul3A_331 : vector<16xf32>
        %convert_element_type3A_333 = arith.fptosi %mul3A_332 : vector<16xf32> to vector<16xi32>
        %min3A_334 = arith.constant 2047 : i32
        %min3A_335 = vector.broadcast %min3A_334 : i32 to vector<16xi32>
        %min3A_336 = arith.minsi %convert_element_type3A_333, %min3A_335 : vector<16xi32>
        %mul3A_337 = arith.constant 2.048000e+03 : f32
        %mul3A_338 = vector.broadcast %mul3A_337 : f32 to vector<16xf32>
        %mul3A_339 = arith.mulf %get3A_164, %mul3A_338 : vector<16xf32>
        %convert_element_type3A_340 = arith.fptosi %mul3A_339 : vector<16xf32> to vector<16xi32>
        %min3A_341 = arith.constant 2047 : i32
        %min3A_342 = vector.broadcast %min3A_341 : i32 to vector<16xi32>
        %min3A_343 = arith.minsi %convert_element_type3A_340, %min3A_342 : vector<16xi32>
        %mul3A_344 = arith.constant 2.048000e+03 : f32
        %mul3A_345 = vector.broadcast %mul3A_344 : f32 to vector<16xf32>
        %mul3A_346 = arith.mulf %get3A_167, %mul3A_345 : vector<16xf32>
        %convert_element_type3A_347 = arith.fptosi %mul3A_346 : vector<16xf32> to vector<16xi32>
        %min3A_348 = arith.constant 2047 : i32
        %min3A_349 = vector.broadcast %min3A_348 : i32 to vector<16xi32>
        %min3A_350 = arith.minsi %convert_element_type3A_347, %min3A_349 : vector<16xi32>
        %mul3A_351 = arith.constant 2.048000e+03 : f32
        %mul3A_352 = vector.broadcast %mul3A_351 : f32 to vector<16xf32>
        %mul3A_353 = arith.mulf %get3A_170, %mul3A_352 : vector<16xf32>
        %convert_element_type3A_354 = arith.fptosi %mul3A_353 : vector<16xf32> to vector<16xi32>
        %min3A_355 = arith.constant 2047 : i32
        %min3A_356 = vector.broadcast %min3A_355 : i32 to vector<16xi32>
        %min3A_357 = arith.minsi %convert_element_type3A_354, %min3A_356 : vector<16xi32>
        %mul3A_358 = arith.constant 2.048000e+03 : f32
        %mul3A_359 = vector.broadcast %mul3A_358 : f32 to vector<16xf32>
        %mul3A_360 = arith.mulf %get3A_173, %mul3A_359 : vector<16xf32>
        %convert_element_type3A_361 = arith.fptosi %mul3A_360 : vector<16xf32> to vector<16xi32>
        %min3A_362 = arith.constant 2047 : i32
        %min3A_363 = vector.broadcast %min3A_362 : i32 to vector<16xi32>
        %min3A_364 = arith.minsi %convert_element_type3A_361, %min3A_363 : vector<16xi32>
        %mul3A_365 = arith.constant 2.048000e+03 : f32
        %mul3A_366 = vector.broadcast %mul3A_365 : f32 to vector<16xf32>
        %mul3A_367 = arith.mulf %get3A_176, %mul3A_366 : vector<16xf32>
        %convert_element_type3A_368 = arith.fptosi %mul3A_367 : vector<16xf32> to vector<16xi32>
        %min3A_369 = arith.constant 2047 : i32
        %min3A_370 = vector.broadcast %min3A_369 : i32 to vector<16xi32>
        %min3A_371 = arith.minsi %convert_element_type3A_368, %min3A_370 : vector<16xi32>
        %mul3A_372 = arith.constant 2.048000e+03 : f32
        %mul3A_373 = vector.broadcast %mul3A_372 : f32 to vector<16xf32>
        %mul3A_374 = arith.mulf %get3A_179, %mul3A_373 : vector<16xf32>
        %convert_element_type3A_375 = arith.fptosi %mul3A_374 : vector<16xf32> to vector<16xi32>
        %min3A_376 = arith.constant 2047 : i32
        %min3A_377 = vector.broadcast %min3A_376 : i32 to vector<16xi32>
        %min3A_378 = arith.minsi %convert_element_type3A_375, %min3A_377 : vector<16xi32>
        %mul3A_379 = arith.constant 2.048000e+03 : f32
        %mul3A_380 = vector.broadcast %mul3A_379 : f32 to vector<16xf32>
        %mul3A_381 = arith.mulf %get3A_182, %mul3A_380 : vector<16xf32>
        %convert_element_type3A_382 = arith.fptosi %mul3A_381 : vector<16xf32> to vector<16xi32>
        %min3A_383 = arith.constant 2047 : i32
        %min3A_384 = vector.broadcast %min3A_383 : i32 to vector<16xi32>
        %min3A_385 = arith.minsi %convert_element_type3A_382, %min3A_384 : vector<16xi32>
        %mul3A_386 = arith.constant 2.048000e+03 : f32
        %mul3A_387 = vector.broadcast %mul3A_386 : f32 to vector<16xf32>
        %mul3A_388 = arith.mulf %get3A_185, %mul3A_387 : vector<16xf32>
        %convert_element_type3A_389 = arith.fptosi %mul3A_388 : vector<16xf32> to vector<16xi32>
        %min3A_390 = arith.constant 2047 : i32
        %min3A_391 = vector.broadcast %min3A_390 : i32 to vector<16xi32>
        %min3A_392 = arith.minsi %convert_element_type3A_389, %min3A_391 : vector<16xi32>
        %mul3A_393 = arith.constant 2.048000e+03 : f32
        %mul3A_394 = vector.broadcast %mul3A_393 : f32 to vector<16xf32>
        %mul3A_395 = arith.mulf %get3A_188, %mul3A_394 : vector<16xf32>
        %convert_element_type3A_396 = arith.fptosi %mul3A_395 : vector<16xf32> to vector<16xi32>
        %min3A_397 = arith.constant 2047 : i32
        %min3A_398 = vector.broadcast %min3A_397 : i32 to vector<16xi32>
        %min3A_399 = arith.minsi %convert_element_type3A_396, %min3A_398 : vector<16xi32>
        %mul3A_400 = arith.constant 2.048000e+03 : f32
        %mul3A_401 = vector.broadcast %mul3A_400 : f32 to vector<16xf32>
        %mul3A_402 = arith.mulf %get3A_191, %mul3A_401 : vector<16xf32>
        %convert_element_type3A_403 = arith.fptosi %mul3A_402 : vector<16xf32> to vector<16xi32>
        %min3A_404 = arith.constant 2047 : i32
        %min3A_405 = vector.broadcast %min3A_404 : i32 to vector<16xi32>
        %min3A_406 = arith.minsi %convert_element_type3A_403, %min3A_405 : vector<16xi32>
        %mul3A_407 = arith.constant 2.048000e+03 : f32
        %mul3A_408 = vector.broadcast %mul3A_407 : f32 to vector<16xf32>
        %mul3A_409 = arith.mulf %get3A_194, %mul3A_408 : vector<16xf32>
        %convert_element_type3A_410 = arith.fptosi %mul3A_409 : vector<16xf32> to vector<16xi32>
        %min3A_411 = arith.constant 2047 : i32
        %min3A_412 = vector.broadcast %min3A_411 : i32 to vector<16xi32>
        %min3A_413 = arith.minsi %convert_element_type3A_410, %min3A_412 : vector<16xi32>
        %mul3A_414 = arith.constant 2.048000e+03 : f32
        %mul3A_415 = vector.broadcast %mul3A_414 : f32 to vector<16xf32>
        %mul3A_416 = arith.mulf %get3A_197, %mul3A_415 : vector<16xf32>
        %convert_element_type3A_417 = arith.fptosi %mul3A_416 : vector<16xf32> to vector<16xi32>
        %min3A_418 = arith.constant 2047 : i32
        %min3A_419 = vector.broadcast %min3A_418 : i32 to vector<16xi32>
        %min3A_420 = arith.minsi %convert_element_type3A_417, %min3A_419 : vector<16xi32>
        tpu.vector_store_idx %arg6[%min3A_203], %get3A_104 {add = true} : memref<2048xf32, #tpu.memory_space<vmem>>[vector<16xi32>], vector<16xf32>,
        tpu.vector_store_idx %arg6[%min3A_210], %get3A_107 {add = true} : memref<2048xf32, #tpu.memory_space<vmem>>[vector<16xi32>], vector<16xf32>,
        tpu.vector_store_idx %arg6[%min3A_217], %get3A_110 {add = true} : memref<2048xf32, #tpu.memory_space<vmem>>[vector<16xi32>], vector<16xf32>,
        tpu.vector_store_idx %arg6[%min3A_224], %get3A_113 {add = true} : memref<2048xf32, #tpu.memory_space<vmem>>[vector<16xi32>], vector<16xf32>,
        tpu.vector_store_idx %arg6[%min3A_231], %get3A_116 {add = true} : memref<2048xf32, #tpu.memory_space<vmem>>[vector<16xi32>], vector<16xf32>,
        tpu.vector_store_idx %arg6[%min3A_238], %get3A_119 {add = true} : memref<2048xf32, #tpu.memory_space<vmem>>[vector<16xi32>], vector<16xf32>,
        tpu.vector_store_idx %arg6[%min3A_245], %get3A_122 {add = true} : memref<2048xf32, #tpu.memory_space<vmem>>[vector<16xi32>], vector<16xf32>,
        tpu.vector_store_idx %arg6[%min3A_252], %get3A_125 {add = true} : memref<2048xf32, #tpu.memory_space<vmem>>[vector<16xi32>], vector<16xf32>,
        tpu.vector_store_idx %arg6[%min3A_259], %get3A_128 {add = true} : memref<2048xf32, #tpu.memory_space<vmem>>[vector<16xi32>], vector<16xf32>,
        tpu.vector_store_idx %arg6[%min3A_266], %get3A_131 {add = true} : memref<2048xf32, #tpu.memory_space<vmem>>[vector<16xi32>], vector<16xf32>,
        tpu.vector_store_idx %arg6[%min3A_273], %get3A_134 {add = true} : memref<2048xf32, #tpu.memory_space<vmem>>[vector<16xi32>], vector<16xf32>,
        tpu.vector_store_idx %arg6[%min3A_280], %get3A_137 {add = true} : memref<2048xf32, #tpu.memory_space<vmem>>[vector<16xi32>], vector<16xf32>,
        tpu.vector_store_idx %arg6[%min3A_287], %get3A_140 {add = true} : memref<2048xf32, #tpu.memory_space<vmem>>[vector<16xi32>], vector<16xf32>,
        tpu.vector_store_idx %arg6[%min3A_294], %get3A_143 {add = true} : memref<2048xf32, #tpu.memory_space<vmem>>[vector<16xi32>], vector<16xf32>,
        tpu.vector_store_idx %arg6[%min3A_301], %get3A_146 {add = true} : memref<2048xf32, #tpu.memory_space<vmem>>[vector<16xi32>], vector<16xf32>,
        tpu.vector_store_idx %arg6[%min3A_308], %get3A_149 {add = true} : memref<2048xf32, #tpu.memory_space<vmem>>[vector<16xi32>], vector<16xf32>,
        tpu.vector_store_idx %arg6[%min3A_315], %get3A_152 {add = true} : memref<2048xf32, #tpu.memory_space<vmem>>[vector<16xi32>], vector<16xf32>,
        tpu.vector_store_idx %arg6[%min3A_322], %get3A_155 {add = true} : memref<2048xf32, #tpu.memory_space<vmem>>[vector<16xi32>], vector<16xf32>,
        tpu.vector_store_idx %arg6[%min3A_329], %get3A_158 {add = true} : memref<2048xf32, #tpu.memory_space<vmem>>[vector<16xi32>], vector<16xf32>,
        tpu.vector_store_idx %arg6[%min3A_336], %get3A_161 {add = true} : memref<2048xf32, #tpu.memory_space<vmem>>[vector<16xi32>], vector<16xf32>,
        tpu.vector_store_idx %arg6[%min3A_343], %get3A_164 {add = true} : memref<2048xf32, #tpu.memory_space<vmem>>[vector<16xi32>], vector<16xf32>,
        tpu.vector_store_idx %arg6[%min3A_350], %get3A_167 {add = true} : memref<2048xf32, #tpu.memory_space<vmem>>[vector<16xi32>], vector<16xf32>,
        tpu.vector_store_idx %arg6[%min3A_357], %get3A_170 {add = true} : memref<2048xf32, #tpu.memory_space<vmem>>[vector<16xi32>], vector<16xf32>,
        tpu.vector_store_idx %arg6[%min3A_364], %get3A_173 {add = true} : memref<2048xf32, #tpu.memory_space<vmem>>[vector<16xi32>], vector<16xf32>,
        tpu.vector_store_idx %arg6[%min3A_371], %get3A_176 {add = true} : memref<2048xf32, #tpu.memory_space<vmem>>[vector<16xi32>], vector<16xf32>,
        tpu.vector_store_idx %arg6[%min3A_378], %get3A_179 {add = true} : memref<2048xf32, #tpu.memory_space<vmem>>[vector<16xi32>], vector<16xf32>,
        tpu.vector_store_idx %arg6[%min3A_385], %get3A_182 {add = true} : memref<2048xf32, #tpu.memory_space<vmem>>[vector<16xi32>], vector<16xf32>,
        tpu.vector_store_idx %arg6[%min3A_392], %get3A_185 {add = true} : memref<2048xf32, #tpu.memory_space<vmem>>[vector<16xi32>], vector<16xf32>,
        tpu.vector_store_idx %arg6[%min3A_399], %get3A_188 {add = true} : memref<2048xf32, #tpu.memory_space<vmem>>[vector<16xi32>], vector<16xf32>,
        tpu.vector_store_idx %arg6[%min3A_406], %get3A_191 {add = true} : memref<2048xf32, #tpu.memory_space<vmem>>[vector<16xi32>], vector<16xf32>,
        tpu.vector_store_idx %arg6[%min3A_413], %get3A_194 {add = true} : memref<2048xf32, #tpu.memory_space<vmem>>[vector<16xi32>], vector<16xf32>,
        tpu.vector_store_idx %arg6[%min3A_420], %get3A_197 {add = true} : memref<2048xf32, #tpu.memory_space<vmem>>[vector<16xi32>], vector<16xf32>,
      }
      %scan3A_75 = arith.constant 32 : i32
      %mul3A_76 = arith.constant 2 : i32
      %mul3A_77 = arith.muli %mul3A_76, %scan3A_52 : i32
      %add3A_78 = arith.constant 1 : i32
      %add3A_79 = arith.addi %mul3A_77, %add3A_78 : i32
      %mul3A_80 = arith.constant 32 : i32
      %mul3A_81 = arith.muli %add3A_79, %mul3A_80 : i32
      %add3A_82 = arith.addi %mul3A_32, %mul3A_81 : i32
      %dma_wait3A_83 = arith.constant 0 : i32
      %dma_wait3A_84 = tpu.memref_slice %arg2[%select_n3A, %add3A_82, %dma_wait3A_83] : memref<8x512x512xf32, #tpu.memory_space<hbm>> -> memref<1x32x512xf32, #tpu.memory_space<hbm>>
      %dma_wait3A_85 = tpu.memref_squeeze %dma_wait3A_84 : memref<1x32x512xf32, #tpu.memory_space<hbm>> -> memref<32x512xf32, #tpu.memory_space<hbm>>
      %dma_wait3A_86 = arith.constant 0 : i32
      %dma_wait3A_87 = tpu.memref_slice %arg2[%select_n3A, %add3A_82, %dma_wait3A_86] : memref<8x512x512xf32, #tpu.memory_space<hbm>> -> memref<1x32x512xf32, #tpu.memory_space<hbm>>
      %dma_wait3A_88 = tpu.memref_squeeze %dma_wait3A_87 : memref<1x32x512xf32, #tpu.memory_space<hbm>> -> memref<32x512xf32, #tpu.memory_space<hbm>>
      tpu.wait_dma2 semaphore(%arg8 : memref<!tpu.dma_semaphore, #tpu.memory_space<semaphore_mem>>) src(%dma_wait3A_88 : memref<32x512xf32, #tpu.memory_space<hbm>>) dst(%arg5 : memref<32x512xf32, #tpu.memory_space<vmem>>)
      %add3A_89 = arith.constant 1 : i32
      %add3A_90 = arith.addi %add3A_79, %add3A_89 : i32
      %lt3A_91 = arith.constant 4 : i32
      %lt3A_92 = arith.cmpi slt, %add3A_90, %lt3A_91 : i32
      %convert_element_type3A_93 = arith.extui %lt3A_92 : i1 to i32
      %cond3A_94 = arith.constant 0 : i32
      %cond3A_95 = arith.cmpi ne, %convert_element_type3A_93, %cond3A_94 : i32
      scf.if %cond3A_95 {
        %add3A_102 = arith.constant 1 : i32
        %add3A_103 = arith.addi %add3A_79, %add3A_102 : i32
        %mul3A_104 = arith.constant 32 : i32
        %mul3A_105 = arith.muli %add3A_103, %mul3A_104 : i32
        %add3A_106 = arith.addi %mul3A_32, %mul3A_105 : i32
        %dma_start3A_107 = arith.constant 0 : i32
        %dma_start3A_108 = tpu.memref_slice %arg2[%select_n3A, %add3A_106, %dma_start3A_107] : memref<8x512x512xf32, #tpu.memory_space<hbm>> -> memref<1x32x512xf32, #tpu.memory_space<hbm>>
        %dma_start3A_109 = tpu.memref_squeeze %dma_start3A_108 : memref<1x32x512xf32, #tpu.memory_space<hbm>> -> memref<32x512xf32, #tpu.memory_space<hbm>>
        %dma_start3A_110 = arith.constant 0 : i32
        %dma_start3A_111 = tpu.memref_slice %arg2[%select_n3A, %add3A_106, %dma_start3A_110] : memref<8x512x512xf32, #tpu.memory_space<hbm>> -> memref<1x32x512xf32, #tpu.memory_space<hbm>>
        %dma_start3A_112 = tpu.memref_squeeze %dma_start3A_111 : memref<1x32x512xf32, #tpu.memory_space<hbm>> -> memref<32x512xf32, #tpu.memory_space<hbm>>
        tpu.enqueue_dma source(%dma_start3A_112 : memref<32x512xf32, #tpu.memory_space<hbm>>) target(%arg4 : memref<32x512xf32, #tpu.memory_space<vmem>>) target_semaphore(%arg7 : memref<!tpu.dma_semaphore, #tpu.memory_space<semaphore_mem>>)
      } else {
      }
      %scan3A_96 = arith.constant 0 : i32
      %scan3A_97 = arith.constant 0 : i32
      %scan3A_98 = arith.constant 32 : i32
      %scan3A_99 = arith.addi %scan3A_97, %scan3A_98 : i32
      %scan3A_100 = arith.constant 1 : i32
      scf.for %scan3A_102 = %scan3A_97 to %scan3A_99 step %scan3A_100  : i32 {
        %get3A = arith.index_cast %scan3A_102 : i32 to index
        %get3A_103 = arith.constant 0 : index
        %get3A_104 = tpu.vector_load %arg5[%get3A, %get3A_103] {strides = array<i32>} : memref<32x512xf32, #tpu.memory_space<vmem>>, vector<16xf32>,
        %get3A_105 = arith.index_cast %scan3A_102 : i32 to index
        %get3A_106 = arith.constant 16 : index
        %get3A_107 = tpu.vector_load %arg5[%get3A_105, %get3A_106] {strides = array<i32>} : memref<32x512xf32, #tpu.memory_space<vmem>>, vector<16xf32>,
        %get3A_108 = arith.index_cast %scan3A_102 : i32 to index
        %get3A_109 = arith.constant 32 : index
        %get3A_110 = tpu.vector_load %arg5[%get3A_108, %get3A_109] {strides = array<i32>} : memref<32x512xf32, #tpu.memory_space<vmem>>, vector<16xf32>,
        %get3A_111 = arith.index_cast %scan3A_102 : i32 to index
        %get3A_112 = arith.constant 48 : index
        %get3A_113 = tpu.vector_load %arg5[%get3A_111, %get3A_112] {strides = array<i32>} : memref<32x512xf32, #tpu.memory_space<vmem>>, vector<16xf32>,
        %get3A_114 = arith.index_cast %scan3A_102 : i32 to index
        %get3A_115 = arith.constant 64 : index
        %get3A_116 = tpu.vector_load %arg5[%get3A_114, %get3A_115] {strides = array<i32>} : memref<32x512xf32, #tpu.memory_space<vmem>>, vector<16xf32>,
        %get3A_117 = arith.index_cast %scan3A_102 : i32 to index
        %get3A_118 = arith.constant 80 : index
        %get3A_119 = tpu.vector_load %arg5[%get3A_117, %get3A_118] {strides = array<i32>} : memref<32x512xf32, #tpu.memory_space<vmem>>, vector<16xf32>,
        %get3A_120 = arith.index_cast %scan3A_102 : i32 to index
        %get3A_121 = arith.constant 96 : index
        %get3A_122 = tpu.vector_load %arg5[%get3A_120, %get3A_121] {strides = array<i32>} : memref<32x512xf32, #tpu.memory_space<vmem>>, vector<16xf32>,
        %get3A_123 = arith.index_cast %scan3A_102 : i32 to index
        %get3A_124 = arith.constant 112 : index
        %get3A_125 = tpu.vector_load %arg5[%get3A_123, %get3A_124] {strides = array<i32>} : memref<32x512xf32, #tpu.memory_space<vmem>>, vector<16xf32>,
        %get3A_126 = arith.index_cast %scan3A_102 : i32 to index
        %get3A_127 = arith.constant 128 : index
        %get3A_128 = tpu.vector_load %arg5[%get3A_126, %get3A_127] {strides = array<i32>} : memref<32x512xf32, #tpu.memory_space<vmem>>, vector<16xf32>,
        %get3A_129 = arith.index_cast %scan3A_102 : i32 to index
        %get3A_130 = arith.constant 144 : index
        %get3A_131 = tpu.vector_load %arg5[%get3A_129, %get3A_130] {strides = array<i32>} : memref<32x512xf32, #tpu.memory_space<vmem>>, vector<16xf32>,
        %get3A_132 = arith.index_cast %scan3A_102 : i32 to index
        %get3A_133 = arith.constant 160 : index
        %get3A_134 = tpu.vector_load %arg5[%get3A_132, %get3A_133] {strides = array<i32>} : memref<32x512xf32, #tpu.memory_space<vmem>>, vector<16xf32>,
        %get3A_135 = arith.index_cast %scan3A_102 : i32 to index
        %get3A_136 = arith.constant 176 : index
        %get3A_137 = tpu.vector_load %arg5[%get3A_135, %get3A_136] {strides = array<i32>} : memref<32x512xf32, #tpu.memory_space<vmem>>, vector<16xf32>,
        %get3A_138 = arith.index_cast %scan3A_102 : i32 to index
        %get3A_139 = arith.constant 192 : index
        %get3A_140 = tpu.vector_load %arg5[%get3A_138, %get3A_139] {strides = array<i32>} : memref<32x512xf32, #tpu.memory_space<vmem>>, vector<16xf32>,
        %get3A_141 = arith.index_cast %scan3A_102 : i32 to index
        %get3A_142 = arith.constant 208 : index
        %get3A_143 = tpu.vector_load %arg5[%get3A_141, %get3A_142] {strides = array<i32>} : memref<32x512xf32, #tpu.memory_space<vmem>>, vector<16xf32>,
        %get3A_144 = arith.index_cast %scan3A_102 : i32 to index
        %get3A_145 = arith.constant 224 : index
        %get3A_146 = tpu.vector_load %arg5[%get3A_144, %get3A_145] {strides = array<i32>} : memref<32x512xf32, #tpu.memory_space<vmem>>, vector<16xf32>,
        %get3A_147 = arith.index_cast %scan3A_102 : i32 to index
        %get3A_148 = arith.constant 240 : index
        %get3A_149 = tpu.vector_load %arg5[%get3A_147, %get3A_148] {strides = array<i32>} : memref<32x512xf32, #tpu.memory_space<vmem>>, vector<16xf32>,
        %get3A_150 = arith.index_cast %scan3A_102 : i32 to index
        %get3A_151 = arith.constant 256 : index
        %get3A_152 = tpu.vector_load %arg5[%get3A_150, %get3A_151] {strides = array<i32>} : memref<32x512xf32, #tpu.memory_space<vmem>>, vector<16xf32>,
        %get3A_153 = arith.index_cast %scan3A_102 : i32 to index
        %get3A_154 = arith.constant 272 : index
        %get3A_155 = tpu.vector_load %arg5[%get3A_153, %get3A_154] {strides = array<i32>} : memref<32x512xf32, #tpu.memory_space<vmem>>, vector<16xf32>,
        %get3A_156 = arith.index_cast %scan3A_102 : i32 to index
        %get3A_157 = arith.constant 288 : index
        %get3A_158 = tpu.vector_load %arg5[%get3A_156, %get3A_157] {strides = array<i32>} : memref<32x512xf32, #tpu.memory_space<vmem>>, vector<16xf32>,
        %get3A_159 = arith.index_cast %scan3A_102 : i32 to index
        %get3A_160 = arith.constant 304 : index
        %get3A_161 = tpu.vector_load %arg5[%get3A_159, %get3A_160] {strides = array<i32>} : memref<32x512xf32, #tpu.memory_space<vmem>>, vector<16xf32>,
        %get3A_162 = arith.index_cast %scan3A_102 : i32 to index
        %get3A_163 = arith.constant 320 : index
        %get3A_164 = tpu.vector_load %arg5[%get3A_162, %get3A_163] {strides = array<i32>} : memref<32x512xf32, #tpu.memory_space<vmem>>, vector<16xf32>,
        %get3A_165 = arith.index_cast %scan3A_102 : i32 to index
        %get3A_166 = arith.constant 336 : index
        %get3A_167 = tpu.vector_load %arg5[%get3A_165, %get3A_166] {strides = array<i32>} : memref<32x512xf32, #tpu.memory_space<vmem>>, vector<16xf32>,
        %get3A_168 = arith.index_cast %scan3A_102 : i32 to index
        %get3A_169 = arith.constant 352 : index
        %get3A_170 = tpu.vector_load %arg5[%get3A_168, %get3A_169] {strides = array<i32>} : memref<32x512xf32, #tpu.memory_space<vmem>>, vector<16xf32>,
        %get3A_171 = arith.index_cast %scan3A_102 : i32 to index
        %get3A_172 = arith.constant 368 : index
        %get3A_173 = tpu.vector_load %arg5[%get3A_171, %get3A_172] {strides = array<i32>} : memref<32x512xf32, #tpu.memory_space<vmem>>, vector<16xf32>,
        %get3A_174 = arith.index_cast %scan3A_102 : i32 to index
        %get3A_175 = arith.constant 384 : index
        %get3A_176 = tpu.vector_load %arg5[%get3A_174, %get3A_175] {strides = array<i32>} : memref<32x512xf32, #tpu.memory_space<vmem>>, vector<16xf32>,
        %get3A_177 = arith.index_cast %scan3A_102 : i32 to index
        %get3A_178 = arith.constant 400 : index
        %get3A_179 = tpu.vector_load %arg5[%get3A_177, %get3A_178] {strides = array<i32>} : memref<32x512xf32, #tpu.memory_space<vmem>>, vector<16xf32>,
        %get3A_180 = arith.index_cast %scan3A_102 : i32 to index
        %get3A_181 = arith.constant 416 : index
        %get3A_182 = tpu.vector_load %arg5[%get3A_180, %get3A_181] {strides = array<i32>} : memref<32x512xf32, #tpu.memory_space<vmem>>, vector<16xf32>,
        %get3A_183 = arith.index_cast %scan3A_102 : i32 to index
        %get3A_184 = arith.constant 432 : index
        %get3A_185 = tpu.vector_load %arg5[%get3A_183, %get3A_184] {strides = array<i32>} : memref<32x512xf32, #tpu.memory_space<vmem>>, vector<16xf32>,
        %get3A_186 = arith.index_cast %scan3A_102 : i32 to index
        %get3A_187 = arith.constant 448 : index
        %get3A_188 = tpu.vector_load %arg5[%get3A_186, %get3A_187] {strides = array<i32>} : memref<32x512xf32, #tpu.memory_space<vmem>>, vector<16xf32>,
        %get3A_189 = arith.index_cast %scan3A_102 : i32 to index
        %get3A_190 = arith.constant 464 : index
        %get3A_191 = tpu.vector_load %arg5[%get3A_189, %get3A_190] {strides = array<i32>} : memref<32x512xf32, #tpu.memory_space<vmem>>, vector<16xf32>,
        %get3A_192 = arith.index_cast %scan3A_102 : i32 to index
        %get3A_193 = arith.constant 480 : index
        %get3A_194 = tpu.vector_load %arg5[%get3A_192, %get3A_193] {strides = array<i32>} : memref<32x512xf32, #tpu.memory_space<vmem>>, vector<16xf32>,
        %get3A_195 = arith.index_cast %scan3A_102 : i32 to index
        %get3A_196 = arith.constant 496 : index
        %get3A_197 = tpu.vector_load %arg5[%get3A_195, %get3A_196] {strides = array<i32>} : memref<32x512xf32, #tpu.memory_space<vmem>>, vector<16xf32>,
        %mul3A_198 = arith.constant 2.048000e+03 : f32
        %mul3A_199 = vector.broadcast %mul3A_198 : f32 to vector<16xf32>
        %mul3A_200 = arith.mulf %get3A_104, %mul3A_199 : vector<16xf32>
        %convert_element_type3A_201 = arith.fptosi %mul3A_200 : vector<16xf32> to vector<16xi32>
        %min3A = arith.constant 2047 : i32
        %min3A_202 = vector.broadcast %min3A : i32 to vector<16xi32>
        %min3A_203 = arith.minsi %convert_element_type3A_201, %min3A_202 : vector<16xi32>
        %mul3A_204 = arith.constant 2.048000e+03 : f32
        %mul3A_205 = vector.broadcast %mul3A_204 : f32 to vector<16xf32>
        %mul3A_206 = arith.mulf %get3A_107, %mul3A_205 : vector<16xf32>
        %convert_element_type3A_207 = arith.fptosi %mul3A_206 : vector<16xf32> to vector<16xi32>
        %min3A_208 = arith.constant 2047 : i32
        %min3A_209 = vector.broadcast %min3A_208 : i32 to vector<16xi32>
        %min3A_210 = arith.minsi %convert_element_type3A_207, %min3A_209 : vector<16xi32>
        %mul3A_211 = arith.constant 2.048000e+03 : f32
        %mul3A_212 = vector.broadcast %mul3A_211 : f32 to vector<16xf32>
        %mul3A_213 = arith.mulf %get3A_110, %mul3A_212 : vector<16xf32>
        %convert_element_type3A_214 = arith.fptosi %mul3A_213 : vector<16xf32> to vector<16xi32>
        %min3A_215 = arith.constant 2047 : i32
        %min3A_216 = vector.broadcast %min3A_215 : i32 to vector<16xi32>
        %min3A_217 = arith.minsi %convert_element_type3A_214, %min3A_216 : vector<16xi32>
        %mul3A_218 = arith.constant 2.048000e+03 : f32
        %mul3A_219 = vector.broadcast %mul3A_218 : f32 to vector<16xf32>
        %mul3A_220 = arith.mulf %get3A_113, %mul3A_219 : vector<16xf32>
        %convert_element_type3A_221 = arith.fptosi %mul3A_220 : vector<16xf32> to vector<16xi32>
        %min3A_222 = arith.constant 2047 : i32
        %min3A_223 = vector.broadcast %min3A_222 : i32 to vector<16xi32>
        %min3A_224 = arith.minsi %convert_element_type3A_221, %min3A_223 : vector<16xi32>
        %mul3A_225 = arith.constant 2.048000e+03 : f32
        %mul3A_226 = vector.broadcast %mul3A_225 : f32 to vector<16xf32>
        %mul3A_227 = arith.mulf %get3A_116, %mul3A_226 : vector<16xf32>
        %convert_element_type3A_228 = arith.fptosi %mul3A_227 : vector<16xf32> to vector<16xi32>
        %min3A_229 = arith.constant 2047 : i32
        %min3A_230 = vector.broadcast %min3A_229 : i32 to vector<16xi32>
        %min3A_231 = arith.minsi %convert_element_type3A_228, %min3A_230 : vector<16xi32>
        %mul3A_232 = arith.constant 2.048000e+03 : f32
        %mul3A_233 = vector.broadcast %mul3A_232 : f32 to vector<16xf32>
        %mul3A_234 = arith.mulf %get3A_119, %mul3A_233 : vector<16xf32>
        %convert_element_type3A_235 = arith.fptosi %mul3A_234 : vector<16xf32> to vector<16xi32>
        %min3A_236 = arith.constant 2047 : i32
        %min3A_237 = vector.broadcast %min3A_236 : i32 to vector<16xi32>
        %min3A_238 = arith.minsi %convert_element_type3A_235, %min3A_237 : vector<16xi32>
        %mul3A_239 = arith.constant 2.048000e+03 : f32
        %mul3A_240 = vector.broadcast %mul3A_239 : f32 to vector<16xf32>
        %mul3A_241 = arith.mulf %get3A_122, %mul3A_240 : vector<16xf32>
        %convert_element_type3A_242 = arith.fptosi %mul3A_241 : vector<16xf32> to vector<16xi32>
        %min3A_243 = arith.constant 2047 : i32
        %min3A_244 = vector.broadcast %min3A_243 : i32 to vector<16xi32>
        %min3A_245 = arith.minsi %convert_element_type3A_242, %min3A_244 : vector<16xi32>
        %mul3A_246 = arith.constant 2.048000e+03 : f32
        %mul3A_247 = vector.broadcast %mul3A_246 : f32 to vector<16xf32>
        %mul3A_248 = arith.mulf %get3A_125, %mul3A_247 : vector<16xf32>
        %convert_element_type3A_249 = arith.fptosi %mul3A_248 : vector<16xf32> to vector<16xi32>
        %min3A_250 = arith.constant 2047 : i32
        %min3A_251 = vector.broadcast %min3A_250 : i32 to vector<16xi32>
        %min3A_252 = arith.minsi %convert_element_type3A_249, %min3A_251 : vector<16xi32>
        %mul3A_253 = arith.constant 2.048000e+03 : f32
        %mul3A_254 = vector.broadcast %mul3A_253 : f32 to vector<16xf32>
        %mul3A_255 = arith.mulf %get3A_128, %mul3A_254 : vector<16xf32>
        %convert_element_type3A_256 = arith.fptosi %mul3A_255 : vector<16xf32> to vector<16xi32>
        %min3A_257 = arith.constant 2047 : i32
        %min3A_258 = vector.broadcast %min3A_257 : i32 to vector<16xi32>
        %min3A_259 = arith.minsi %convert_element_type3A_256, %min3A_258 : vector<16xi32>
        %mul3A_260 = arith.constant 2.048000e+03 : f32
        %mul3A_261 = vector.broadcast %mul3A_260 : f32 to vector<16xf32>
        %mul3A_262 = arith.mulf %get3A_131, %mul3A_261 : vector<16xf32>
        %convert_element_type3A_263 = arith.fptosi %mul3A_262 : vector<16xf32> to vector<16xi32>
        %min3A_264 = arith.constant 2047 : i32
        %min3A_265 = vector.broadcast %min3A_264 : i32 to vector<16xi32>
        %min3A_266 = arith.minsi %convert_element_type3A_263, %min3A_265 : vector<16xi32>
        %mul3A_267 = arith.constant 2.048000e+03 : f32
        %mul3A_268 = vector.broadcast %mul3A_267 : f32 to vector<16xf32>
        %mul3A_269 = arith.mulf %get3A_134, %mul3A_268 : vector<16xf32>
        %convert_element_type3A_270 = arith.fptosi %mul3A_269 : vector<16xf32> to vector<16xi32>
        %min3A_271 = arith.constant 2047 : i32
        %min3A_272 = vector.broadcast %min3A_271 : i32 to vector<16xi32>
        %min3A_273 = arith.minsi %convert_element_type3A_270, %min3A_272 : vector<16xi32>
        %mul3A_274 = arith.constant 2.048000e+03 : f32
        %mul3A_275 = vector.broadcast %mul3A_274 : f32 to vector<16xf32>
        %mul3A_276 = arith.mulf %get3A_137, %mul3A_275 : vector<16xf32>
        %convert_element_type3A_277 = arith.fptosi %mul3A_276 : vector<16xf32> to vector<16xi32>
        %min3A_278 = arith.constant 2047 : i32
        %min3A_279 = vector.broadcast %min3A_278 : i32 to vector<16xi32>
        %min3A_280 = arith.minsi %convert_element_type3A_277, %min3A_279 : vector<16xi32>
        %mul3A_281 = arith.constant 2.048000e+03 : f32
        %mul3A_282 = vector.broadcast %mul3A_281 : f32 to vector<16xf32>
        %mul3A_283 = arith.mulf %get3A_140, %mul3A_282 : vector<16xf32>
        %convert_element_type3A_284 = arith.fptosi %mul3A_283 : vector<16xf32> to vector<16xi32>
        %min3A_285 = arith.constant 2047 : i32
        %min3A_286 = vector.broadcast %min3A_285 : i32 to vector<16xi32>
        %min3A_287 = arith.minsi %convert_element_type3A_284, %min3A_286 : vector<16xi32>
        %mul3A_288 = arith.constant 2.048000e+03 : f32
        %mul3A_289 = vector.broadcast %mul3A_288 : f32 to vector<16xf32>
        %mul3A_290 = arith.mulf %get3A_143, %mul3A_289 : vector<16xf32>
        %convert_element_type3A_291 = arith.fptosi %mul3A_290 : vector<16xf32> to vector<16xi32>
        %min3A_292 = arith.constant 2047 : i32
        %min3A_293 = vector.broadcast %min3A_292 : i32 to vector<16xi32>
        %min3A_294 = arith.minsi %convert_element_type3A_291, %min3A_293 : vector<16xi32>
        %mul3A_295 = arith.constant 2.048000e+03 : f32
        %mul3A_296 = vector.broadcast %mul3A_295 : f32 to vector<16xf32>
        %mul3A_297 = arith.mulf %get3A_146, %mul3A_296 : vector<16xf32>
        %convert_element_type3A_298 = arith.fptosi %mul3A_297 : vector<16xf32> to vector<16xi32>
        %min3A_299 = arith.constant 2047 : i32
        %min3A_300 = vector.broadcast %min3A_299 : i32 to vector<16xi32>
        %min3A_301 = arith.minsi %convert_element_type3A_298, %min3A_300 : vector<16xi32>
        %mul3A_302 = arith.constant 2.048000e+03 : f32
        %mul3A_303 = vector.broadcast %mul3A_302 : f32 to vector<16xf32>
        %mul3A_304 = arith.mulf %get3A_149, %mul3A_303 : vector<16xf32>
        %convert_element_type3A_305 = arith.fptosi %mul3A_304 : vector<16xf32> to vector<16xi32>
        %min3A_306 = arith.constant 2047 : i32
        %min3A_307 = vector.broadcast %min3A_306 : i32 to vector<16xi32>
        %min3A_308 = arith.minsi %convert_element_type3A_305, %min3A_307 : vector<16xi32>
        %mul3A_309 = arith.constant 2.048000e+03 : f32
        %mul3A_310 = vector.broadcast %mul3A_309 : f32 to vector<16xf32>
        %mul3A_311 = arith.mulf %get3A_152, %mul3A_310 : vector<16xf32>
        %convert_element_type3A_312 = arith.fptosi %mul3A_311 : vector<16xf32> to vector<16xi32>
        %min3A_313 = arith.constant 2047 : i32
        %min3A_314 = vector.broadcast %min3A_313 : i32 to vector<16xi32>
        %min3A_315 = arith.minsi %convert_element_type3A_312, %min3A_314 : vector<16xi32>
        %mul3A_316 = arith.constant 2.048000e+03 : f32
        %mul3A_317 = vector.broadcast %mul3A_316 : f32 to vector<16xf32>
        %mul3A_318 = arith.mulf %get3A_155, %mul3A_317 : vector<16xf32>
        %convert_element_type3A_319 = arith.fptosi %mul3A_318 : vector<16xf32> to vector<16xi32>
        %min3A_320 = arith.constant 2047 : i32
        %min3A_321 = vector.broadcast %min3A_320 : i32 to vector<16xi32>
        %min3A_322 = arith.minsi %convert_element_type3A_319, %min3A_321 : vector<16xi32>
        %mul3A_323 = arith.constant 2.048000e+03 : f32
        %mul3A_324 = vector.broadcast %mul3A_323 : f32 to vector<16xf32>
        %mul3A_325 = arith.mulf %get3A_158, %mul3A_324 : vector<16xf32>
        %convert_element_type3A_326 = arith.fptosi %mul3A_325 : vector<16xf32> to vector<16xi32>
        %min3A_327 = arith.constant 2047 : i32
        %min3A_328 = vector.broadcast %min3A_327 : i32 to vector<16xi32>
        %min3A_329 = arith.minsi %convert_element_type3A_326, %min3A_328 : vector<16xi32>
        %mul3A_330 = arith.constant 2.048000e+03 : f32
        %mul3A_331 = vector.broadcast %mul3A_330 : f32 to vector<16xf32>
        %mul3A_332 = arith.mulf %get3A_161, %mul3A_331 : vector<16xf32>
        %convert_element_type3A_333 = arith.fptosi %mul3A_332 : vector<16xf32> to vector<16xi32>
        %min3A_334 = arith.constant 2047 : i32
        %min3A_335 = vector.broadcast %min3A_334 : i32 to vector<16xi32>
        %min3A_336 = arith.minsi %convert_element_type3A_333, %min3A_335 : vector<16xi32>
        %mul3A_337 = arith.constant 2.048000e+03 : f32
        %mul3A_338 = vector.broadcast %mul3A_337 : f32 to vector<16xf32>
        %mul3A_339 = arith.mulf %get3A_164, %mul3A_338 : vector<16xf32>
        %convert_element_type3A_340 = arith.fptosi %mul3A_339 : vector<16xf32> to vector<16xi32>
        %min3A_341 = arith.constant 2047 : i32
        %min3A_342 = vector.broadcast %min3A_341 : i32 to vector<16xi32>
        %min3A_343 = arith.minsi %convert_element_type3A_340, %min3A_342 : vector<16xi32>
        %mul3A_344 = arith.constant 2.048000e+03 : f32
        %mul3A_345 = vector.broadcast %mul3A_344 : f32 to vector<16xf32>
        %mul3A_346 = arith.mulf %get3A_167, %mul3A_345 : vector<16xf32>
        %convert_element_type3A_347 = arith.fptosi %mul3A_346 : vector<16xf32> to vector<16xi32>
        %min3A_348 = arith.constant 2047 : i32
        %min3A_349 = vector.broadcast %min3A_348 : i32 to vector<16xi32>
        %min3A_350 = arith.minsi %convert_element_type3A_347, %min3A_349 : vector<16xi32>
        %mul3A_351 = arith.constant 2.048000e+03 : f32
        %mul3A_352 = vector.broadcast %mul3A_351 : f32 to vector<16xf32>
        %mul3A_353 = arith.mulf %get3A_170, %mul3A_352 : vector<16xf32>
        %convert_element_type3A_354 = arith.fptosi %mul3A_353 : vector<16xf32> to vector<16xi32>
        %min3A_355 = arith.constant 2047 : i32
        %min3A_356 = vector.broadcast %min3A_355 : i32 to vector<16xi32>
        %min3A_357 = arith.minsi %convert_element_type3A_354, %min3A_356 : vector<16xi32>
        %mul3A_358 = arith.constant 2.048000e+03 : f32
        %mul3A_359 = vector.broadcast %mul3A_358 : f32 to vector<16xf32>
        %mul3A_360 = arith.mulf %get3A_173, %mul3A_359 : vector<16xf32>
        %convert_element_type3A_361 = arith.fptosi %mul3A_360 : vector<16xf32> to vector<16xi32>
        %min3A_362 = arith.constant 2047 : i32
        %min3A_363 = vector.broadcast %min3A_362 : i32 to vector<16xi32>
        %min3A_364 = arith.minsi %convert_element_type3A_361, %min3A_363 : vector<16xi32>
        %mul3A_365 = arith.constant 2.048000e+03 : f32
        %mul3A_366 = vector.broadcast %mul3A_365 : f32 to vector<16xf32>
        %mul3A_367 = arith.mulf %get3A_176, %mul3A_366 : vector<16xf32>
        %convert_element_type3A_368 = arith.fptosi %mul3A_367 : vector<16xf32> to vector<16xi32>
        %min3A_369 = arith.constant 2047 : i32
        %min3A_370 = vector.broadcast %min3A_369 : i32 to vector<16xi32>
        %min3A_371 = arith.minsi %convert_element_type3A_368, %min3A_370 : vector<16xi32>
        %mul3A_372 = arith.constant 2.048000e+03 : f32
        %mul3A_373 = vector.broadcast %mul3A_372 : f32 to vector<16xf32>
        %mul3A_374 = arith.mulf %get3A_179, %mul3A_373 : vector<16xf32>
        %convert_element_type3A_375 = arith.fptosi %mul3A_374 : vector<16xf32> to vector<16xi32>
        %min3A_376 = arith.constant 2047 : i32
        %min3A_377 = vector.broadcast %min3A_376 : i32 to vector<16xi32>
        %min3A_378 = arith.minsi %convert_element_type3A_375, %min3A_377 : vector<16xi32>
        %mul3A_379 = arith.constant 2.048000e+03 : f32
        %mul3A_380 = vector.broadcast %mul3A_379 : f32 to vector<16xf32>
        %mul3A_381 = arith.mulf %get3A_182, %mul3A_380 : vector<16xf32>
        %convert_element_type3A_382 = arith.fptosi %mul3A_381 : vector<16xf32> to vector<16xi32>
        %min3A_383 = arith.constant 2047 : i32
        %min3A_384 = vector.broadcast %min3A_383 : i32 to vector<16xi32>
        %min3A_385 = arith.minsi %convert_element_type3A_382, %min3A_384 : vector<16xi32>
        %mul3A_386 = arith.constant 2.048000e+03 : f32
        %mul3A_387 = vector.broadcast %mul3A_386 : f32 to vector<16xf32>
        %mul3A_388 = arith.mulf %get3A_185, %mul3A_387 : vector<16xf32>
        %convert_element_type3A_389 = arith.fptosi %mul3A_388 : vector<16xf32> to vector<16xi32>
        %min3A_390 = arith.constant 2047 : i32
        %min3A_391 = vector.broadcast %min3A_390 : i32 to vector<16xi32>
        %min3A_392 = arith.minsi %convert_element_type3A_389, %min3A_391 : vector<16xi32>
        %mul3A_393 = arith.constant 2.048000e+03 : f32
        %mul3A_394 = vector.broadcast %mul3A_393 : f32 to vector<16xf32>
        %mul3A_395 = arith.mulf %get3A_188, %mul3A_394 : vector<16xf32>
        %convert_element_type3A_396 = arith.fptosi %mul3A_395 : vector<16xf32> to vector<16xi32>
        %min3A_397 = arith.constant 2047 : i32
        %min3A_398 = vector.broadcast %min3A_397 : i32 to vector<16xi32>
        %min3A_399 = arith.minsi %convert_element_type3A_396, %min3A_398 : vector<16xi32>
        %mul3A_400 = arith.constant 2.048000e+03 : f32
        %mul3A_401 = vector.broadcast %mul3A_400 : f32 to vector<16xf32>
        %mul3A_402 = arith.mulf %get3A_191, %mul3A_401 : vector<16xf32>
        %convert_element_type3A_403 = arith.fptosi %mul3A_402 : vector<16xf32> to vector<16xi32>
        %min3A_404 = arith.constant 2047 : i32
        %min3A_405 = vector.broadcast %min3A_404 : i32 to vector<16xi32>
        %min3A_406 = arith.minsi %convert_element_type3A_403, %min3A_405 : vector<16xi32>
        %mul3A_407 = arith.constant 2.048000e+03 : f32
        %mul3A_408 = vector.broadcast %mul3A_407 : f32 to vector<16xf32>
        %mul3A_409 = arith.mulf %get3A_194, %mul3A_408 : vector<16xf32>
        %convert_element_type3A_410 = arith.fptosi %mul3A_409 : vector<16xf32> to vector<16xi32>
        %min3A_411 = arith.constant 2047 : i32
        %min3A_412 = vector.broadcast %min3A_411 : i32 to vector<16xi32>
        %min3A_413 = arith.minsi %convert_element_type3A_410, %min3A_412 : vector<16xi32>
        %mul3A_414 = arith.constant 2.048000e+03 : f32
        %mul3A_415 = vector.broadcast %mul3A_414 : f32 to vector<16xf32>
        %mul3A_416 = arith.mulf %get3A_197, %mul3A_415 : vector<16xf32>
        %convert_element_type3A_417 = arith.fptosi %mul3A_416 : vector<16xf32> to vector<16xi32>
        %min3A_418 = arith.constant 2047 : i32
        %min3A_419 = vector.broadcast %min3A_418 : i32 to vector<16xi32>
        %min3A_420 = arith.minsi %convert_element_type3A_417, %min3A_419 : vector<16xi32>
        tpu.vector_store_idx %arg6[%min3A_203], %get3A_104 {add = true} : memref<2048xf32, #tpu.memory_space<vmem>>[vector<16xi32>], vector<16xf32>,
        tpu.vector_store_idx %arg6[%min3A_210], %get3A_107 {add = true} : memref<2048xf32, #tpu.memory_space<vmem>>[vector<16xi32>], vector<16xf32>,
        tpu.vector_store_idx %arg6[%min3A_217], %get3A_110 {add = true} : memref<2048xf32, #tpu.memory_space<vmem>>[vector<16xi32>], vector<16xf32>,
        tpu.vector_store_idx %arg6[%min3A_224], %get3A_113 {add = true} : memref<2048xf32, #tpu.memory_space<vmem>>[vector<16xi32>], vector<16xf32>,
        tpu.vector_store_idx %arg6[%min3A_231], %get3A_116 {add = true} : memref<2048xf32, #tpu.memory_space<vmem>>[vector<16xi32>], vector<16xf32>,
        tpu.vector_store_idx %arg6[%min3A_238], %get3A_119 {add = true} : memref<2048xf32, #tpu.memory_space<vmem>>[vector<16xi32>], vector<16xf32>,
        tpu.vector_store_idx %arg6[%min3A_245], %get3A_122 {add = true} : memref<2048xf32, #tpu.memory_space<vmem>>[vector<16xi32>], vector<16xf32>,
        tpu.vector_store_idx %arg6[%min3A_252], %get3A_125 {add = true} : memref<2048xf32, #tpu.memory_space<vmem>>[vector<16xi32>], vector<16xf32>,
        tpu.vector_store_idx %arg6[%min3A_259], %get3A_128 {add = true} : memref<2048xf32, #tpu.memory_space<vmem>>[vector<16xi32>], vector<16xf32>,
        tpu.vector_store_idx %arg6[%min3A_266], %get3A_131 {add = true} : memref<2048xf32, #tpu.memory_space<vmem>>[vector<16xi32>], vector<16xf32>,
        tpu.vector_store_idx %arg6[%min3A_273], %get3A_134 {add = true} : memref<2048xf32, #tpu.memory_space<vmem>>[vector<16xi32>], vector<16xf32>,
        tpu.vector_store_idx %arg6[%min3A_280], %get3A_137 {add = true} : memref<2048xf32, #tpu.memory_space<vmem>>[vector<16xi32>], vector<16xf32>,
        tpu.vector_store_idx %arg6[%min3A_287], %get3A_140 {add = true} : memref<2048xf32, #tpu.memory_space<vmem>>[vector<16xi32>], vector<16xf32>,
        tpu.vector_store_idx %arg6[%min3A_294], %get3A_143 {add = true} : memref<2048xf32, #tpu.memory_space<vmem>>[vector<16xi32>], vector<16xf32>,
        tpu.vector_store_idx %arg6[%min3A_301], %get3A_146 {add = true} : memref<2048xf32, #tpu.memory_space<vmem>>[vector<16xi32>], vector<16xf32>,
        tpu.vector_store_idx %arg6[%min3A_308], %get3A_149 {add = true} : memref<2048xf32, #tpu.memory_space<vmem>>[vector<16xi32>], vector<16xf32>,
        tpu.vector_store_idx %arg6[%min3A_315], %get3A_152 {add = true} : memref<2048xf32, #tpu.memory_space<vmem>>[vector<16xi32>], vector<16xf32>,
        tpu.vector_store_idx %arg6[%min3A_322], %get3A_155 {add = true} : memref<2048xf32, #tpu.memory_space<vmem>>[vector<16xi32>], vector<16xf32>,
        tpu.vector_store_idx %arg6[%min3A_329], %get3A_158 {add = true} : memref<2048xf32, #tpu.memory_space<vmem>>[vector<16xi32>], vector<16xf32>,
        tpu.vector_store_idx %arg6[%min3A_336], %get3A_161 {add = true} : memref<2048xf32, #tpu.memory_space<vmem>>[vector<16xi32>], vector<16xf32>,
        tpu.vector_store_idx %arg6[%min3A_343], %get3A_164 {add = true} : memref<2048xf32, #tpu.memory_space<vmem>>[vector<16xi32>], vector<16xf32>,
        tpu.vector_store_idx %arg6[%min3A_350], %get3A_167 {add = true} : memref<2048xf32, #tpu.memory_space<vmem>>[vector<16xi32>], vector<16xf32>,
        tpu.vector_store_idx %arg6[%min3A_357], %get3A_170 {add = true} : memref<2048xf32, #tpu.memory_space<vmem>>[vector<16xi32>], vector<16xf32>,
        tpu.vector_store_idx %arg6[%min3A_364], %get3A_173 {add = true} : memref<2048xf32, #tpu.memory_space<vmem>>[vector<16xi32>], vector<16xf32>,
        tpu.vector_store_idx %arg6[%min3A_371], %get3A_176 {add = true} : memref<2048xf32, #tpu.memory_space<vmem>>[vector<16xi32>], vector<16xf32>,
        tpu.vector_store_idx %arg6[%min3A_378], %get3A_179 {add = true} : memref<2048xf32, #tpu.memory_space<vmem>>[vector<16xi32>], vector<16xf32>,
        tpu.vector_store_idx %arg6[%min3A_385], %get3A_182 {add = true} : memref<2048xf32, #tpu.memory_space<vmem>>[vector<16xi32>], vector<16xf32>,
        tpu.vector_store_idx %arg6[%min3A_392], %get3A_185 {add = true} : memref<2048xf32, #tpu.memory_space<vmem>>[vector<16xi32>], vector<16xf32>,
        tpu.vector_store_idx %arg6[%min3A_399], %get3A_188 {add = true} : memref<2048xf32, #tpu.memory_space<vmem>>[vector<16xi32>], vector<16xf32>,
        tpu.vector_store_idx %arg6[%min3A_406], %get3A_191 {add = true} : memref<2048xf32, #tpu.memory_space<vmem>>[vector<16xi32>], vector<16xf32>,
        tpu.vector_store_idx %arg6[%min3A_413], %get3A_194 {add = true} : memref<2048xf32, #tpu.memory_space<vmem>>[vector<16xi32>], vector<16xf32>,
        tpu.vector_store_idx %arg6[%min3A_420], %get3A_197 {add = true} : memref<2048xf32, #tpu.memory_space<vmem>>[vector<16xi32>], vector<16xf32>,
      }
      %scan3A_101 = arith.constant 32 : i32
    }
    %scan3A_51 = arith.constant 2 : i32
    "tpu.region"() ({
      %run_scoped3A = tpu.sem_alloc : memref<!tpu.dma_semaphore, #tpu.memory_space<semaphore_mem>>
      %dma_start3A_52 = arith.constant 0 : i32
      %dma_start3A_53 = tpu.memref_slice %arg3[%add3A, %dma_start3A_52] : memref<32x2048xf32, #tpu.memory_space<hbm>> -> memref<1x2048xf32, #tpu.memory_space<hbm>>
      %dma_start3A_54 = tpu.memref_squeeze %dma_start3A_53 : memref<1x2048xf32, #tpu.memory_space<hbm>> -> memref<2048xf32, #tpu.memory_space<hbm>>
      %dma_start3A_55 = arith.constant 0 : i32
      %dma_start3A_56 = tpu.memref_slice %arg3[%add3A, %dma_start3A_55] : memref<32x2048xf32, #tpu.memory_space<hbm>> -> memref<1x2048xf32, #tpu.memory_space<hbm>>
      %dma_start3A_57 = tpu.memref_squeeze %dma_start3A_56 : memref<1x2048xf32, #tpu.memory_space<hbm>> -> memref<2048xf32, #tpu.memory_space<hbm>>
      tpu.enqueue_dma source(%arg6 : memref<2048xf32, #tpu.memory_space<vmem>>) target(%dma_start3A_57 : memref<2048xf32, #tpu.memory_space<hbm>>) target_semaphore(%run_scoped3A : memref<!tpu.dma_semaphore, #tpu.memory_space<semaphore_mem>>)
      %dma_wait3A = arith.constant 0 : i32
      %dma_wait3A_58 = tpu.memref_slice %arg3[%add3A, %dma_wait3A] : memref<32x2048xf32, #tpu.memory_space<hbm>> -> memref<1x2048xf32, #tpu.memory_space<hbm>>
      %dma_wait3A_59 = tpu.memref_squeeze %dma_wait3A_58 : memref<1x2048xf32, #tpu.memory_space<hbm>> -> memref<2048xf32, #tpu.memory_space<hbm>>
      %dma_wait3A_60 = arith.constant 0 : i32
      %dma_wait3A_61 = tpu.memref_slice %arg3[%add3A, %dma_wait3A_60] : memref<32x2048xf32, #tpu.memory_space<hbm>> -> memref<1x2048xf32, #tpu.memory_space<hbm>>
      %dma_wait3A_62 = tpu.memref_squeeze %dma_wait3A_61 : memref<1x2048xf32, #tpu.memory_space<hbm>> -> memref<2048xf32, #tpu.memory_space<hbm>>
      tpu.wait_dma2 semaphore(%run_scoped3A : memref<!tpu.dma_semaphore, #tpu.memory_space<semaphore_mem>>) src(%arg6 : memref<2048xf32, #tpu.memory_space<vmem>>) dst(%dma_wait3A_62 : memref<2048xf32, #tpu.memory_space<hbm>>)
      tpu.yield
    }) : () -> ()
    return
  }
}

module attributes {stable_mosaic.version = 14 : i64} {
  func.func @_dense_body(%arg0: i32, %arg1: memref<1x512x512xf32, #tpu.memory_space<vmem>>, %arg2: memref<1x512x512xf32, #tpu.memory_space<vmem>>, %arg3: memref<1x1x4xf32, #tpu.memory_space<vmem>>, %arg4: memref<1x512x512xf32, #tpu.memory_space<vmem>>) attributes {dimension_semantics = [#tpu.dimension_semantics<arbitrary>], iteration_bounds = array<i64: 8>, scalar_prefetch = 0 : i64, scratch_operands = 0 : i64, tpu.core_type = #tpu.core_type<tc>, window_params = [{transform_indices = @transform_0, window_bounds = array<i64: 1, 512, 512>}, {transform_indices = @transform_1, window_bounds = array<i64: 1, 512, 512>}, {transform_indices = @transform_2, window_bounds = array<i64: 1, 1, 4>}, {transform_indices = @transform_3, window_bounds = array<i64: 1, 512, 512>}]} {
    %get3A = arith.constant 0 : index
    %get3A_0 = arith.constant 0 : index
    %get3A_1 = arith.constant 0 : index
    %get3A_2 = vector.load %arg1[%get3A, %get3A_0, %get3A_1] : memref<1x512x512xf32, #tpu.memory_space<vmem>>, vector<1x512x512xf32>
    %get3A_3 = vector.shape_cast %get3A_2 : vector<1x512x512xf32> to vector<512x512xf32>
    %get3A_4 = arith.constant 0 : index
    %get3A_5 = arith.constant 0 : index
    %get3A_6 = arith.constant 0 : index
    %get3A_7 = vector.load %arg2[%get3A_4, %get3A_5, %get3A_6] : memref<1x512x512xf32, #tpu.memory_space<vmem>>, vector<1x512x512xf32>
    %get3A_8 = vector.shape_cast %get3A_7 : vector<1x512x512xf32> to vector<512x512xf32>
    %logistic3A = arith.negf %get3A_3 : vector<512x512xf32>
    %logistic3A_9 = math.exp %logistic3A : vector<512x512xf32>
    %logistic3A_10 = arith.constant 1.000000e+00 : f32
    %logistic3A_11 = vector.broadcast %logistic3A_10 : f32 to vector<512x512xf32>
    %logistic3A_12 = arith.addf %logistic3A_11, %logistic3A_9 : vector<512x512xf32>
    %logistic3A_13 = arith.divf %logistic3A_11, %logistic3A_12 : vector<512x512xf32>
    %sub3A = arith.constant 1.000000e+00 : f32
    %sub3A_14 = vector.broadcast %sub3A : f32 to vector<512x512xf32>
    %sub3A_15 = arith.subf %sub3A_14, %logistic3A_13 : vector<512x512xf32>
    %sub3A_16 = arith.constant 1.000000e+00 : f32
    %sub3A_17 = vector.broadcast %sub3A_16 : f32 to vector<512x512xf32>
    %sub3A_18 = arith.subf %sub3A_17, %get3A_8 : vector<512x512xf32>
    %mul3A = arith.mulf %sub3A_15, %sub3A_18 : vector<512x512xf32>
    %swap3A = arith.constant 0 : index
    %swap3A_19 = arith.constant 0 : index
    %swap3A_20 = arith.constant 0 : index
    %swap3A_21 = vector.load %arg4[%swap3A, %swap3A_19, %swap3A_20] : memref<1x512x512xf32, #tpu.memory_space<vmem>>, vector<1x512x512xf32>
    %swap3A_22 = vector.shape_cast %swap3A_21 : vector<1x512x512xf32> to vector<512x512xf32>
    %swap3A_23 = vector.shape_cast %mul3A : vector<512x512xf32> to vector<1x512x512xf32>
    tpu.vector_store %arg4[%swap3A, %swap3A_19, %swap3A_20], %swap3A_23 {strides = array<i32>} : memref<1x512x512xf32, #tpu.memory_space<vmem>>, vector<1x512x512xf32>,
    %reduce_sum3A = vector.shape_cast %logistic3A_13 : vector<512x512xf32> to vector<1x512x512xf32>
    %reduce_sum3A_24 = arith.constant dense<0.000000e+00> : vector<1xf32>
    %reduce_sum3A_25 = vector.multi_reduction <add>, %reduce_sum3A, %reduce_sum3A_24 [1, 2] : vector<1x512x512xf32> to vector<1xf32>
    %reduce_sum3A_26 = vector.shape_cast %reduce_sum3A_25 : vector<1xf32> to vector<1x1x1xf32>
    %reduce_sum3A_27 = vector.extract %reduce_sum3A_26[0, 0, 0] : f32 from vector<1x1x1xf32>
    %reduce_sum3A_28 = vector.shape_cast %get3A_8 : vector<512x512xf32> to vector<1x512x512xf32>
    %reduce_sum3A_29 = arith.constant dense<0.000000e+00> : vector<1xf32>
    %reduce_sum3A_30 = vector.multi_reduction <add>, %reduce_sum3A_28, %reduce_sum3A_29 [1, 2] : vector<1x512x512xf32> to vector<1xf32>
    %reduce_sum3A_31 = vector.shape_cast %reduce_sum3A_30 : vector<1xf32> to vector<1x1x1xf32>
    %reduce_sum3A_32 = vector.extract %reduce_sum3A_31[0, 0, 0] : f32 from vector<1x1x1xf32>
    %mul3A_33 = arith.mulf %logistic3A_13, %get3A_8 : vector<512x512xf32>
    %reduce_sum3A_34 = vector.shape_cast %mul3A_33 : vector<512x512xf32> to vector<1x512x512xf32>
    %reduce_sum3A_35 = arith.constant dense<0.000000e+00> : vector<1xf32>
    %reduce_sum3A_36 = vector.multi_reduction <add>, %reduce_sum3A_34, %reduce_sum3A_35 [1, 2] : vector<1x512x512xf32> to vector<1xf32>
    %reduce_sum3A_37 = vector.shape_cast %reduce_sum3A_36 : vector<1xf32> to vector<1x1x1xf32>
    %reduce_sum3A_38 = vector.extract %reduce_sum3A_37[0, 0, 0] : f32 from vector<1x1x1xf32>
    %iota3A = tpu.iota {dimensions = array<i32: 1>} : vector<1x4xi32>
    %eq3A = arith.constant 0 : i32
    %eq3A_39 = vector.broadcast %eq3A : i32 to vector<1x4xi32>
    %eq3A_40 = arith.cmpi eq, %iota3A, %eq3A_39 : vector<1x4xi32>
    %eq3A_41 = arith.constant 1 : i32
    %eq3A_42 = vector.broadcast %eq3A_41 : i32 to vector<1x4xi32>
    %eq3A_43 = arith.cmpi eq, %iota3A, %eq3A_42 : vector<1x4xi32>
    %eq3A_44 = arith.constant 2 : i32
    %eq3A_45 = vector.broadcast %eq3A_44 : i32 to vector<1x4xi32>
    %eq3A_46 = arith.cmpi eq, %iota3A, %eq3A_45 : vector<1x4xi32>
    %jit3A = arith.constant 0.000000e+00 : f32
    %broadcast_in_dim3A = vector.broadcast %reduce_sum3A_38 : f32 to vector<1x4xf32>
    %broadcast_in_dim3A_47 = vector.broadcast %jit3A : f32 to vector<1x4xf32>
    %select_n3A = arith.select %eq3A_46, %broadcast_in_dim3A, %broadcast_in_dim3A_47 : vector<1x4xi1>, vector<1x4xf32>
    %broadcast_in_dim3A_48 = vector.broadcast %reduce_sum3A_32 : f32 to vector<1x4xf32>
    %select_n3A_49 = arith.select %eq3A_43, %broadcast_in_dim3A_48, %select_n3A : vector<1x4xi1>, vector<1x4xf32>
    %broadcast_in_dim3A_50 = vector.broadcast %reduce_sum3A_27 : f32 to vector<1x4xf32>
    %select_n3A_51 = arith.select %eq3A_40, %broadcast_in_dim3A_50, %select_n3A_49 : vector<1x4xi1>, vector<1x4xf32>
    %swap3A_52 = arith.constant 0 : index
    %swap3A_53 = arith.constant 0 : index
    %swap3A_54 = arith.constant 0 : index
    %swap3A_55 = vector.load %arg3[%swap3A_52, %swap3A_53, %swap3A_54] : memref<1x1x4xf32, #tpu.memory_space<vmem>>, vector<1x1x4xf32>
    %swap3A_56 = vector.shape_cast %swap3A_55 : vector<1x1x4xf32> to vector<1x4xf32>
    %swap3A_57 = vector.shape_cast %select_n3A_51 : vector<1x4xf32> to vector<1x1x4xf32>
    tpu.vector_store %arg3[%swap3A_52, %swap3A_53, %swap3A_54], %swap3A_57 {strides = array<i32>} : memref<1x1x4xf32, #tpu.memory_space<vmem>>, vector<1x1x4xf32>,
    return
  }
  func.func @transform_0(%arg0: i32) -> (i32, i32, i32) {
    %add3A = arith.constant 8 : i32
    %add3A_0 = arith.addi %arg0, %add3A : i32
    %c0_i32 = arith.constant 0 : i32
    %c0_i32_1 = arith.constant 0 : i32
    %c0_i32_2 = arith.constant 0 : i32
    return %add3A_0, %c0_i32, %c0_i32_1 : i32, i32, i32
  }
  func.func @transform_1(%arg0: i32) -> (i32, i32, i32) {
    %add3A = arith.constant 8 : i32
    %add3A_0 = arith.addi %arg0, %add3A : i32
    %c0_i32 = arith.constant 0 : i32
    %c0_i32_1 = arith.constant 0 : i32
    %c0_i32_2 = arith.constant 0 : i32
    return %add3A_0, %c0_i32, %c0_i32_1 : i32, i32, i32
  }
  func.func @transform_2(%arg0: i32) -> (i32, i32, i32) {
    %c0_i32 = arith.constant 0 : i32
    %c0_i32_0 = arith.constant 0 : i32
    %c0_i32_1 = arith.constant 0 : i32
    return %arg0, %c0_i32, %c0_i32_0 : i32, i32, i32
  }
  func.func @transform_3(%arg0: i32) -> (i32, i32, i32) {
    %c0_i32 = arith.constant 0 : i32
    %c0_i32_0 = arith.constant 0 : i32
    %c0_i32_1 = arith.constant 0 : i32
    return %arg0, %c0_i32, %c0_i32_0 : i32, i32, i32
  }
}

module attributes {stable_mosaic.version = 14 : i64} {
  func.func @_dense_body(%arg0: i32, %arg1: memref<1x512x512xf32, #tpu.memory_space<vmem>>, %arg2: memref<1x512x512xf32, #tpu.memory_space<vmem>>, %arg3: memref<1x1x4xf32, #tpu.memory_space<vmem>>, %arg4: memref<1x512x512xf32, #tpu.memory_space<vmem>>) attributes {dimension_semantics = [#tpu.dimension_semantics<arbitrary>], iteration_bounds = array<i64: 8>, scalar_prefetch = 0 : i64, scratch_operands = 0 : i64, tpu.core_type = #tpu.core_type<tc>, window_params = [{transform_indices = @transform_0, window_bounds = array<i64: 1, 512, 512>}, {transform_indices = @transform_1, window_bounds = array<i64: 1, 512, 512>}, {transform_indices = @transform_2, window_bounds = array<i64: 1, 1, 4>}, {transform_indices = @transform_3, window_bounds = array<i64: 1, 512, 512>}]} {
    %get3A = arith.constant 0 : index
    %get3A_0 = arith.constant 0 : index
    %get3A_1 = arith.constant 0 : index
    %get3A_2 = vector.load %arg1[%get3A, %get3A_0, %get3A_1] : memref<1x512x512xf32, #tpu.memory_space<vmem>>, vector<1x512x512xf32>
    %get3A_3 = vector.shape_cast %get3A_2 : vector<1x512x512xf32> to vector<512x512xf32>
    %get3A_4 = arith.constant 0 : index
    %get3A_5 = arith.constant 0 : index
    %get3A_6 = arith.constant 0 : index
    %get3A_7 = vector.load %arg2[%get3A_4, %get3A_5, %get3A_6] : memref<1x512x512xf32, #tpu.memory_space<vmem>>, vector<1x512x512xf32>
    %get3A_8 = vector.shape_cast %get3A_7 : vector<1x512x512xf32> to vector<512x512xf32>
    %logistic3A = arith.negf %get3A_3 : vector<512x512xf32>
    %logistic3A_9 = math.exp %logistic3A : vector<512x512xf32>
    %logistic3A_10 = arith.constant 1.000000e+00 : f32
    %logistic3A_11 = vector.broadcast %logistic3A_10 : f32 to vector<512x512xf32>
    %logistic3A_12 = arith.addf %logistic3A_11, %logistic3A_9 : vector<512x512xf32>
    %logistic3A_13 = arith.divf %logistic3A_11, %logistic3A_12 : vector<512x512xf32>
    %sub3A = arith.constant 1.000000e+00 : f32
    %sub3A_14 = vector.broadcast %sub3A : f32 to vector<512x512xf32>
    %sub3A_15 = arith.subf %sub3A_14, %logistic3A_13 : vector<512x512xf32>
    %sub3A_16 = arith.constant 1.000000e+00 : f32
    %sub3A_17 = vector.broadcast %sub3A_16 : f32 to vector<512x512xf32>
    %sub3A_18 = arith.subf %sub3A_17, %get3A_8 : vector<512x512xf32>
    %mul3A = arith.mulf %sub3A_15, %sub3A_18 : vector<512x512xf32>
    %swap3A = arith.constant 0 : index
    %swap3A_19 = arith.constant 0 : index
    %swap3A_20 = arith.constant 0 : index
    %swap3A_21 = vector.load %arg4[%swap3A, %swap3A_19, %swap3A_20] : memref<1x512x512xf32, #tpu.memory_space<vmem>>, vector<1x512x512xf32>
    %swap3A_22 = vector.shape_cast %swap3A_21 : vector<1x512x512xf32> to vector<512x512xf32>
    %swap3A_23 = vector.shape_cast %mul3A : vector<512x512xf32> to vector<1x512x512xf32>
    tpu.vector_store %arg4[%swap3A, %swap3A_19, %swap3A_20], %swap3A_23 {strides = array<i32>} : memref<1x512x512xf32, #tpu.memory_space<vmem>>, vector<1x512x512xf32>,
    %reduce_sum3A = vector.shape_cast %logistic3A_13 : vector<512x512xf32> to vector<1x512x512xf32>
    %reduce_sum3A_24 = arith.constant dense<0.000000e+00> : vector<1xf32>
    %reduce_sum3A_25 = vector.multi_reduction <add>, %reduce_sum3A, %reduce_sum3A_24 [1, 2] : vector<1x512x512xf32> to vector<1xf32>
    %reduce_sum3A_26 = vector.shape_cast %reduce_sum3A_25 : vector<1xf32> to vector<1x1x1xf32>
    %reduce_sum3A_27 = vector.extract %reduce_sum3A_26[0, 0, 0] : f32 from vector<1x1x1xf32>
    %reduce_sum3A_28 = vector.shape_cast %get3A_8 : vector<512x512xf32> to vector<1x512x512xf32>
    %reduce_sum3A_29 = arith.constant dense<0.000000e+00> : vector<1xf32>
    %reduce_sum3A_30 = vector.multi_reduction <add>, %reduce_sum3A_28, %reduce_sum3A_29 [1, 2] : vector<1x512x512xf32> to vector<1xf32>
    %reduce_sum3A_31 = vector.shape_cast %reduce_sum3A_30 : vector<1xf32> to vector<1x1x1xf32>
    %reduce_sum3A_32 = vector.extract %reduce_sum3A_31[0, 0, 0] : f32 from vector<1x1x1xf32>
    %mul3A_33 = arith.mulf %logistic3A_13, %get3A_8 : vector<512x512xf32>
    %reduce_sum3A_34 = vector.shape_cast %mul3A_33 : vector<512x512xf32> to vector<1x512x512xf32>
    %reduce_sum3A_35 = arith.constant dense<0.000000e+00> : vector<1xf32>
    %reduce_sum3A_36 = vector.multi_reduction <add>, %reduce_sum3A_34, %reduce_sum3A_35 [1, 2] : vector<1x512x512xf32> to vector<1xf32>
    %reduce_sum3A_37 = vector.shape_cast %reduce_sum3A_36 : vector<1xf32> to vector<1x1x1xf32>
    %reduce_sum3A_38 = vector.extract %reduce_sum3A_37[0, 0, 0] : f32 from vector<1x1x1xf32>
    %iota3A = tpu.iota {dimensions = array<i32: 1>} : vector<1x4xi32>
    %eq3A = arith.constant 0 : i32
    %eq3A_39 = vector.broadcast %eq3A : i32 to vector<1x4xi32>
    %eq3A_40 = arith.cmpi eq, %iota3A, %eq3A_39 : vector<1x4xi32>
    %eq3A_41 = arith.constant 1 : i32
    %eq3A_42 = vector.broadcast %eq3A_41 : i32 to vector<1x4xi32>
    %eq3A_43 = arith.cmpi eq, %iota3A, %eq3A_42 : vector<1x4xi32>
    %eq3A_44 = arith.constant 2 : i32
    %eq3A_45 = vector.broadcast %eq3A_44 : i32 to vector<1x4xi32>
    %eq3A_46 = arith.cmpi eq, %iota3A, %eq3A_45 : vector<1x4xi32>
    %jit3A = arith.constant 0.000000e+00 : f32
    %broadcast_in_dim3A = vector.broadcast %reduce_sum3A_38 : f32 to vector<1x4xf32>
    %broadcast_in_dim3A_47 = vector.broadcast %jit3A : f32 to vector<1x4xf32>
    %select_n3A = arith.select %eq3A_46, %broadcast_in_dim3A, %broadcast_in_dim3A_47 : vector<1x4xi1>, vector<1x4xf32>
    %broadcast_in_dim3A_48 = vector.broadcast %reduce_sum3A_32 : f32 to vector<1x4xf32>
    %select_n3A_49 = arith.select %eq3A_43, %broadcast_in_dim3A_48, %select_n3A : vector<1x4xi1>, vector<1x4xf32>
    %broadcast_in_dim3A_50 = vector.broadcast %reduce_sum3A_27 : f32 to vector<1x4xf32>
    %select_n3A_51 = arith.select %eq3A_40, %broadcast_in_dim3A_50, %select_n3A_49 : vector<1x4xi1>, vector<1x4xf32>
    %swap3A_52 = arith.constant 0 : index
    %swap3A_53 = arith.constant 0 : index
    %swap3A_54 = arith.constant 0 : index
    %swap3A_55 = vector.load %arg3[%swap3A_52, %swap3A_53, %swap3A_54] : memref<1x1x4xf32, #tpu.memory_space<vmem>>, vector<1x1x4xf32>
    %swap3A_56 = vector.shape_cast %swap3A_55 : vector<1x1x4xf32> to vector<1x4xf32>
    %swap3A_57 = vector.shape_cast %select_n3A_51 : vector<1x4xf32> to vector<1x1x4xf32>
    tpu.vector_store %arg3[%swap3A_52, %swap3A_53, %swap3A_54], %swap3A_57 {strides = array<i32>} : memref<1x1x4xf32, #tpu.memory_space<vmem>>, vector<1x1x4xf32>,
    return
  }
  func.func @transform_0(%arg0: i32) -> (i32, i32, i32) {
    %add3A = arith.constant 0 : i32
    %add3A_0 = arith.addi %arg0, %add3A : i32
    %c0_i32 = arith.constant 0 : i32
    %c0_i32_1 = arith.constant 0 : i32
    %c0_i32_2 = arith.constant 0 : i32
    return %add3A_0, %c0_i32, %c0_i32_1 : i32, i32, i32
  }
  func.func @transform_1(%arg0: i32) -> (i32, i32, i32) {
    %add3A = arith.constant 0 : i32
    %add3A_0 = arith.addi %arg0, %add3A : i32
    %c0_i32 = arith.constant 0 : i32
    %c0_i32_1 = arith.constant 0 : i32
    %c0_i32_2 = arith.constant 0 : i32
    return %add3A_0, %c0_i32, %c0_i32_1 : i32, i32, i32
  }
  func.func @transform_2(%arg0: i32) -> (i32, i32, i32) {
    %c0_i32 = arith.constant 0 : i32
    %c0_i32_0 = arith.constant 0 : i32
    %c0_i32_1 = arith.constant 0 : i32
    return %arg0, %c0_i32, %c0_i32_0 : i32, i32, i32
  }
  func.func @transform_3(%arg0: i32) -> (i32, i32, i32) {
    %c0_i32 = arith.constant 0 : i32
    %c0_i32_0 = arith.constant 0 : i32
    %c0_i32_1 = arith.constant 0 : i32
    return %arg0, %c0_i32, %c0_i32_0 : i32, i32, i32
  }
}

module attributes {stable_mosaic.version = 14 : i64} {
  func.func @_fin_body(%arg0: memref<32x2048xf32, #tpu.memory_space<vmem>>, %arg1: memref<32x2048xf32, #tpu.memory_space<vmem>>, %arg2: memref<16x1xf32, #tpu.memory_space<vmem>>) attributes {dimension_semantics = [], scalar_prefetch = 0 : i64, scratch_operands = 0 : i64, tpu.core_type = #tpu.core_type<tc>} {
    %get3A = arith.constant 0 : index
    %get3A_0 = arith.constant 0 : index
    %get3A_1 = vector.load %arg0[%get3A, %get3A_0] : memref<32x2048xf32, #tpu.memory_space<vmem>>, vector<32x2048xf32>
    %reshape3A = vector.shape_cast %get3A_1 : vector<32x2048xf32> to vector<8x4x2048xf32>
    %get3A_2 = arith.constant 0 : index
    %get3A_3 = arith.constant 0 : index
    %get3A_4 = vector.load %arg1[%get3A_2, %get3A_3] : memref<32x2048xf32, #tpu.memory_space<vmem>>, vector<32x2048xf32>
    %reshape3A_5 = vector.shape_cast %get3A_4 : vector<32x2048xf32> to vector<8x4x2048xf32>
    %concatenate3A = tpu.concatenate %reshape3A, %reshape3A_5 in 0 : vector<8x4x2048xf32>, vector<8x4x2048xf32> -> vector<16x4x2048xf32>
    %slice3A = vector.extract_strided_slice %concatenate3A {offsets = [0, 0, 0], sizes = [16, 1, 2048], strides = [1, 1, 1]} : vector<16x4x2048xf32> to vector<16x1x2048xf32>
    %squeeze3A = vector.shape_cast %slice3A : vector<16x1x2048xf32> to vector<16x2048xf32>
    %slice3A_6 = vector.extract_strided_slice %concatenate3A {offsets = [0, 1, 0], sizes = [16, 1, 2048], strides = [1, 1, 1]} : vector<16x4x2048xf32> to vector<16x1x2048xf32>
    %squeeze3A_7 = vector.shape_cast %slice3A_6 : vector<16x1x2048xf32> to vector<16x2048xf32>
    %add3A = arith.addf %squeeze3A, %squeeze3A_7 : vector<16x2048xf32>
    %slice3A_8 = vector.extract_strided_slice %concatenate3A {offsets = [0, 2, 0], sizes = [16, 1, 2048], strides = [1, 1, 1]} : vector<16x4x2048xf32> to vector<16x1x2048xf32>
    %squeeze3A_9 = vector.shape_cast %slice3A_8 : vector<16x1x2048xf32> to vector<16x2048xf32>
    %add3A_10 = arith.addf %add3A, %squeeze3A_9 : vector<16x2048xf32>
    %slice3A_11 = vector.extract_strided_slice %concatenate3A {offsets = [0, 3, 0], sizes = [16, 1, 2048], strides = [1, 1, 1]} : vector<16x4x2048xf32> to vector<16x1x2048xf32>
    %squeeze3A_12 = vector.shape_cast %slice3A_11 : vector<16x1x2048xf32> to vector<16x2048xf32>
    %add3A_13 = arith.addf %add3A_10, %squeeze3A_12 : vector<16x2048xf32>
    %iota3A = tpu.iota {dimensions = array<i32: 1>} : vector<16x2048xi32>
    %convert_element_type3A = arith.sitofp %iota3A : vector<16x2048xi32> to vector<16x2048xf32>
    %add3A_14 = arith.constant 1.000000e+00 : f32
    %add3A_15 = vector.broadcast %add3A_14 : f32 to vector<16x2048xf32>
    %add3A_16 = arith.addf %convert_element_type3A, %add3A_15 : vector<16x2048xf32>
    %div3A = arith.constant 2.048000e+03 : f32
    %div3A_17 = vector.broadcast %div3A : f32 to vector<16x2048xf32>
    %div3A_18 = arith.divf %div3A_17, %add3A_16 : vector<16x2048xf32>
    %mul3A = arith.mulf %add3A_13, %div3A_18 : vector<16x2048xf32>
    %slice3A_19 = vector.extract_strided_slice %mul3A {offsets = [0, 1], sizes = [16, 2047], strides = [1, 1]} : vector<16x2048xf32> to vector<16x2047xf32>
    %broadcast_in_dim3A = arith.constant 0.000000e+00 : f32
    %broadcast_in_dim3A_20 = vector.broadcast %broadcast_in_dim3A : f32 to vector<16x1xf32>
    %concatenate3A_21 = tpu.concatenate %slice3A_19, %broadcast_in_dim3A_20 in 1 : vector<16x2047xf32>, vector<16x1xf32> -> vector<16x2048xf32>
    %add3A_22 = arith.addf %mul3A, %concatenate3A_21 : vector<16x2048xf32>
    %slice3A_23 = vector.extract_strided_slice %add3A_22 {offsets = [0, 2], sizes = [16, 2046], strides = [1, 1]} : vector<16x2048xf32> to vector<16x2046xf32>
    %broadcast_in_dim3A_24 = arith.constant 0.000000e+00 : f32
    %broadcast_in_dim3A_25 = vector.broadcast %broadcast_in_dim3A_24 : f32 to vector<16x2xf32>
    %concatenate3A_26 = tpu.concatenate %slice3A_23, %broadcast_in_dim3A_25 in 1 : vector<16x2046xf32>, vector<16x2xf32> -> vector<16x2048xf32>
    %add3A_27 = arith.addf %add3A_22, %concatenate3A_26 : vector<16x2048xf32>
    %slice3A_28 = vector.extract_strided_slice %add3A_27 {offsets = [0, 4], sizes = [16, 2044], strides = [1, 1]} : vector<16x2048xf32> to vector<16x2044xf32>
    %broadcast_in_dim3A_29 = arith.constant 0.000000e+00 : f32
    %broadcast_in_dim3A_30 = vector.broadcast %broadcast_in_dim3A_29 : f32 to vector<16x4xf32>
    %concatenate3A_31 = tpu.concatenate %slice3A_28, %broadcast_in_dim3A_30 in 1 : vector<16x2044xf32>, vector<16x4xf32> -> vector<16x2048xf32>
    %add3A_32 = arith.addf %add3A_27, %concatenate3A_31 : vector<16x2048xf32>
    %slice3A_33 = vector.extract_strided_slice %add3A_32 {offsets = [0, 8], sizes = [16, 2040], strides = [1, 1]} : vector<16x2048xf32> to vector<16x2040xf32>
    %broadcast_in_dim3A_34 = arith.constant 0.000000e+00 : f32
    %broadcast_in_dim3A_35 = vector.broadcast %broadcast_in_dim3A_34 : f32 to vector<16x8xf32>
    %concatenate3A_36 = tpu.concatenate %slice3A_33, %broadcast_in_dim3A_35 in 1 : vector<16x2040xf32>, vector<16x8xf32> -> vector<16x2048xf32>
    %add3A_37 = arith.addf %add3A_32, %concatenate3A_36 : vector<16x2048xf32>
    %slice3A_38 = vector.extract_strided_slice %add3A_37 {offsets = [0, 16], sizes = [16, 2032], strides = [1, 1]} : vector<16x2048xf32> to vector<16x2032xf32>
    %broadcast_in_dim3A_39 = arith.constant 0.000000e+00 : f32
    %broadcast_in_dim3A_40 = vector.broadcast %broadcast_in_dim3A_39 : f32 to vector<16x16xf32>
    %concatenate3A_41 = tpu.concatenate %slice3A_38, %broadcast_in_dim3A_40 in 1 : vector<16x2032xf32>, vector<16x16xf32> -> vector<16x2048xf32>
    %add3A_42 = arith.addf %add3A_37, %concatenate3A_41 : vector<16x2048xf32>
    %slice3A_43 = vector.extract_strided_slice %add3A_42 {offsets = [0, 32], sizes = [16, 2016], strides = [1, 1]} : vector<16x2048xf32> to vector<16x2016xf32>
    %broadcast_in_dim3A_44 = arith.constant 0.000000e+00 : f32
    %broadcast_in_dim3A_45 = vector.broadcast %broadcast_in_dim3A_44 : f32 to vector<16x32xf32>
    %concatenate3A_46 = tpu.concatenate %slice3A_43, %broadcast_in_dim3A_45 in 1 : vector<16x2016xf32>, vector<16x32xf32> -> vector<16x2048xf32>
    %add3A_47 = arith.addf %add3A_42, %concatenate3A_46 : vector<16x2048xf32>
    %slice3A_48 = vector.extract_strided_slice %add3A_47 {offsets = [0, 64], sizes = [16, 1984], strides = [1, 1]} : vector<16x2048xf32> to vector<16x1984xf32>
    %broadcast_in_dim3A_49 = arith.constant 0.000000e+00 : f32
    %broadcast_in_dim3A_50 = vector.broadcast %broadcast_in_dim3A_49 : f32 to vector<16x64xf32>
    %concatenate3A_51 = tpu.concatenate %slice3A_48, %broadcast_in_dim3A_50 in 1 : vector<16x1984xf32>, vector<16x64xf32> -> vector<16x2048xf32>
    %add3A_52 = arith.addf %add3A_47, %concatenate3A_51 : vector<16x2048xf32>
    %slice3A_53 = vector.extract_strided_slice %add3A_52 {offsets = [0, 128], sizes = [16, 1920], strides = [1, 1]} : vector<16x2048xf32> to vector<16x1920xf32>
    %broadcast_in_dim3A_54 = arith.constant 0.000000e+00 : f32
    %broadcast_in_dim3A_55 = vector.broadcast %broadcast_in_dim3A_54 : f32 to vector<16x128xf32>
    %concatenate3A_56 = tpu.concatenate %slice3A_53, %broadcast_in_dim3A_55 in 1 : vector<16x1920xf32>, vector<16x128xf32> -> vector<16x2048xf32>
    %add3A_57 = arith.addf %add3A_52, %concatenate3A_56 : vector<16x2048xf32>
    %slice3A_58 = vector.extract_strided_slice %add3A_57 {offsets = [0, 256], sizes = [16, 1792], strides = [1, 1]} : vector<16x2048xf32> to vector<16x1792xf32>
    %broadcast_in_dim3A_59 = arith.constant 0.000000e+00 : f32
    %broadcast_in_dim3A_60 = vector.broadcast %broadcast_in_dim3A_59 : f32 to vector<16x256xf32>
    %concatenate3A_61 = tpu.concatenate %slice3A_58, %broadcast_in_dim3A_60 in 1 : vector<16x1792xf32>, vector<16x256xf32> -> vector<16x2048xf32>
    %add3A_62 = arith.addf %add3A_57, %concatenate3A_61 : vector<16x2048xf32>
    %slice3A_63 = vector.extract_strided_slice %add3A_62 {offsets = [0, 512], sizes = [16, 1536], strides = [1, 1]} : vector<16x2048xf32> to vector<16x1536xf32>
    %broadcast_in_dim3A_64 = arith.constant 0.000000e+00 : f32
    %broadcast_in_dim3A_65 = vector.broadcast %broadcast_in_dim3A_64 : f32 to vector<16x512xf32>
    %concatenate3A_66 = tpu.concatenate %slice3A_63, %broadcast_in_dim3A_65 in 1 : vector<16x1536xf32>, vector<16x512xf32> -> vector<16x2048xf32>
    %add3A_67 = arith.addf %add3A_62, %concatenate3A_66 : vector<16x2048xf32>
    %slice3A_68 = vector.extract_strided_slice %add3A_67 {offsets = [0, 1024], sizes = [16, 1024], strides = [1, 1]} : vector<16x2048xf32> to vector<16x1024xf32>
    %broadcast_in_dim3A_69 = arith.constant 0.000000e+00 : f32
    %broadcast_in_dim3A_70 = vector.broadcast %broadcast_in_dim3A_69 : f32 to vector<16x1024xf32>
    %concatenate3A_71 = tpu.concatenate %slice3A_68, %broadcast_in_dim3A_70 in 1 : vector<16x1024xf32>, vector<16x1024xf32> -> vector<16x2048xf32>
    %add3A_72 = arith.addf %add3A_67, %concatenate3A_71 : vector<16x2048xf32>
    %ge3A = arith.constant 2.621400e+04 : f32
    %ge3A_73 = vector.broadcast %ge3A : f32 to vector<16x2048xf32>
    %ge3A_74 = arith.cmpf oge, %add3A_72, %ge3A_73 : vector<16x2048xf32>
    %jit3A = arith.constant 0 : i32
    %broadcast_in_dim3A_75 = vector.broadcast %jit3A : i32 to vector<16x2048xi32>
    %select_n3A = arith.select %ge3A_74, %iota3A, %broadcast_in_dim3A_75 : vector<16x2048xi1>, vector<16x2048xi32>
    %reduce_max3A = arith.constant dense<-2147483648> : vector<16xi32>
    %reduce_max3A_76 = vector.multi_reduction <maxsi>, %select_n3A, %reduce_max3A [1] : vector<16x2048xi32> to vector<16xi32>
    %broadcast_in_dim3A_77 = vector.shape_cast %reduce_max3A_76 : vector<16xi32> to vector<16x1xi32>
    %convert_element_type3A_78 = arith.sitofp %broadcast_in_dim3A_77 : vector<16x1xi32> to vector<16x1xf32>
    %mul3A_79 = arith.constant 4.8828125E-4 : f32
    %mul3A_80 = vector.broadcast %mul3A_79 : f32 to vector<16x1xf32>
    %mul3A_81 = arith.mulf %convert_element_type3A_78, %mul3A_80 : vector<16x1xf32>
    %ge3A_82 = vector.broadcast %broadcast_in_dim3A_77 : vector<16x1xi32> to vector<16x2048xi32>
    %ge3A_83 = arith.cmpi sge, %iota3A, %ge3A_82 : vector<16x2048xi32>
    %jit3A_84 = arith.constant 0.000000e+00 : f32
    %broadcast_in_dim3A_85 = vector.broadcast %jit3A_84 : f32 to vector<16x2048xf32>
    %select_n3A_86 = arith.select %ge3A_83, %mul3A, %broadcast_in_dim3A_85 : vector<16x2048xi1>, vector<16x2048xf32>
    %reduce_sum3A = arith.constant dense<0.000000e+00> : vector<16xf32>
    %reduce_sum3A_87 = vector.multi_reduction <add>, %select_n3A_86, %reduce_sum3A [1] : vector<16x2048xf32> to vector<16xf32>
    %broadcast_in_dim3A_88 = vector.shape_cast %reduce_sum3A_87 : vector<16xf32> to vector<16x1xf32>
    %jit3A_89 = arith.constant 0.000000e+00 : f32
    %broadcast_in_dim3A_90 = vector.broadcast %jit3A_89 : f32 to vector<16x2048xf32>
    %select_n3A_91 = arith.select %ge3A_83, %add3A_13, %broadcast_in_dim3A_90 : vector<16x2048xi1>, vector<16x2048xf32>
    %reduce_sum3A_92 = arith.constant dense<0.000000e+00> : vector<16xf32>
    %reduce_sum3A_93 = vector.multi_reduction <add>, %select_n3A_91, %reduce_sum3A_92 [1] : vector<16x2048xf32> to vector<16xf32>
    %broadcast_in_dim3A_94 = vector.shape_cast %reduce_sum3A_93 : vector<16xf32> to vector<16x1xf32>
    %mul3A_95 = arith.mulf %mul3A_81, %broadcast_in_dim3A_88 : vector<16x1xf32>
    %sub3A = arith.subf %broadcast_in_dim3A_94, %mul3A_95 : vector<16x1xf32>
    %mul3A_96 = arith.constant 2.621400e+04 : f32
    %mul3A_97 = vector.broadcast %mul3A_96 : f32 to vector<16x1xf32>
    %mul3A_98 = arith.mulf %mul3A_97, %mul3A_81 : vector<16x1xf32>
    %add3A_99 = arith.addf %sub3A, %mul3A_98 : vector<16x1xf32>
    %swap3A = arith.constant 0 : index
    %swap3A_100 = arith.constant 0 : index
    %swap3A_101 = vector.load %arg2[%swap3A, %swap3A_100] : memref<16x1xf32, #tpu.memory_space<vmem>>, vector<16x1xf32>
    tpu.vector_store %arg2[%swap3A, %swap3A_100], %add3A_99 {strides = array<i32>} : memref<16x1xf32, #tpu.memory_space<vmem>>, vector<16x1xf32>,
    return
  }
}

</mosaic_0001>

<sc_bundles>
// kernel: sc_hist_half.4.cloned.1.call-start
scs
__scs_entry_jumppad:
0x0: {  	(pc) =	sbr.rel $0x88, $3  }
0x1: {  	(tag) =	ssettag $0x0;
	lr =	simm.s32 $0x1  }
0x2: {  	[smem:$0x3F9F] =	sst lr;
	_ =	strace $0xD0000000  }
0x3: {  	_ = 	snop  }
0x4: {  	_ = 	snop  }
0x5: {  	_ = 	snop  }
0x6: {  	_ = 	snop  }
0x7: {  	_ = 	snop  }
__scs_overlays_trampoline_lowered:
0x8: {  	[smem:$0x3FAE] =	sst s0  }
0x9: {  	[smem:$0x3FAF] =	sst s1  }
0xa: {  	[smem:$0x3FB0] =	sst s2  }
0xb: {  	[smem:$0x3FB1] =	sst s3  }
0xc: {  	[smem:$0x3FB2] =	sst s4  }
0xd: {  	[smem:$0x3FB3] =	sst s5  }
0xe: {  	[smem:$0x3FB4] =	sst s6  }
0xf: {  	[smem:$0x3FB5] =	sst s7  }
0x10: {  	[smem:$0x3FB6] =	sst s8  }
0x11: {  	[smem:$0x3FB7] =	sst s9;
	s0 =	simm.s32 @!p0 $0x0  }
0x12: {  	s1 =	sld [smem:$0x3F9D];
	s0 =	simm.s32 @p0 $0x1  }
0x13: {  	[smem:$0x3FB8] =	sst s0;
	s0 =	simm.s32 @!p1 $0x0  }
0x14: {  	s2 =	sld [smem:$0x3F9C];
	s0 =	simm.s32 @p1 $0x1  }
0x15: {  	[smem:$0x3FB9] =	sst s0;
	s0 =	simm.s32 @!p2 $0x0  }
0x16: {  	s3 =	sld [smem:$0x3FDB];
	s0 =	simm.s32 @p2 $0x1  }
0x17: {  	s4 =	simm.s32 $0x1BF5;
	[smem:$0x3FBB] =	sst s0  }
0x18: {  	s0 =	sld [smem:$0x3F9E];
	_ =	swait.ge [sflag:s4], $0x0  }
0x19: {  	s7 =	sld [smem:$0x3F9F]  }
0x1a: {  	s8 =	sadd.s32 $0xFFFFE003, lr  }
0x1b: {  	s9 =	sadd.s32 $0xFFFFFEF7, lr;
	s5 =	simm.s32 $0xFFFFFFFF;
	p2 =	slt.u32 s8, $0xFFFFF086  }
0x1c: {  	p1 =	slt.u32 s9, $0xF7A;
	s5 =	simm.s32 @!p2 $0x0  }
0x1d: {  	s5 =	simm.s32 @p1 $0x1;
	p0 =	seq.s32 s7, s2  }
0x1e: {  	s7 =	smul.u32 @!p0 $0xF7A, s2;
	p2 =	seq.s32 @!p0 s5, $0x0  }
0x1f: {  	s9 =	smul.u32 $0xF7A, s1;
	s8 =	simm.s32 @!p0 $0x1BF5;
	p2 =	por !p2, p0  }
0x20: {  	[sflag:s8] =	ssyncset.s32 @!p0 $0xFFFFF086;
	s6 =	sadd.s32 @!p0 s3, s7;
	s7 =	simm.s32 @!p0 $0x108  }
0x21: {  	s3 =	sadd.s32 s3, s9;
	s6 =	sadd.s32 @!p0 $0x88, s6;
	s7 =	simm.s32 @p2 $0x1082  }
0x22: {  	[simem:s7], [sflag:s8] =	dma.local @!p0 [hbm:s6], $0xF7A  }
0x23: {  	s9 =	sor.u32 $0xD0000000, s2;
	s6 =	simm.s32 $0x108;
	_ =	swait.ge @!p0 [sflag:s8], $0x0  }
0x24: {  	s3 =	sadd.s32 $0x88, s3;
	s6 =	simm.s32 @!p1 $0x1082;
	[sflag:s4] =	ssyncset.s32 $0xFFFFF086  }
0x25: {  	[simem:s6], [sflag:s4] =	dma.local [hbm:s3], $0xF7A  }
0x26: {  	[smem:$0x3F9F] =	sst s1;
	(tag) =	ssettag s2;
	_ =	strace s9  }
0x27: {  	s1 =	sld [smem:$0x3FAF]  }
0x28: {  	s2 =	sld [smem:$0x3FB0]  }
0x29: {  	s4 =	sld [smem:$0x3FB2]  }
0x2a: {  	p0 =	seq.s32 s5, $0x0;
	s5 =	sld [smem:$0x3FB3]  }
0x2b: {  	s6 =	sld [smem:$0x3FB4]  }
0x2c: {  	s7 =	sld [smem:$0x3FB5]  }
0x2d: {  	s3 =	simm.s32 $0x108;
	s8 =	sld [smem:$0x3FB6]  }
0x2e: {  	s3 =	simm.s32 @!p0 $0x1082;
	s9 =	sld [smem:$0x3FB7]  }
0x2f: {  	lr =	sadd.s32 s0, s3;
	s0 =	sld [smem:$0x3FAE]  }
0x30: {  	s3 =	sld [smem:$0x3FB1]  }
0x31: {  	[smem:$0x3FBA] =	sst s10  }
0x32: {  	s10 =	sld [smem:$0x3FB8];
	_ =	sdelay $0x3  }
0x33: {  	p0 =	seq.s32 s10, $0x1;
	s10 =	sld [smem:$0x3FBA];
	_ =	sdelay $0x3  }
0x34: {  	[smem:$0x3FBA] =	sst s10  }
0x35: {  	s10 =	sld [smem:$0x3FB9];
	_ =	sdelay $0x3  }
0x36: {  	p1 =	seq.s32 s10, $0x1;
	s10 =	sld [smem:$0x3FBA];
	_ =	sdelay $0x3  }
0x37: {  	[smem:$0x3FBA] =	sst s10  }
0x38: {  	s10 =	sld [smem:$0x3FBB]  }
0x39: {  	_ = 	snop;
	(pc) =	sbr.ind lr, $3  }
0x3a: {  	_ = 	snop  }
0x3b: {  	_ = 	snop  }
0x3c: {  	p2 =	seq.s32 s10, $0x1;
	s10 =	sld [smem:$0x3FBA]  }
0x3d: {  	_ =	shalt  }
0x3e: {  	_ =	shalt  }
0x3f: {  	_ =	shalt  }
0x40: {  	_ =	shalt  }
0x41: {  	_ =	shalt  }
0x42: {  	_ =	shalt  }
0x43: {  	_ =	shalt  }
0x44: {  	_ =	shalt  }
0x45: {  	_ =	shalt  }
0x46: {  	_ =	shalt  }
0x47: {  	_ =	shalt  }
0x48: {  	_ =	shalt  }
0x49: {  	_ =	shalt  }
0x4a: {  	_ =	shalt  }
0x4b: {  	_ =	shalt  }
0x4c: {  	_ =	shalt  }
0x4d: {  	_ =	shalt  }
0x4e: {  	_ =	shalt  }
0x4f: {  	_ =	shalt  }
0x50: {  	_ =	shalt  }
0x51: {  	_ =	shalt  }
0x52: {  	_ =	shalt  }
0x53: {  	_ =	shalt  }
0x54: {  	_ =	shalt  }
0x55: {  	_ =	shalt  }
0x56: {  	_ =	shalt  }
0x57: {  	_ =	shalt  }
0x58: {  	_ =	shalt  }
0x59: {  	_ =	shalt  }
0x5a: {  	_ =	shalt  }
0x5b: {  	_ =	shalt  }
0x5c: {  	_ =	shalt  }
0x5d: {  	_ =	shalt  }
0x5e: {  	_ =	shalt  }
0x5f: {  	_ =	shalt  }
0x60: {  	_ =	shalt  }
0x61: {  	_ =	shalt  }
0x62: {  	_ =	shalt  }
0x63: {  	_ =	shalt  }
0x64: {  	_ =	shalt  }
0x65: {  	_ =	shalt  }
0x66: {  	_ =	shalt  }
0x67: {  	_ =	shalt  }
0x68: {  	_ =	shalt  }
0x69: {  	_ =	shalt  }
0x6a: {  	_ =	shalt  }
0x6b: {  	_ =	shalt  }
0x6c: {  	_ =	shalt  }
0x6d: {  	_ =	shalt  }
0x6e: {  	_ =	shalt  }
0x6f: {  	_ =	shalt  }
0x70: {  	_ =	shalt  }
0x71: {  	_ =	shalt  }
0x72: {  	_ =	shalt  }
0x73: {  	_ =	shalt  }
0x74: {  	_ =	shalt  }
0x75: {  	_ =	shalt  }
0x76: {  	_ =	shalt  }
0x77: {  	_ =	shalt  }
0x78: {  	_ =	shalt  }
0x79: {  	_ =	shalt  }
0x7a: {  	_ =	shalt  }
0x7b: {  	_ =	shalt  }
0x7c: {  	_ =	shalt  }
0x7d: {  	_ =	shalt  }
0x7e: {  	_ =	shalt  }
0x7f: {  	_ =	shalt  }
0x80: {  	_ =	shalt  }
0x81: {  	_ =	shalt  }
0x82: {  	_ =	shalt  }
0x83: {  	_ =	shalt  }
0x84: {  	_ =	shalt  }
0x85: {  	_ =	shalt  }
0x86: {  	_ =	shalt  }
0x87: {  	_ =	shalt  }
.Lfunc_end0:
.L_simem_size_0:
called_computation_lowered:
.L_overlay_start_0:
0x88: {  	s2 =	sld [smem:$0x3FD9]  }
0x89: {  	s3 =	sld [smem:$0x3FFE];
	_ =	sdelay $0x1  }
0x8a: {  	s1 =	srdreg.scid  }
0x8b: {  	s0 =	sand.u32 $0x1, s1  }
0x8c: {  	s17 =	sshll.u32 s0, $0xA;
	s2 =	sadd.s32 s3, s2  }
0x8d: {  	s2 =	sadd.s32 s2, s17  }
0x8e: {  	[smem:$0x3FC6] =	sst s2  }
0x8f: {  	_ = 	snop  }
0x90: {  	(tm) =	ssettm $0x1  }
0x91: {  	s18 =	sld [smem:$0x3FFB];
	_ =	sdelay $0x3  }
0x92: {  	_ =	strace s18  }
0x93: {  	s2 =	sld [smem:$0x3FFC];
	_ =	sdelay $0x3  }
0x94: {  	_ =	strace s2  }
0x95: {  	s2 =	sld [smem:$0x3FFD];
	_ =	sdelay $0x3  }
0x96: {  	_ =	strace s2  }
0x97: {  	_ =	strace $0x8FFFFFFF  }
0x98: {  	s19 =	sld [smem:$0x3FDB];
	_ =	sdelay $0x1  }
0x99: {  	s20 =	simm.s32 $_scs_section_size  }
0x9a: {  	s4 =	simm.s32 $_size__tile_overlayer_lowered;
	s5 =	simm.s32 $_tile_overlayer_lowered  }
0x9b: {  	s6 =	simm.s32 $0x1BFF;
	s21 =	sshll.u32 s5, $0x1;
	s3 =	sadd.s32 s20, s19  }
0x9c: {  	s22 =	simm.s32 $0x0;
	s4 =	sshll.u32 s4, $0x1;
	s5 =	sadd.s32 s21, s3  }
0x9d: {  	[timem:s22], [sflag:s6] =	dma.local [hbm:s5], s4  }
0x9e: {  	_ =	swait.ge [sflag:s6], s4  }
0x9f: {  	s4 =	ssub.s32 $0x0, s4;
	[sflag:s6] =	ssyncset.done $0x0  }
0xa0: {  	[sflag:s6] =	ssyncadd.s32 s4;
	_ =	sdelay $0x1  }
0xa1: {  	s23 =	simm.s32 $0x1B8B  }
0xa2: {  	_ =	swait.ge [sflag:s23], $0x1  }
0xa3: {  	[sflag:s23] =	ssyncset.done $0x0  }
0xa4: {  	[sflag:s23] =	ssyncadd.s32 $0xFFFFFFFF  }
0xa5: {  	s4 =	sld [smem:$0x0]  }
0xa6: {  	s5 =	sand.u32 $0xFFFFFFFE, s1  }
0xa7: {  	p0 =	sne.s32 s1, s5  }
0xa8: {  	s5 =	sshll.u32 @p0 s5, $0xE  }
0xa9: {  	s5 =	sadd.s32 @p0 $0x11B8D, s5;
	s6 =	sshll.u32 @p0 s4, $0x11  }
0xaa: {  	s5 =	sor.u32 @p0 s6, s5  }
0xab: {  	[sflag:s5] =	ssyncadd.remote.s32 @p0 $0x1;
	_ =	sdelay $0x1  }
0xac: {  	s5 =	simm.s32 @p0 $0x1B8D  }
0xad: {  	_ =	swait.eq @p0 [sflag:s5], $0x1  }
0xae: {  	[sflag:s5] =	ssyncadd.s32 @p0 $0xFFFFFFFF  }
0xaf: {  	s6 =	sshll.u32 @!p0 s1, $0xE  }
0xb0: {  	s6 =	sor.u32 @!p0 $0x4000, s6;
	s5 =	simm.s32 @!p0 $0x1B8D  }
0xb1: {  	s4 =	sshll.u32 @!p0 s4, $0x11;
	s6 =	sadd.s32 @!p0 $0x11B8D, s6;
	_ =	swait.eq @!p0 [sflag:s5], $0x1  }
0xb2: {  	s4 =	sor.u32 @!p0 s4, s6;
	[sflag:s5] =	ssyncadd.s32 @!p0 $0xFFFFFFFF  }
0xb3: {  	s25 =	simm.s32 $0x1B8E;
	s24 =	sld [smem:$0x3FFE];
	[sflag:s4] =	ssyncadd.remote.s32 @!p0 $0x1  }
0xb4: {  	s26 =	simm.s32 $execute0_lowered;
	[smem:$0x3FD2] =	sst s25  }
0xb5: {  	s5 =	sshll.u32 s26, $0x1;
	_ =	strace $0x80000049;
	[dreg:$0x1] =	wrdreg $0xFFFFFFFF  }
0xb6: {  	s28 =	simm.s32 $_size_execute0_lowered;
	s3 =	sadd.s32 s3, s5;
	[dreg:$0x0] =	wrdreg $0x0  }
0xb7: {  	s5 =	sshll.u32 s28, $0x1;
	[dreg:$0x2] =	wrdreg s3  }
0xb8: {  	[dreg:$0x3] =	wrdreg s5  }
0xb9: {  	[dreg:$0x4] =	wrdreg $0xC0  }
0xba: {  	_ =	task [dreg:s22], $0x5FFFF  }
0xbb: {  	[dreg:$0x1] =	wrdreg $0xFFFFFFFF  }
0xbc: {  	[dreg:$0x0] =	wrdreg $0x60  }
0xbd: {  	[dreg:$0x2] =	wrdreg s24  }
0xbe: {  	[dreg:$0x3] =	wrdreg $0x9  }
0xbf: {  	_ =	task.clear_ibuf [dreg:s22], $0x4FFFF;
	_ =	strace $0x90000049  }
0xc0: {  	s29 =	simm.s32 $0x9;
	_ =	strace $0x8000004B  }
0xc1: {  	_ =	swait.ge [sflag:s29], $0x1  }
0xc2: {  	[sflag:s29] =	ssyncadd.s32 $0xFFFFFFFF  }
0xc3: {  	_ =	strace $0x9000004B  }
0xc4: {  	_ =	sfence  }
0xc5: {  	s30 =	sld [smem:$0x0];
	_ =	sdelay $0x2  }
0xc6: {  	s31 =	sshll.u32 s1, $0xD;
	s1 =	sshrl.u32 s1, $0x2  }
0xc7: {  	s4 =	sand.u32 $0x4000, s31;
	s1 =	sadd.s32 s1, s30  }
0xc8: {  	s0 =	sor.u32 s4, s0;
	s1 =	sshll.u32 s1, $0x11  }
0xc9: {  	s0 =	sor.u32 s1, s0  }
0xca: {  	s0 =	sadd.s32 $0x8F2B, s0  }
0xcb: {  	[sflag:s0] =	ssyncadd.remote.s32 $0x1  }
0xcc: {  	_ =	sfence.sel $0xFFFF  }
0xcd: {  	[dreg:$0x0] =	wrdreg $0xFFFFFFFF;
	(pc) =	sbr.abs _section_cstart, $3  }
0xce: {  	[dreg:$0x1] =	wrdreg $0xFFFFFFFF  }
0xcf: {  	_ =	task.clear_ibuf [dreg:s22], $0x2FFFF;
	_ =	strace $0x9FFFFFFF  }
0xd0: {  	(tm) =	ssettm $0x7FFFFFFF  }
0xd1: {  	_ =	shalt  }
tec
execute0_lowered:
.L_overlay_start_1:
0x0: {  	(tag) =	ssettag $0x1  }
0x1: {  	s4 =	rddreg [dreg:$0x0]  }
0x2: {  	s0 =	rddreg [dreg:$0x1];
	s2 =	simm.s32 $0x0  }
0x3: {  	s1 =	stileid.u32;
	s3 =	srdreg.scid;
	s12 =	simm.s32 $0x2  }
0x4: {  	s13 =	simm.s32 $0x80;
	s14 =	simm.s32 $0x400;
	s15 =	simm.s32 $0x3  }
0x5: {  	s16 =	simm.s32 $0x0;
	[smem:$0x7FF] =	sst s2;
	s5 =	sand.u32 $0x1, s3  }
0x6: {  	s6 =	sshll.u32 s1, $0x1;
	s3 =	sadd.s32 $0x42A00, s4;
	s7 =	sshll.u32 s1, $0x9  }
0x7: {  	s9 =	sshll.u32 s1, $0x11;
	_ =	strace $0x8000004A;
	s6 =	sor.u32 s5, s6  }
0x8: {  	s7 =	sand.u32 $0x1800, s7;
	s28 =	sand.u32 $0x1C0000, s9;
	s5 =	ssub.s32 $0x2, s5  }
0x9: {  	s9 =	simm.s32 $0x1;
	s8 =	sshll.u32 s6, $0x10;
	s7 =	sadd.s32 s7, s4  }
0xa: {  	s29 =	sshll.u32 s6, $0x4;
	s30 =	sshrl.u32 s5, $0x1;
	s26 =	sand.u32 $0x30000, s8  }
0xb: {  	s10 =	sand.u32 $0x70, s29;
	s11 =	ssub.s32 s5, s30;
	s8 =	sor.u32 s28, s26  }
0xc: {  	s7 =	sadd.s32 s10, s7;
	s10 =	simm.s32 $0x4000;
	s31 =	sshrl.u32 s8, $0x3  }
0xd: {  	s5 =	sor.u32 $0x4000, s8;
	s7 =	sadd.s32 $0x82A00, s7;
	s4 =	sadd.s32 s3, s31  }
0xe: {  	v0 =	vimm.f32 $0.0e+00;
	s8 =	smax.u32 s11, $0x1;
	s11 =	simm.s32 $0x8000;
	s6 =	sadd.s32 $0x1000, s4  }
.LBB2_1:
0xf: {  	[tilespmem:s2], [sflag:$0x1] =	stream.linear.gather [hbm4b:s4+s2], $0x4000, $0x38;
	[tilespmem:$0x8800] =	vst v63  }
0x10: {  	s17 =	simm.s32 $0x0  }
.LBB2_2:
0x11: {  	p0 =	sne.s32 s17, $0x1FC0  }
.Ltmp0:
0x12: {  	_ = 	snop;
	(pc) =	sbr.rel @p0 .LBB2_2-.Ltmp0, $3  }
0x13: {  	_ =	sdelay $0x1  }
0x14: {  	s18 =	sshra.s32 s17, $0x2  }
0x15: {  	s17 =	sadd.s32 $0x40, s17;
	[tilespmem:s18+$0x8000] =	vst v0  }
0x16: {  	s17 =	simm.s32 $0x0;
	p1 =	por $0x1, $0x1;
	s18 =	simm.s32 $0x0  }
.LBB2_4:
0x17: {  	_ =	swait.ge [sflag:s9], $0x4000;
	s18 =	sor.u32 s5, s18  }
0x18: {  	s31 =	sand.u32 $0x3000, s17;
	[sflag:s9] =	ssyncset.done $0x0;
	s18 =	sshrl.u32 s18, $0x3  }
0x19: {  	s19 =	sand.u32 $0x380, s17;
	[sflag:s9] =	ssyncadd.s32 $0xFFFFC000;
	s18 =	sadd.s32 s3, s18  }
0x1a: {  	[tilespmem:s10], [sflag:$0x2] =	stream.linear.gather [hbm4b:s18+s17], $0x4000, $0x38;
	[tilespmem:$0x8800] =	vst v63  }
0x1b: {  	s18 =	sor.u32 s19, s31  }
0x1c: {  	v10 =	vld [tilespmem:s18+$0x70]  }
0x1d: {  	v13 =	vld [tilespmem:s18+$0x50]  }
0x1e: {  	v1 =	vld [tilespmem:s18+$0x470]  }
0x1f: {  	v2 =	vld [tilespmem:s18+$0x460]  }
0x20: {  	v38 =	vld [tilespmem:s18+$0x30]  }
0x21: {  	v40 =	vld [tilespmem:s18+$0x20]  }
0x22: {  	v41 =	vld [tilespmem:s18+$0x10]  }
0x23: {  	v42 =	vld [tilespmem:s18+$0x0]  }
0x24: {  	v15 =	vld [tilespmem:s18+$0x410]  }
0x25: {  	v16 =	vld [tilespmem:s18+$0x420]  }
0x26: {  	v17 =	vld [tilespmem:s18+$0x430]  }
0x27: {  	v46 =	vld [tilespmem:s18+$0x40];
	v3 =	vmul.f32 $2.048000000e+03, v10  }
0x28: {  	v33 =	vld [tilespmem:s18+$0x440];
	v4 =	vmul.f32 $2.048000000e+03, v13;
	v5 =	vmul.f32 $2.048000000e+03, v2  }
0x29: {  	v34 =	vld [tilespmem:s18+$0x450];
	v6 =	vmul.f32 $2.048000000e+03, v38;
	v8 =	vmul.f32 $2.048000000e+03, v1  }
0x2a: {  	v7 =	vmul.f32 $2.048000000e+03, v40;
	v9 =	vmul.f32 $2.048000000e+03, v41  }
0x2b: {  	v12 =	vmul.f32 $2.048000000e+03, v42;
	v18 =	vmul.f32 $2.048000000e+03, v15  }
0x2c: {  	v19 =	vmul.f32 $2.048000000e+03, v16;
	v25 =	vmul.f32 $2.048000000e+03, v17  }
0x2d: {  	v26 =	vmul.f32 $2.048000000e+03, v46;
	v50 =	vmul.f32 $2.048000000e+03, v33  }
0x2e: {  	v59 =	vmul.f32 $2.048000000e+03, v34;
	v3 =	vtrunc.f32 v3  }
0x2f: {  	v4 =	vtrunc.f32 v4;
	v6 =	vtrunc.f32 v6  }
0x30: {  	v14 =	vtrunc.f32 v7;
	v9 =	vtrunc.f32 v9  }
0x31: {  	v5 =	vtrunc.f32 v5;
	v12 =	vtrunc.f32 v12  }
0x32: {  	v19 =	vtrunc.f32 v19;
	v30 =	vtrunc.f32 v26  }
0x33: {  	v11 =	vld [tilespmem:s18+$0x400];
	v60 =	vtrunc.f32 v50;
	v63 =	vtrunc.f32 v59  }
0x34: {  	v3 =	vcvt.f32.s32 v3;
	v4 =	vcvt.f32.s32 v4  }
0x35: {  	v5 =	vcvt.f32.s32 v5;
	v14 =	vcvt.f32.s32 v14  }
0x36: {  	v7 =	vld [tilespmem:s18+$0x840];
	v49 =	vcvt.f32.s32 v19;
	v51 =	vcvt.f32.s32 v30  }
0x37: {  	v26 =	vld [tilespmem:s18+$0x810];
	vm0 =	vlt.s32 v3, $0x7FF;
	vm11 =	vlt.s32 v4, $0x7FF;
	vm12 =	vlt.s32 v5, $0x7FF  }
0x38: {  	vm14 =	vlt.s32 v14, $0x7FF;
	v21 =	vnsel vm0, $0x7FF, v3;
	v3 =	vmul.f32 $2.048000000e+03, v11  }
0x39: {  	v24 =	vnsel vm11, $0x7FF, v4;
	v4 =	vcvt.f32.s32 v12;
	v12 =	vcvt.f32.s32 v6  }
0x3a: {  	vm9 =	vlt.s32 v51, $0x7FF;
	v6 =	vtrunc.f32 v8;
	v8 =	vcvt.f32.s32 v9  }
0x3b: {  	v32 =	vld [tilespmem:s18+$0x60];
	v20 =	vnsel vm12, $0x7FF, v5;
	v48 =	vnsel vm14, $0x7FF, v14;
	v9 =	vcvt.f32.s32 v6  }
0x3c: {  	v51 =	vnsel vm9, $0x7FF, v51;
	v27 =	vmul.f32 $2.048000000e+03, v7;
	v54 =	vmul.f32 $2.048000000e+03, v26  }
0x3d: {  	v5 =	vld [tilespmem:s18+$0x860];
	vm1 =	vlt.s32 v4, $0x7FF;
	vm13 =	vlt.s32 v8, $0x7FF;
	vm2 =	vlt.s32 v12, $0x7FF  }
0x3e: {  	v22 =	vtrunc.f32 v3;
	vm3 =	vlt.s32 v9, $0x7FF;
	v44 =	vnsel vm1, $0x7FF, v4  }
0x3f: {  	v6 =	vld [tilespmem:s18+$0x850];
	v4 =	vtrunc.f32 v18;
	v45 =	vnsel vm13, $0x7FF, v8;
	v29 =	vtrunc.f32 v27  }
0x40: {  	v3 =	vld [tilespmem:s18+$0x870];
	v47 =	vnsel vm2, $0x7FF, v12;
	v12 =	vmul.f32 $2.048000000e+03, v32;
	v22 =	vcvt.f32.s32 v22  }
0x41: {  	v27 =	vld [tilespmem:s18+$0x800];
	v61 =	vtrunc.f32 v54;
	v23 =	vnsel vm3, $0x7FF, v9;
	v9 =	vtrunc.f32 v25  }
0x42: {  	v18 =	vcvt.f32.s32 v4;
	v4 =	vld [tilespmem:s18+$0xC70];
	v8 =	vmul.f32 $2.048000000e+03, v5;
	vm6 =	vlt.s32 v22, $0x7FF  }
0x43: {  	v29 =	vcvt.f32.s32 v29;
	v62 =	vcvt.f32.s32 v61;
	v39 =	vnsel vm6, $0x7FF, v22;
	v22 =	vld [tilespmem:s18+$0xC00]  }
0x44: {  	v28 =	vcvt.f32.s32 v9;
	vm4 =	vlt.s32 v18, $0x7FF;
	v14 =	vtrunc.f32 v8;
	v8 =	vld [tilespmem:s18+$0xC60]  }
0x45: {  	v9 =	vmul.f32 $2.048000000e+03, v3;
	v36 =	vnsel vm4, $0x7FF, v18;
	v18 =	vtrunc.f32 v12;
	v12 =	vld [tilespmem:s18+$0xC40]  }
0x46: {  	vm12 =	vlt.s32 v49, $0x7FF;
	v25 =	vmul.f32 $2.048000000e+03, v6;
	v43 =	vcvt.f32.s32 v14;
	v14 =	vld [tilespmem:s18+$0xC30]  }
0x47: {  	vm15 =	vlt.s32 v28, $0x7FF;
	v52 =	vcvt.f32.s32 v18;
	v18 =	vld [tilespmem:s18+$0xC20];
	v9 =	vtrunc.f32 v9  }
0x48: {  	v19 =	vmul.f32 $2.048000000e+03, v27;
	v37 =	vnsel vm15, $0x7FF, v28;
	v28 =	vld [tilespmem:s18+$0x830];
	v31 =	vcvt.f32.s32 v9  }
0x49: {  	vm7 =	vlt.s32 v29, $0x7FF;
	v35 =	vtrunc.f32 v25;
	vm15 =	vlt.s32 v62, $0x7FF;
	v9 =	vld [tilespmem:s18+$0xC50]  }
0x4a: {  	v35 =	vcvt.f32.s32 v35;
	v53 =	vtrunc.f32 v19;
	v19 =	vld [tilespmem:s18+$0xC10];
	vm5 =	vlt.s32 v31, $0x7FF  }
0x4b: {  	vm8 =	vlt.s32 v43, $0x7FF;
	v25 =	vnsel vm5, $0x7FF, v31;
	v31 =	vnsel vm7, $0x7FF, v29;
	v29 =	vld [tilespmem:s18+$0x820]  }
0x4c: {  	vm10 =	vlt.s32 v52, $0x7FF;
	v30 =	vnsel vm8, $0x7FF, v43;
	v53 =	vcvt.f32.s32 v53;
	[tilespmem:v44+s11+$0x0] =	vst.idx.add.f32.msk $0xffff, v42  }
0x4d: {  	vm11 =	vlt.s32 v35, $0x7FF;
	v43 =	vnsel vm10, $0x7FF, v52;
	v42 =	vcvt.f32.s32 v60;
	[tilespmem:v45+s11+$0x0] =	vst.idx.add.f32.msk $0xffff, v41  }
0x4e: {  	v35 =	vnsel vm11, $0x7FF, v35;
	vm13 =	vlt.s32 v53, $0x7FF;
	v44 =	vcvt.f32.s32 v63;
	[tilespmem:v48+s11+$0x0] =	vst.idx.add.f32.msk $0xffff, v40  }
0x4f: {  	v41 =	vnsel vm12, $0x7FF, v49;
	v40 =	vnsel vm13, $0x7FF, v53;
	vm14 =	vlt.s32 v42, $0x7FF;
	[tilespmem:v47+s11+$0x0] =	vst.idx.add.f32.msk $0xffff, v38  }
0x50: {  	p0 =	por p1, p1;
	s19 =	simm.s32 $0x0;
	s18 =	simm.s32 $0x200;
	v42 =	vnsel vm14, $0x7FF, v42;
	v38 =	vnsel vm15, $0x7FF, v62;
	[tilespmem:v51+s11+$0x0] =	vst.idx.add.f32.msk $0xffff, v46;
	v45 =	vmul.f32 $2.048000000e+03, v29  }
.LBB2_5:
0x51: {  	p1 =	sne.s32 s18, $0x3E00  }
0x52: {  	vm0 =	vlt.s32 v44, $0x7FF;
	v46 =	vmul.f32 $2.048000000e+03, v28;
	v47 =	vmul.f32 $2.048000000e+03, v22;
	[tilespmem:v24+s11+$0x0] =	vst.idx.add.f32.msk $0xffff, v13;
	s19 =	sadd.s32 $0x80, s19;
	s20 =	smov.u32 s18;
	s18 =	sadd.s32 $0x200, s18  }
0x53: {  	v13 =	vnsel vm0, $0x7FF, v44;
	v24 =	vtrunc.f32 v45;
	v44 =	vmul.f32 $2.048000000e+03, v19;
	[tilespmem:v43+s11+$0x0] =	vst.idx.add.f32.msk $0xffff, v32  }
0x54: {  	v24 =	vcvt.f32.s32 v24;
	v32 =	vtrunc.f32 v46;
	[tilespmem:v21+s11+$0x0] =	vst.idx.add.f32.msk $0xffff, v10  }
0x55: {  	v21 =	vtrunc.f32 v47;
	v10 =	vcvt.f32.s32 v32;
	[tilespmem:v39+s11+$0x0] =	vst.idx.add.f32.msk $0xffff, v11  }
0x56: {  	v11 =	vcvt.f32.s32 v21;
	v21 =	vtrunc.f32 v44;
	vm0 =	vlt.s32 v24, $0x7FF;
	[tilespmem:v36+s11+$0x0] =	vst.idx.add.f32.msk $0xffff, v15  }
0x57: {  	v21 =	vcvt.f32.s32 v21;
	v15 =	vnsel vm0, $0x7FF, v24;
	vm0 =	vlt.s32 v10, $0x7FF;
	[tilespmem:v41+s11+$0x0] =	vst.idx.add.f32.msk $0xffff, v16  }
0x58: {  	v16 =	vmul.f32 $2.048000000e+03, v18;
	v10 =	vnsel vm0, $0x7FF, v10;
	vm0 =	vlt.s32 v11, $0x7FF;
	[tilespmem:v37+s11+$0x0] =	vst.idx.add.f32.msk $0xffff, v17  }
0x59: {  	v17 =	vmul.f32 $2.048000000e+03, v14;
	v11 =	vnsel vm0, $0x7FF, v11;
	vm0 =	vlt.s32 v21, $0x7FF;
	[tilespmem:v42+s11+$0x0] =	vst.idx.add.f32.msk $0xffff, v33  }
0x5a: {  	v24 =	vmul.f32 $2.048000000e+03, v12;
	v16 =	vtrunc.f32 v16;
	v21 =	vnsel vm0, $0x7FF, v21;
	[tilespmem:v13+s11+$0x0] =	vst.idx.add.f32.msk $0xffff, v34  }
0x5b: {  	v13 =	vcvt.f32.s32 v16;
	v16 =	vtrunc.f32 v17;
	[tilespmem:v20+s11+$0x0] =	vst.idx.add.f32.msk $0xffff, v2  }
0x5c: {  	v2 =	vcvt.f32.s32 v16;
	v16 =	vtrunc.f32 v24;
	[tilespmem:v23+s11+$0x0] =	vst.idx.add.f32.msk $0xffff, v1  }
0x5d: {  	vm0 =	vlt.s32 v13, $0x7FF;
	v1 =	vcvt.f32.s32 v16;
	v16 =	vmul.f32 $2.048000000e+03, v9;
	[tilespmem:v40+s11+$0x0] =	vst.idx.add.f32.msk $0xffff, v27  }
0x5e: {  	v17 =	vmul.f32 $2.048000000e+03, v8;
	v13 =	vnsel vm0, $0x7FF, v13;
	vm0 =	vlt.s32 v2, $0x7FF;
	[tilespmem:v38+s11+$0x0] =	vst.idx.add.f32.msk $0xffff, v26  }
0x5f: {  	v2 =	vnsel vm0, $0x7FF, v2;
	vm0 =	vlt.s32 v1, $0x7FF;
	v16 =	vtrunc.f32 v16;
	[tilespmem:v15+s11+$0x0] =	vst.idx.add.f32.msk $0xffff, v29  }
0x60: {  	v1 =	vnsel vm0, $0x7FF, v1;
	v15 =	vcvt.f32.s32 v16;
	v16 =	vtrunc.f32 v17;
	[tilespmem:v10+s11+$0x0] =	vst.idx.add.f32.msk $0xffff, v28  }
0x61: {  	v10 =	vcvt.f32.s32 v16;
	v16 =	vmul.f32 $2.048000000e+03, v4;
	[tilespmem:v31+s11+$0x0] =	vst.idx.add.f32.msk $0xffff, v7  }
0x62: {  	vm0 =	vlt.s32 v15, $0x7FF;
	[tilespmem:v35+s11+$0x0] =	vst.idx.add.f32.msk $0xffff, v6  }
0x63: {  	v6 =	vnsel vm0, $0x7FF, v15;
	vm0 =	vlt.s32 v10, $0x7FF;
	v7 =	vtrunc.f32 v16;
	[tilespmem:v30+s11+$0x0] =	vst.idx.add.f32.msk $0xffff, v5  }
0x64: {  	v5 =	vnsel vm0, $0x7FF, v10;
	v7 =	vcvt.f32.s32 v7;
	[tilespmem:v25+s11+$0x0] =	vst.idx.add.f32.msk $0xffff, v3  }
0x65: {  	[tilespmem:v11+s11+$0x0] =	vst.idx.add.f32.msk $0xffff, v22  }
0x66: {  	vm0 =	vlt.s32 v7, $0x7FF;
	[tilespmem:v21+s11+$0x0] =	vst.idx.add.f32.msk $0xffff, v19  }
0x67: {  	v3 =	vnsel vm0, $0x7FF, v7;
	[tilespmem:v13+s11+$0x0] =	vst.idx.add.f32.msk $0xffff, v18  }
0x68: {  	[tilespmem:v2+s11+$0x0] =	vst.idx.add.f32.msk $0xffff, v14  }
0x69: {  	[tilespmem:v1+s11+$0x0] =	vst.idx.add.f32.msk $0xffff, v12  }
0x6a: {  	[tilespmem:v6+s11+$0x0] =	vst.idx.add.f32.msk $0xffff, v9  }
0x6b: {  	s20 =	sand.u32 $0x3000, s20;
	s21 =	sand.u32 $0x380, s19;
	[tilespmem:v5+s11+$0x0] =	vst.idx.add.f32.msk $0xffff, v8  }
0x6c: {  	s20 =	sor.u32 s21, s20;
	[tilespmem:v3+s11+$0x0] =	vst.idx.add.f32.msk $0xffff, v4  }
0x6d: {  	v10 =	vld [tilespmem:s20+$0x70]  }
0x6e: {  	v11 =	vld [tilespmem:s20+$0x400]  }
0x6f: {  	v13 =	vld [tilespmem:s20+$0x50]  }
0x70: {  	v1 =	vld [tilespmem:s20+$0x470]  }
0x71: {  	v2 =	vld [tilespmem:s20+$0x460]  }
0x72: {  	v30 =	vld [tilespmem:s20+$0x30];
	v3 =	vmul.f32 $2.048000000e+03, v10  }
0x73: {  	v31 =	vld [tilespmem:s20+$0x20]  }
0x74: {  	v25 =	vld [tilespmem:s20+$0x10];
	v4 =	vmul.f32 $2.048000000e+03, v13;
	v3 =	vtrunc.f32 v3  }
0x75: {  	v35 =	vld [tilespmem:s20+$0x0];
	v3 =	vcvt.f32.s32 v3  }
0x76: {  	v15 =	vld [tilespmem:s20+$0x410];
	v4 =	vtrunc.f32 v4;
	v8 =	vmul.f32 $2.048000000e+03, v2  }
0x77: {  	v9 =	vmul.f32 $2.048000000e+03, v1;
	v16 =	vld [tilespmem:s20+$0x420];
	v5 =	vmul.f32 $2.048000000e+03, v30;
	vm0 =	vlt.s32 v3, $0x7FF  }
0x78: {  	v4 =	vcvt.f32.s32 v4;
	v17 =	vld [tilespmem:s20+$0x430];
	v6 =	vmul.f32 $2.048000000e+03, v31;
	v21 =	vnsel vm0, $0x7FF, v3  }
0x79: {  	v3 =	vld [tilespmem:s20+$0x870];
	v7 =	vmul.f32 $2.048000000e+03, v25;
	v12 =	vtrunc.f32 v5  }
0x7a: {  	vm0 =	vlt.s32 v4, $0x7FF;
	v5 =	vld [tilespmem:s20+$0x860];
	v14 =	vmul.f32 $2.048000000e+03, v35;
	v22 =	vtrunc.f32 v6  }
0x7b: {  	v19 =	vmul.f32 $2.048000000e+03, v11;
	v24 =	vnsel vm0, $0x7FF, v4;
	v6 =	vld [tilespmem:s20+$0x850];
	v18 =	vtrunc.f32 v7  }
0x7c: {  	v8 =	vtrunc.f32 v8;
	v7 =	vld [tilespmem:s20+$0x840];
	v14 =	vtrunc.f32 v14  }
0x7d: {  	v4 =	vld [tilespmem:s20+$0xC70];
	v23 =	vcvt.f32.s32 v14;
	v14 =	vcvt.f32.s32 v8  }
0x7e: {  	v26 =	vcvt.f32.s32 v12;
	v12 =	vtrunc.f32 v9;
	v8 =	vld [tilespmem:s20+$0xC60]  }
0x7f: {  	v27 =	vcvt.f32.s32 v18;
	v18 =	vcvt.f32.s32 v12;
	v9 =	vld [tilespmem:s20+$0xC50];
	vm0 =	vlt.s32 v14, $0x7FF  }
0x80: {  	v28 =	vmul.f32 $2.048000000e+03, v15;
	vm1 =	vlt.s32 v23, $0x7FF;
	v46 =	vld [tilespmem:s20+$0x40];
	v20 =	vnsel vm0, $0x7FF, v14  }
0x81: {  	vm2 =	vlt.s32 v26, $0x7FF;
	vm3 =	vlt.s32 v18, $0x7FF;
	vm0 =	vlt.s32 v27, $0x7FF;
	v12 =	vld [tilespmem:s20+$0xC40]  }
0x82: {  	v29 =	vmul.f32 $2.048000000e+03, v16;
	v37 =	vnsel vm1, $0x7FF, v23;
	v23 =	vnsel vm3, $0x7FF, v18;
	v14 =	vld [tilespmem:s20+$0xC30]  }
0x83: {  	v36 =	vtrunc.f32 v19;
	v38 =	vnsel vm0, $0x7FF, v27;
	v27 =	vmul.f32 $2.048000000e+03, v17;
	v18 =	vld [tilespmem:s20+$0xC20]  }
0x84: {  	v33 =	vcvt.f32.s32 v22;
	v40 =	vnsel vm2, $0x7FF, v26;
	v39 =	vtrunc.f32 v29;
	v19 =	vld [tilespmem:s20+$0xC10]  }
0x85: {  	v41 =	vmul.f32 $2.048000000e+03, v7;
	v22 =	vld [tilespmem:s20+$0xC00];
	v34 =	vmul.f32 $2.048000000e+03, v46  }
0x86: {  	v26 =	vtrunc.f32 v28;
	vm0 =	vlt.s32 v33, $0x7FF;
	v27 =	vtrunc.f32 v27;
	v32 =	vld [tilespmem:s20+$0x60]  }
0x87: {  	v43 =	vcvt.f32.s32 v26;
	v44 =	vmul.f32 $2.048000000e+03, v6;
	v42 =	vnsel vm0, $0x7FF, v33;
	v28 =	vld [tilespmem:s20+$0x830]  }
0x88: {  	v33 =	vmul.f32 $2.048000000e+03, v5;
	v45 =	vcvt.f32.s32 v27;
	v29 =	vld [tilespmem:s20+$0x820]  }
0x89: {  	v47 =	vmul.f32 $2.048000000e+03, v3;
	v41 =	vtrunc.f32 v41;
	v26 =	vld [tilespmem:s20+$0x810]  }
0x8a: {  	v49 =	vtrunc.f32 v33;
	v48 =	vtrunc.f32 v34;
	v27 =	vld [tilespmem:s20+$0x800]  }
0x8b: {  	v47 =	vtrunc.f32 v47;
	vm1 =	vlt.s32 v45, $0x7FF;
	v34 =	vld [tilespmem:s20+$0x450];
	v50 =	vmul.f32 $2.048000000e+03, v32  }
0x8c: {  	v51 =	vcvt.f32.s32 v39;
	v39 =	vcvt.f32.s32 v47;
	vm0 =	vlt.s32 v43, $0x7FF;
	v33 =	vld [tilespmem:s20+$0x440]  }
0x8d: {  	v47 =	vcvt.f32.s32 v36;
	v36 =	vnsel vm0, $0x7FF, v43;
	v43 =	vtrunc.f32 v44;
	[tilespmem:v37+s11+$0x0] =	vst.idx.add.f32.msk $0xffff, v35  }
0x8e: {  	vm0 =	vlt.s32 v51, $0x7FF;
	vm2 =	vlt.s32 v39, $0x7FF;
	v35 =	vtrunc.f32 v50;
	[tilespmem:v38+s11+$0x0] =	vst.idx.add.f32.msk $0xffff, v25  }
0x8f: {  	vm3 =	vlt.s32 v47, $0x7FF;
	v38 =	vcvt.f32.s32 v49;
	v25 =	vnsel vm2, $0x7FF, v39;
	[tilespmem:v42+s11+$0x0] =	vst.idx.add.f32.msk $0xffff, v31  }
0x90: {  	v39 =	vnsel vm3, $0x7FF, v47;
	v31 =	vcvt.f32.s32 v41;
	v42 =	vmul.f32 $2.048000000e+03, v34;
	[tilespmem:v40+s11+$0x0] =	vst.idx.add.f32.msk $0xffff, v30  }
0x91: {  	v37 =	vnsel vm1, $0x7FF, v45;
	v30 =	vmul.f32 $2.048000000e+03, v27;
	v40 =	vmul.f32 $2.048000000e+03, v33  }
0x92: {  	v35 =	vcvt.f32.s32 v35;
	v41 =	vcvt.f32.s32 v48;
	vm1 =	vlt.s32 v31, $0x7FF  }
0x93: {  	v44 =	vmul.f32 $2.048000000e+03, v26;
	v30 =	vtrunc.f32 v30;
	v31 =	vnsel vm1, $0x7FF, v31  }
0x94: {  	v45 =	vcvt.f32.s32 v43;
	vm2 =	vlt.s32 v38, $0x7FF;
	vm1 =	vlt.s32 v41, $0x7FF  }
0x95: {  	vm3 =	vlt.s32 v35, $0x7FF;
	v47 =	vcvt.f32.s32 v30;
	v30 =	vnsel vm2, $0x7FF, v38  }
0x96: {  	v48 =	vnsel vm1, $0x7FF, v41;
	v38 =	vtrunc.f32 v40;
	vm1 =	vlt.s32 v45, $0x7FF  }
.Ltmp1:
0x97: {  	v43 =	vnsel vm3, $0x7FF, v35;
	v40 =	vtrunc.f32 v44;
	v35 =	vnsel vm1, $0x7FF, v45;
	(pc) =	sbr.rel @p1 .LBB2_5-.Ltmp1, $4  }
0x98: {  	v38 =	vcvt.f32.s32 v38;
	v45 =	vcvt.f32.s32 v40;
	vm1 =	vlt.s32 v47, $0x7FF  }
0x99: {  	v42 =	vtrunc.f32 v42;
	v41 =	vnsel vm0, $0x7FF, v51;
	v40 =	vnsel vm1, $0x7FF, v47  }
0x9a: {  	v44 =	vcvt.f32.s32 v42;
	vm0 =	vlt.s32 v38, $0x7FF;
	vm1 =	vlt.s32 v45, $0x7FF  }
0x9b: {  	v42 =	vnsel vm0, $0x7FF, v38;
	v38 =	vnsel vm1, $0x7FF, v45;
	v45 =	vmul.f32 $2.048000000e+03, v29;
	[tilespmem:v48+s11+$0x0] =	vst.idx.add.f32.msk $0xffff, v46  }
0x9c: {  	_ =	sdelay $0x3  }
0x9d: {  	[tilespmem:v24+s11+$0x0] =	vst.idx.add.f32.msk $0xffff, v13  }
0x9e: {  	[tilespmem:v43+s11+$0x0] =	vst.idx.add.f32.msk $0xffff, v32  }
0x9f: {  	vm0 =	vlt.s32 v44, $0x7FF;
	[tilespmem:v21+s11+$0x0] =	vst.idx.add.f32.msk $0xffff, v10  }
0xa0: {  	v13 =	vmul.f32 $2.048000000e+03, v22;
	v10 =	vmul.f32 $2.048000000e+03, v28;
	v21 =	vnsel vm0, $0x7FF, v44;
	[tilespmem:v39+s11+$0x0] =	vst.idx.add.f32.msk $0xffff, v11  }
0xa1: {  	v24 =	vmul.f32 $2.048000000e+03, v19;
	v11 =	vtrunc.f32 v45;
	[tilespmem:v36+s11+$0x0] =	vst.idx.add.f32.msk $0xffff, v15  }
0xa2: {  	v11 =	vcvt.f32.s32 v11;
	v10 =	vtrunc.f32 v10;
	[tilespmem:v41+s11+$0x0] =	vst.idx.add.f32.msk $0xffff, v16  }
0xa3: {  	v13 =	vtrunc.f32 v13;
	v10 =	vcvt.f32.s32 v10;
	[tilespmem:v37+s11+$0x0] =	vst.idx.add.f32.msk $0xffff, v17  }
0xa4: {  	v13 =	vcvt.f32.s32 v13;
	v15 =	vtrunc.f32 v24;
	vm12 =	vlt.s32 v11, $0x7FF;
	[tilespmem:v42+s11+$0x0] =	vst.idx.add.f32.msk $0xffff, v33  }
0xa5: {  	v16 =	vmul.f32 $2.048000000e+03, v18;
	v11 =	vnsel vm12, $0x7FF, v11;
	vm13 =	vlt.s32 v10, $0x7FF;
	[tilespmem:v21+s11+$0x0] =	vst.idx.add.f32.msk $0xffff, v34  }
0xa6: {  	v15 =	vcvt.f32.s32 v15;
	vm14 =	vlt.s32 v13, $0x7FF;
	v10 =	vnsel vm13, $0x7FF, v10;
	[tilespmem:v20+s11+$0x0] =	vst.idx.add.f32.msk $0xffff, v2  }
0xa7: {  	v17 =	vmul.f32 $2.048000000e+03, v14;
	v13 =	vnsel vm14, $0x7FF, v13;
	v2 =	vtrunc.f32 v16;
	[tilespmem:v23+s11+$0x0] =	vst.idx.add.f32.msk $0xffff, v1  }
0xa8: {  	vm1 =	vlt.s32 v15, $0x7FF;
	v16 =	vmul.f32 $2.048000000e+03, v12;
	v1 =	vcvt.f32.s32 v2;
	[tilespmem:v40+s11+$0x0] =	vst.idx.add.f32.msk $0xffff, v27  }
0xa9: {  	v15 =	vnsel vm1, $0x7FF, v15;
	v2 =	vtrunc.f32 v17;
	v17 =	vmul.f32 $2.048000000e+03, v9;
	[tilespmem:v38+s11+$0x0] =	vst.idx.add.f32.msk $0xffff, v26  }
0xaa: {  	v2 =	vcvt.f32.s32 v2;
	v16 =	vtrunc.f32 v16;
	vm15 =	vlt.s32 v1, $0x7FF;
	[tilespmem:v11+s11+$0x0] =	vst.idx.add.f32.msk $0xffff, v29  }
0xab: {  	v11 =	vcvt.f32.s32 v16;
	v1 =	vnsel vm15, $0x7FF, v1;
	v16 =	vmul.f32 $2.048000000e+03, v8;
	[tilespmem:v10+s11+$0x0] =	vst.idx.add.f32.msk $0xffff, v28  }
0xac: {  	vm4 =	vlt.s32 v2, $0x7FF;
	v10 =	vtrunc.f32 v17;
	v17 =	vmul.f32 $2.048000000e+03, v4;
	[tilespmem:v31+s11+$0x0] =	vst.idx.add.f32.msk $0xffff, v7  }
0xad: {  	v2 =	vnsel vm4, $0x7FF, v2;
	v7 =	vcvt.f32.s32 v10;
	v10 =	vtrunc.f32 v16;
	[tilespmem:v35+s11+$0x0] =	vst.idx.add.f32.msk $0xffff, v6  }
0xae: {  	vm5 =	vlt.s32 v11, $0x7FF;
	v6 =	vcvt.f32.s32 v10;
	v10 =	vtrunc.f32 v17;
	[tilespmem:v30+s11+$0x0] =	vst.idx.add.f32.msk $0xffff, v5  }
0xaf: {  	v5 =	vnsel vm5, $0x7FF, v11;
	vm6 =	vlt.s32 v7, $0x7FF;
	v10 =	vcvt.f32.s32 v10;
	[tilespmem:v25+s11+$0x0] =	vst.idx.add.f32.msk $0xffff, v3  }
0xb0: {  	v3 =	vnsel vm6, $0x7FF, v7;
	vm7 =	vlt.s32 v6, $0x7FF;
	[tilespmem:v13+s11+$0x0] =	vst.idx.add.f32.msk $0xffff, v22  }
0xb1: {  	v6 =	vnsel vm7, $0x7FF, v6;
	vm8 =	vlt.s32 v10, $0x7FF;
	[tilespmem:v15+s11+$0x0] =	vst.idx.add.f32.msk $0xffff, v19  }
0xb2: {  	v7 =	vnsel vm8, $0x7FF, v10;
	[tilespmem:v1+s11+$0x0] =	vst.idx.add.f32.msk $0xffff, v18  }
0xb3: {  	[tilespmem:v2+s11+$0x0] =	vst.idx.add.f32.msk $0xffff, v14  }
0xb4: {  	[tilespmem:v5+s11+$0x0] =	vst.idx.add.f32.msk $0xffff, v12  }
0xb5: {  	[tilespmem:v3+s11+$0x0] =	vst.idx.add.f32.msk $0xffff, v9  }
0xb6: {  	[tilespmem:v6+s11+$0x0] =	vst.idx.add.f32.msk $0xffff, v8  }
0xb7: {  	[tilespmem:v7+s11+$0x0] =	vst.idx.add.f32.msk $0xffff, v4  }
0xb8: {  	_ =	swait.ge [sflag:s12], $0x4000  }
0xb9: {  	[sflag:s12] =	ssyncset.done $0x0  }
0xba: {  	s18 =	simm.s32 @p0 $0x0;
	[sflag:s12] =	ssyncadd.s32 $0xFFFFC000  }
0xbb: {  	[tilespmem:s18], [sflag:$0x1] =	stream.linear.gather @p0 [hbm4b:s6+s18], $0x4000, $0x38;
	[tilespmem:$0x8800] =	vst v63  }
0xbc: {  	s18 =	simm.s32 $0x0  }
0xbd: {  	s19 =	sand.u32 $0x3000, s18;
	s20 =	sand.u32 $0x380, s18  }
0xbe: {  	s19 =	sor.u32 s20, s19  }
0xbf: {  	v10 =	vld [tilespmem:s19+$0x4070]  }
0xc0: {  	v13 =	vld [tilespmem:s19+$0x4050]  }
0xc1: {  	v1 =	vld [tilespmem:s19+$0x4470]  }
0xc2: {  	v2 =	vld [tilespmem:s19+$0x4460]  }
0xc3: {  	v38 =	vld [tilespmem:s19+$0x4030]  }
0xc4: {  	v40 =	vld [tilespmem:s19+$0x4020]  }
0xc5: {  	v41 =	vld [tilespmem:s19+$0x4010]  }
0xc6: {  	v60 =	vld [tilespmem:s19+$0x4000]  }
0xc7: {  	v15 =	vld [tilespmem:s19+$0x4410]  }
0xc8: {  	v16 =	vld [tilespmem:s19+$0x4420]  }
0xc9: {  	v17 =	vld [tilespmem:s19+$0x4430]  }
0xca: {  	v46 =	vld [tilespmem:s19+$0x4040]  }
0xcb: {  	v33 =	vld [tilespmem:s19+$0x4440];
	v3 =	vmul.f32 $2.048000000e+03, v10;
	v4 =	vmul.f32 $2.048000000e+03, v13  }
0xcc: {  	v34 =	vld [tilespmem:s19+$0x4450];
	v5 =	vmul.f32 $2.048000000e+03, v2;
	v6 =	vmul.f32 $2.048000000e+03, v38  }
0xcd: {  	v8 =	vmul.f32 $2.048000000e+03, v1;
	v7 =	vmul.f32 $2.048000000e+03, v40  }
0xce: {  	v9 =	vmul.f32 $2.048000000e+03, v41;
	v12 =	vmul.f32 $2.048000000e+03, v60  }
0xcf: {  	v18 =	vmul.f32 $2.048000000e+03, v15;
	v19 =	vmul.f32 $2.048000000e+03, v16  }
0xd0: {  	v25 =	vmul.f32 $2.048000000e+03, v17;
	v26 =	vmul.f32 $2.048000000e+03, v46  }
0xd1: {  	v50 =	vmul.f32 $2.048000000e+03, v33;
	v58 =	vmul.f32 $2.048000000e+03, v34  }
0xd2: {  	v3 =	vtrunc.f32 v3;
	v4 =	vtrunc.f32 v4  }
0xd3: {  	v6 =	vtrunc.f32 v6;
	v14 =	vtrunc.f32 v7  }
0xd4: {  	v9 =	vtrunc.f32 v9;
	v5 =	vtrunc.f32 v5  }
0xd5: {  	v12 =	vtrunc.f32 v12;
	v19 =	vtrunc.f32 v19  }
0xd6: {  	v11 =	vld [tilespmem:s19+$0x4400];
	v30 =	vtrunc.f32 v26;
	v59 =	vtrunc.f32 v50  }
0xd7: {  	v3 =	vcvt.f32.s32 v3;
	v4 =	vcvt.f32.s32 v4  }
0xd8: {  	v5 =	vcvt.f32.s32 v5;
	v14 =	vcvt.f32.s32 v14  }
0xd9: {  	v7 =	vld [tilespmem:s19+$0x4840];
	v49 =	vcvt.f32.s32 v19;
	v51 =	vcvt.f32.s32 v30;
	vm9 =	vlt.s32 v3, $0x7FF  }
0xda: {  	v26 =	vld [tilespmem:s19+$0x4810];
	vm10 =	vlt.s32 v4, $0x7FF;
	vm11 =	vlt.s32 v5, $0x7FF;
	v21 =	vnsel vm9, $0x7FF, v3  }
0xdb: {  	v3 =	vmul.f32 $2.048000000e+03, v11;
	v24 =	vnsel vm10, $0x7FF, v4;
	v4 =	vcvt.f32.s32 v12  }
0xdc: {  	vm14 =	vlt.s32 v14, $0x7FF;
	v12 =	vcvt.f32.s32 v6;
	v6 =	vtrunc.f32 v8  }
0xdd: {  	v8 =	vcvt.f32.s32 v9;
	v20 =	vnsel vm11, $0x7FF, v5;
	v48 =	vnsel vm14, $0x7FF, v14  }
0xde: {  	v32 =	vld [tilespmem:s19+$0x4060];
	vm9 =	vlt.s32 v51, $0x7FF;
	v9 =	vcvt.f32.s32 v6;
	v27 =	vmul.f32 $2.048000000e+03, v7  }
0xdf: {  	v54 =	vmul.f32 $2.048000000e+03, v26;
	v51 =	vnsel vm9, $0x7FF, v51;
	vm12 =	vlt.s32 v4, $0x7FF  }
0xe0: {  	v5 =	vld [tilespmem:s19+$0x4860];
	vm13 =	vlt.s32 v8, $0x7FF;
	vm2 =	vlt.s32 v12, $0x7FF;
	v22 =	vtrunc.f32 v3  }
0xe1: {  	v6 =	vld [tilespmem:s19+$0x4850];
	vm3 =	vlt.s32 v9, $0x7FF;
	v61 =	vnsel vm12, $0x7FF, v4;
	v4 =	vtrunc.f32 v18  }
0xe2: {  	v3 =	vld [tilespmem:s19+$0x4870];
	v62 =	vnsel vm13, $0x7FF, v8;
	v47 =	vnsel vm2, $0x7FF, v12;
	v29 =	vtrunc.f32 v27  }
0xe3: {  	v12 =	vmul.f32 $2.048000000e+03, v32;
	v22 =	vcvt.f32.s32 v22;
	vm12 =	vlt.s32 v49, $0x7FF  }
0xe4: {  	v27 =	vld [tilespmem:s19+$0x4800];
	v23 =	vnsel vm3, $0x7FF, v9;
	v9 =	vtrunc.f32 v25;
	v18 =	vcvt.f32.s32 v4  }
0xe5: {  	v4 =	vld [tilespmem:s19+$0x4C70];
	v29 =	vcvt.f32.s32 v29;
	v8 =	vmul.f32 $2.048000000e+03, v5;
	vm6 =	vlt.s32 v22, $0x7FF  }
0xe6: {  	v28 =	vcvt.f32.s32 v9;
	v25 =	vmul.f32 $2.048000000e+03, v6;
	v39 =	vnsel vm6, $0x7FF, v22;
	v22 =	vld [tilespmem:s19+$0x4C00]  }
0xe7: {  	vm4 =	vlt.s32 v18, $0x7FF;
	v9 =	vmul.f32 $2.048000000e+03, v3;
	v14 =	vtrunc.f32 v8;
	v8 =	vld [tilespmem:s19+$0x4C60]  }
0xe8: {  	v36 =	vnsel vm4, $0x7FF, v18;
	v18 =	vtrunc.f32 v12;
	v12 =	vld [tilespmem:s19+$0x4C40];
	v63 =	vtrunc.f32 v25  }
0xe9: {  	v42 =	vnsel vm12, $0x7FF, v49;
	v57 =	vcvt.f32.s32 v14;
	v14 =	vld [tilespmem:s19+$0x4C30];
	v19 =	vmul.f32 $2.048000000e+03, v27  }
0xea: {  	vm15 =	vlt.s32 v28, $0x7FF;
	v52 =	vcvt.f32.s32 v18;
	v18 =	vld [tilespmem:s19+$0x4C20];
	v9 =	vtrunc.f32 v9  }
0xeb: {  	v37 =	vnsel vm15, $0x7FF, v28;
	v28 =	vld [tilespmem:s19+$0x4830];
	v35 =	vcvt.f32.s32 v63;
	v31 =	vcvt.f32.s32 v9  }
0xec: {  	vm7 =	vlt.s32 v29, $0x7FF;
	v63 =	vtrunc.f32 v58;
	v9 =	vld [tilespmem:s19+$0x4C50];
	v53 =	vtrunc.f32 v19  }
0xed: {  	v19 =	vld [tilespmem:s19+$0x4C10];
	vm8 =	vlt.s32 v57, $0x7FF;
	vm10 =	vlt.s32 v52, $0x7FF;
	vm5 =	vlt.s32 v31, $0x7FF  }
0xee: {  	v44 =	vcvt.f32.s32 v63;
	v25 =	vnsel vm5, $0x7FF, v31;
	v31 =	vnsel vm7, $0x7FF, v29;
	v29 =	vld [tilespmem:s19+$0x4820]  }
0xef: {  	v30 =	vnsel vm8, $0x7FF, v57;
	v53 =	vcvt.f32.s32 v53;
	[tilespmem:v61+s11+$0x0] =	vst.idx.add.f32.msk $0xffff, v60;
	v60 =	vtrunc.f32 v54  }
0xf0: {  	vm11 =	vlt.s32 v35, $0x7FF;
	v61 =	vcvt.f32.s32 v59;
	[tilespmem:v62+s11+$0x0] =	vst.idx.add.f32.msk $0xffff, v41;
	v62 =	vcvt.f32.s32 v60  }
0xf1: {  	v43 =	vnsel vm10, $0x7FF, v52;
	v35 =	vnsel vm11, $0x7FF, v35;
	vm13 =	vlt.s32 v53, $0x7FF;
	[tilespmem:v48+s11+$0x0] =	vst.idx.add.f32.msk $0xffff, v40  }
0xf2: {  	v40 =	vnsel vm13, $0x7FF, v53;
	vm14 =	vlt.s32 v61, $0x7FF;
	[tilespmem:v47+s11+$0x0] =	vst.idx.add.f32.msk $0xffff, v38;
	vm15 =	vlt.s32 v62, $0x7FF  }
0xf3: {  	s19 =	simm.s32 $0x200;
	v41 =	vnsel vm14, $0x7FF, v61;
	v38 =	vnsel vm15, $0x7FF, v62;
	[tilespmem:v51+s11+$0x0] =	vst.idx.add.f32.msk $0xffff, v46;
	v45 =	vmul.f32 $2.048000000e+03, v29  }
.LBB2_7:
0xf4: {  	p1 =	sne.s32 s19, $0x3E00  }
0xf5: {  	vm0 =	vlt.s32 v44, $0x7FF;
	v46 =	vmul.f32 $2.048000000e+03, v28;
	v47 =	vmul.f32 $2.048000000e+03, v22;
	[tilespmem:v24+s11+$0x0] =	vst.idx.add.f32.msk $0xffff, v13;
	s18 =	sadd.s32 $0x80, s18;
	s20 =	smov.u32 s19;
	s19 =	sadd.s32 $0x200, s19  }
0xf6: {  	v13 =	vnsel vm0, $0x7FF, v44;
	v24 =	vtrunc.f32 v45;
	v44 =	vmul.f32 $2.048000000e+03, v19;
	[tilespmem:v43+s11+$0x0] =	vst.idx.add.f32.msk $0xffff, v32  }
0xf7: {  	v24 =	vcvt.f32.s32 v24;
	v32 =	vtrunc.f32 v46;
	[tilespmem:v21+s11+$0x0] =	vst.idx.add.f32.msk $0xffff, v10  }
0xf8: {  	v21 =	vtrunc.f32 v47;
	v10 =	vcvt.f32.s32 v32;
	[tilespmem:v39+s11+$0x0] =	vst.idx.add.f32.msk $0xffff, v11  }
0xf9: {  	v11 =	vcvt.f32.s32 v21;
	v21 =	vtrunc.f32 v44;
	vm0 =	vlt.s32 v24, $0x7FF;
	[tilespmem:v36+s11+$0x0] =	vst.idx.add.f32.msk $0xffff, v15  }
0xfa: {  	v21 =	vcvt.f32.s32 v21;
	v15 =	vnsel vm0, $0x7FF, v24;
	vm0 =	vlt.s32 v10, $0x7FF;
	[tilespmem:v42+s11+$0x0] =	vst.idx.add.f32.msk $0xffff, v16  }
0xfb: {  	v16 =	vmul.f32 $2.048000000e+03, v18;
	v10 =	vnsel vm0, $0x7FF, v10;
	vm0 =	vlt.s32 v11, $0x7FF;
	[tilespmem:v37+s11+$0x0] =	vst.idx.add.f32.msk $0xffff, v17  }
0xfc: {  	v17 =	vmul.f32 $2.048000000e+03, v14;
	v11 =	vnsel vm0, $0x7FF, v11;
	vm0 =	vlt.s32 v21, $0x7FF;
	[tilespmem:v41+s11+$0x0] =	vst.idx.add.f32.msk $0xffff, v33  }
0xfd: {  	v24 =	vmul.f32 $2.048000000e+03, v12;
	v16 =	vtrunc.f32 v16;
	v21 =	vnsel vm0, $0x7FF, v21;
	[tilespmem:v13+s11+$0x0] =	vst.idx.add.f32.msk $0xffff, v34  }
0xfe: {  	v13 =	vcvt.f32.s32 v16;
	v16 =	vtrunc.f32 v17;
	[tilespmem:v20+s11+$0x0] =	vst.idx.add.f32.msk $0xffff, v2  }
0xff: {  	v2 =	vcvt.f32.s32 v16;
	v16 =	vtrunc.f32 v24;
	[tilespmem:v23+s11+$0x0] =	vst.idx.add.f32.msk $0xffff, v1  }
0x100: {  	vm0 =	vlt.s32 v13, $0x7FF;
	v1 =	vcvt.f32.s32 v16;
	v16 =	vmul.f32 $2.048000000e+03, v9;
	[tilespmem:v40+s11+$0x0] =	vst.idx.add.f32.msk $0xffff, v27  }
0x101: {  	v17 =	vmul.f32 $2.048000000e+03, v8;
	v13 =	vnsel vm0, $0x7FF, v13;
	vm0 =	vlt.s32 v2, $0x7FF;
	[tilespmem:v38+s11+$0x0] =	vst.idx.add.f32.msk $0xffff, v26  }
0x102: {  	v2 =	vnsel vm0, $0x7FF, v2;
	vm0 =	vlt.s32 v1, $0x7FF;
	v16 =	vtrunc.f32 v16;
	[tilespmem:v15+s11+$0x0] =	vst.idx.add.f32.msk $0xffff, v29  }
0x103: {  	v1 =	vnsel vm0, $0x7FF, v1;
	v15 =	vcvt.f32.s32 v16;
	v16 =	vtrunc.f32 v17;
	[tilespmem:v10+s11+$0x0] =	vst.idx.add.f32.msk $0xffff, v28  }
0x104: {  	v10 =	vcvt.f32.s32 v16;
	v16 =	vmul.f32 $2.048000000e+03, v4;
	[tilespmem:v31+s11+$0x0] =	vst.idx.add.f32.msk $0xffff, v7  }
0x105: {  	vm0 =	vlt.s32 v15, $0x7FF;
	[tilespmem:v35+s11+$0x0] =	vst.idx.add.f32.msk $0xffff, v6  }
0x106: {  	v6 =	vnsel vm0, $0x7FF, v15;
	vm0 =	vlt.s32 v10, $0x7FF;
	v7 =	vtrunc.f32 v16;
	[tilespmem:v30+s11+$0x0] =	vst.idx.add.f32.msk $0xffff, v5  }
0x107: {  	v5 =	vnsel vm0, $0x7FF, v10;
	v7 =	vcvt.f32.s32 v7;
	[tilespmem:v25+s11+$0x0] =	vst.idx.add.f32.msk $0xffff, v3  }
0x108: {  	[tilespmem:v11+s11+$0x0] =	vst.idx.add.f32.msk $0xffff, v22  }
0x109: {  	vm0 =	vlt.s32 v7, $0x7FF;
	[tilespmem:v21+s11+$0x0] =	vst.idx.add.f32.msk $0xffff, v19  }
0x10a: {  	v3 =	vnsel vm0, $0x7FF, v7;
	[tilespmem:v13+s11+$0x0] =	vst.idx.add.f32.msk $0xffff, v18  }
0x10b: {  	[tilespmem:v2+s11+$0x0] =	vst.idx.add.f32.msk $0xffff, v14  }
0x10c: {  	[tilespmem:v1+s11+$0x0] =	vst.idx.add.f32.msk $0xffff, v12  }
0x10d: {  	[tilespmem:v6+s11+$0x0] =	vst.idx.add.f32.msk $0xffff, v9  }
0x10e: {  	s20 =	sand.u32 $0x3000, s20;
	s21 =	sand.u32 $0x380, s18;
	[tilespmem:v5+s11+$0x0] =	vst.idx.add.f32.msk $0xffff, v8  }
0x10f: {  	s20 =	sor.u32 s21, s20;
	[tilespmem:v3+s11+$0x0] =	vst.idx.add.f32.msk $0xffff, v4  }
0x110: {  	v10 =	vld [tilespmem:s20+$0x4070]  }
0x111: {  	v11 =	vld [tilespmem:s20+$0x4400]  }
0x112: {  	v13 =	vld [tilespmem:s20+$0x4050]  }
0x113: {  	v1 =	vld [tilespmem:s20+$0x4470]  }
0x114: {  	v2 =	vld [tilespmem:s20+$0x4460]  }
0x115: {  	v30 =	vld [tilespmem:s20+$0x4030];
	v3 =	vmul.f32 $2.048000000e+03, v10  }
0x116: {  	v31 =	vld [tilespmem:s20+$0x4020]  }
0x117: {  	v25 =	vld [tilespmem:s20+$0x4010];
	v4 =	vmul.f32 $2.048000000e+03, v13;
	v3 =	vtrunc.f32 v3  }
0x118: {  	v35 =	vld [tilespmem:s20+$0x4000];
	v3 =	vcvt.f32.s32 v3  }
0x119: {  	v15 =	vld [tilespmem:s20+$0x4410];
	v4 =	vtrunc.f32 v4;
	v8 =	vmul.f32 $2.048000000e+03, v2  }
0x11a: {  	v9 =	vmul.f32 $2.048000000e+03, v1;
	v16 =	vld [tilespmem:s20+$0x4420];
	v5 =	vmul.f32 $2.048000000e+03, v30;
	vm0 =	vlt.s32 v3, $0x7FF  }
0x11b: {  	v4 =	vcvt.f32.s32 v4;
	v17 =	vld [tilespmem:s20+$0x4430];
	v6 =	vmul.f32 $2.048000000e+03, v31;
	v21 =	vnsel vm0, $0x7FF, v3  }
0x11c: {  	v3 =	vld [tilespmem:s20+$0x4870];
	v7 =	vmul.f32 $2.048000000e+03, v25;
	v12 =	vtrunc.f32 v5  }
0x11d: {  	vm0 =	vlt.s32 v4, $0x7FF;
	v5 =	vld [tilespmem:s20+$0x4860];
	v14 =	vmul.f32 $2.048000000e+03, v35;
	v22 =	vtrunc.f32 v6  }
0x11e: {  	v19 =	vmul.f32 $2.048000000e+03, v11;
	v24 =	vnsel vm0, $0x7FF, v4;
	v6 =	vld [tilespmem:s20+$0x4850];
	v18 =	vtrunc.f32 v7  }
0x11f: {  	v8 =	vtrunc.f32 v8;
	v7 =	vld [tilespmem:s20+$0x4840];
	v14 =	vtrunc.f32 v14  }
0x120: {  	v4 =	vld [tilespmem:s20+$0x4C70];
	v23 =	vcvt.f32.s32 v14;
	v14 =	vcvt.f32.s32 v8  }
0x121: {  	v26 =	vcvt.f32.s32 v12;
	v12 =	vtrunc.f32 v9;
	v8 =	vld [tilespmem:s20+$0x4C60]  }
0x122: {  	v27 =	vcvt.f32.s32 v18;
	v18 =	vcvt.f32.s32 v12;
	v9 =	vld [tilespmem:s20+$0x4C50];
	vm0 =	vlt.s32 v14, $0x7FF  }
0x123: {  	v28 =	vmul.f32 $2.048000000e+03, v15;
	vm1 =	vlt.s32 v23, $0x7FF;
	v46 =	vld [tilespmem:s20+$0x4040];
	v20 =	vnsel vm0, $0x7FF, v14  }
0x124: {  	vm2 =	vlt.s32 v26, $0x7FF;
	vm3 =	vlt.s32 v18, $0x7FF;
	vm0 =	vlt.s32 v27, $0x7FF;
	v12 =	vld [tilespmem:s20+$0x4C40]  }
0x125: {  	v29 =	vmul.f32 $2.048000000e+03, v16;
	v37 =	vnsel vm1, $0x7FF, v23;
	v23 =	vnsel vm3, $0x7FF, v18;
	v14 =	vld [tilespmem:s20+$0x4C30]  }
0x126: {  	v36 =	vtrunc.f32 v19;
	v38 =	vnsel vm0, $0x7FF, v27;
	v27 =	vmul.f32 $2.048000000e+03, v17;
	v18 =	vld [tilespmem:s20+$0x4C20]  }
0x127: {  	v33 =	vcvt.f32.s32 v22;
	v40 =	vnsel vm2, $0x7FF, v26;
	v39 =	vtrunc.f32 v29;
	v19 =	vld [tilespmem:s20+$0x4C10]  }
0x128: {  	v41 =	vmul.f32 $2.048000000e+03, v7;
	v22 =	vld [tilespmem:s20+$0x4C00];
	v34 =	vmul.f32 $2.048000000e+03, v46  }
0x129: {  	v26 =	vtrunc.f32 v28;
	vm0 =	vlt.s32 v33, $0x7FF;
	v27 =	vtrunc.f32 v27;
	v32 =	vld [tilespmem:s20+$0x4060]  }
0x12a: {  	v43 =	vcvt.f32.s32 v26;
	v44 =	vmul.f32 $2.048000000e+03, v6;
	v42 =	vnsel vm0, $0x7FF, v33;
	v28 =	vld [tilespmem:s20+$0x4830]  }
0x12b: {  	v33 =	vmul.f32 $2.048000000e+03, v5;
	v45 =	vcvt.f32.s32 v27;
	v29 =	vld [tilespmem:s20+$0x4820]  }
0x12c: {  	v47 =	vmul.f32 $2.048000000e+03, v3;
	v41 =	vtrunc.f32 v41;
	v26 =	vld [tilespmem:s20+$0x4810]  }
0x12d: {  	v49 =	vtrunc.f32 v33;
	v48 =	vtrunc.f32 v34;
	v27 =	vld [tilespmem:s20+$0x4800]  }
0x12e: {  	v47 =	vtrunc.f32 v47;
	vm1 =	vlt.s32 v45, $0x7FF;
	v34 =	vld [tilespmem:s20+$0x4450];
	v50 =	vmul.f32 $2.048000000e+03, v32  }
0x12f: {  	v51 =	vcvt.f32.s32 v39;
	v39 =	vcvt.f32.s32 v47;
	vm0 =	vlt.s32 v43, $0x7FF;
	v33 =	vld [tilespmem:s20+$0x4440]  }
0x130: {  	v47 =	vcvt.f32.s32 v36;
	v36 =	vnsel vm0, $0x7FF, v43;
	v43 =	vtrunc.f32 v44;
	[tilespmem:v37+s11+$0x0] =	vst.idx.add.f32.msk $0xffff, v35  }
0x131: {  	vm0 =	vlt.s32 v51, $0x7FF;
	vm2 =	vlt.s32 v39, $0x7FF;
	v35 =	vtrunc.f32 v50;
	[tilespmem:v38+s11+$0x0] =	vst.idx.add.f32.msk $0xffff, v25  }
0x132: {  	vm3 =	vlt.s32 v47, $0x7FF;
	v38 =	vcvt.f32.s32 v49;
	v25 =	vnsel vm2, $0x7FF, v39;
	[tilespmem:v42+s11+$0x0] =	vst.idx.add.f32.msk $0xffff, v31  }
0x133: {  	v39 =	vnsel vm3, $0x7FF, v47;
	v31 =	vcvt.f32.s32 v41;
	v44 =	vmul.f32 $2.048000000e+03, v34;
	[tilespmem:v40+s11+$0x0] =	vst.idx.add.f32.msk $0xffff, v30  }
0x134: {  	v37 =	vnsel vm1, $0x7FF, v45;
	v30 =	vmul.f32 $2.048000000e+03, v27;
	v40 =	vmul.f32 $2.048000000e+03, v33  }
0x135: {  	v35 =	vcvt.f32.s32 v35;
	v41 =	vcvt.f32.s32 v48;
	vm1 =	vlt.s32 v31, $0x7FF  }
0x136: {  	v42 =	vmul.f32 $2.048000000e+03, v26;
	v30 =	vtrunc.f32 v30;
	v31 =	vnsel vm1, $0x7FF, v31  }
0x137: {  	v45 =	vcvt.f32.s32 v43;
	vm2 =	vlt.s32 v38, $0x7FF;
	vm1 =	vlt.s32 v41, $0x7FF  }
0x138: {  	vm3 =	vlt.s32 v35, $0x7FF;
	v47 =	vcvt.f32.s32 v30;
	v30 =	vnsel vm2, $0x7FF, v38  }
0x139: {  	v48 =	vnsel vm1, $0x7FF, v41;
	v38 =	vtrunc.f32 v40;
	vm1 =	vlt.s32 v45, $0x7FF  }
.Ltmp2:
0x13a: {  	v43 =	vnsel vm3, $0x7FF, v35;
	v40 =	vtrunc.f32 v42;
	v35 =	vnsel vm1, $0x7FF, v45;
	(pc) =	sbr.rel @p1 .LBB2_7-.Ltmp2, $4  }
0x13b: {  	v38 =	vcvt.f32.s32 v38;
	v45 =	vcvt.f32.s32 v40;
	vm1 =	vlt.s32 v47, $0x7FF  }
0x13c: {  	v42 =	vnsel vm0, $0x7FF, v51;
	v41 =	vtrunc.f32 v44;
	v40 =	vnsel vm1, $0x7FF, v47  }
0x13d: {  	v44 =	vcvt.f32.s32 v41;
	vm0 =	vlt.s32 v38, $0x7FF;
	vm1 =	vlt.s32 v45, $0x7FF  }
0x13e: {  	v41 =	vnsel vm0, $0x7FF, v38;
	v38 =	vnsel vm1, $0x7FF, v45;
	v45 =	vmul.f32 $2.048000000e+03, v29;
	[tilespmem:v48+s11+$0x0] =	vst.idx.add.f32.msk $0xffff, v46  }
0x13f: {  	_ =	sdelay $0x3  }
0x140: {  	[tilespmem:v24+s11+$0x0] =	vst.idx.add.f32.msk $0xffff, v13  }
0x141: {  	v48 =	vmul.f32 $2.048000000e+03, v19;
	[tilespmem:v43+s11+$0x0] =	vst.idx.add.f32.msk $0xffff, v32  }
0x142: {  	vm0 =	vlt.s32 v44, $0x7FF;
	v50 =	vmul.f32 $2.048000000e+03, v18;
	v51 =	vmul.f32 $2.048000000e+03, v14;
	[tilespmem:v21+s11+$0x0] =	vst.idx.add.f32.msk $0xffff, v10  }
0x143: {  	v52 =	vmul.f32 $2.048000000e+03, v12;
	v32 =	vmul.f32 $2.048000000e+03, v28;
	v46 =	vnsel vm0, $0x7FF, v44;
	[tilespmem:v39+s11+$0x0] =	vst.idx.add.f32.msk $0xffff, v11  }
0x144: {  	v53 =	vmul.f32 $2.048000000e+03, v9;
	v47 =	vtrunc.f32 v45;
	[tilespmem:v36+s11+$0x0] =	vst.idx.add.f32.msk $0xffff, v15  }
0x145: {  	v11 =	vcvt.f32.s32 v47;
	v10 =	vtrunc.f32 v32;
	[tilespmem:v42+s11+$0x0] =	vst.idx.add.f32.msk $0xffff, v16  }
0x146: {  	v55 =	vmul.f32 $2.048000000e+03, v8;
	v10 =	vcvt.f32.s32 v10;
	[tilespmem:v37+s11+$0x0] =	vst.idx.add.f32.msk $0xffff, v17  }
0x147: {  	v57 =	vmul.f32 $2.048000000e+03, v4;
	v43 =	vmul.f32 $2.048000000e+03, v22;
	vm7 =	vlt.s32 v11, $0x7FF;
	[tilespmem:v41+s11+$0x0] =	vst.idx.add.f32.msk $0xffff, v33  }
0x148: {  	v49 =	vtrunc.f32 v48;
	v11 =	vnsel vm7, $0x7FF, v11;
	vm8 =	vlt.s32 v10, $0x7FF;
	[tilespmem:v46+s11+$0x0] =	vst.idx.add.f32.msk $0xffff, v34  }
0x149: {  	v56 =	vtrunc.f32 v53;
	v59 =	vtrunc.f32 v55;
	v10 =	vnsel vm8, $0x7FF, v10;
	[tilespmem:v20+s11+$0x0] =	vst.idx.add.f32.msk $0xffff, v2  }
0x14a: {  	v61 =	vtrunc.f32 v57;
	v13 =	vtrunc.f32 v43;
	[tilespmem:v23+s11+$0x0] =	vst.idx.add.f32.msk $0xffff, v1  }
0x14b: {  	v13 =	vcvt.f32.s32 v13;
	v15 =	vcvt.f32.s32 v49;
	[tilespmem:v40+s11+$0x0] =	vst.idx.add.f32.msk $0xffff, v27  }
0x14c: {  	v16 =	vtrunc.f32 v52;
	v2 =	vtrunc.f32 v50;
	[tilespmem:v38+s11+$0x0] =	vst.idx.add.f32.msk $0xffff, v26  }
0x14d: {  	vm9 =	vlt.s32 v13, $0x7FF;
	v1 =	vcvt.f32.s32 v2;
	v2 =	vtrunc.f32 v51;
	[tilespmem:v11+s11+$0x0] =	vst.idx.add.f32.msk $0xffff, v29  }
0x14e: {  	vm1 =	vlt.s32 v15, $0x7FF;
	v13 =	vnsel vm9, $0x7FF, v13;
	v2 =	vcvt.f32.s32 v2;
	[tilespmem:v10+s11+$0x0] =	vst.idx.add.f32.msk $0xffff, v28  }
0x14f: {  	v54 =	vcvt.f32.s32 v16;
	v15 =	vnsel vm1, $0x7FF, v15;
	vm10 =	vlt.s32 v1, $0x7FF;
	[tilespmem:v31+s11+$0x0] =	vst.idx.add.f32.msk $0xffff, v7  }
0x150: {  	v58 =	vcvt.f32.s32 v56;
	v1 =	vnsel vm10, $0x7FF, v1;
	vm11 =	vlt.s32 v2, $0x7FF;
	[tilespmem:v35+s11+$0x0] =	vst.idx.add.f32.msk $0xffff, v6  }
0x151: {  	v60 =	vcvt.f32.s32 v59;
	vm12 =	vlt.s32 v54, $0x7FF;
	v2 =	vnsel vm11, $0x7FF, v2;
	[tilespmem:v30+s11+$0x0] =	vst.idx.add.f32.msk $0xffff, v5  }
0x152: {  	vm13 =	vlt.s32 v58, $0x7FF;
	v62 =	vnsel vm12, $0x7FF, v54;
	v10 =	vcvt.f32.s32 v61;
	[tilespmem:v25+s11+$0x0] =	vst.idx.add.f32.msk $0xffff, v3  }
0x153: {  	vm14 =	vlt.s32 v60, $0x7FF;
	v3 =	vnsel vm13, $0x7FF, v58;
	[tilespmem:v13+s11+$0x0] =	vst.idx.add.f32.msk $0xffff, v22  }
0x154: {  	v6 =	vnsel vm14, $0x7FF, v60;
	vm15 =	vlt.s32 v10, $0x7FF;
	[tilespmem:v15+s11+$0x0] =	vst.idx.add.f32.msk $0xffff, v19  }
0x155: {  	v63 =	vnsel vm15, $0x7FF, v10;
	[tilespmem:v1+s11+$0x0] =	vst.idx.add.f32.msk $0xffff, v18  }
.Ltmp3:
0x156: {  	[tilespmem:v2+s11+$0x0] =	vst.idx.add.f32.msk $0xffff, v14;
	(pc) =	sbr.rel @p0 .LBB2_4-.Ltmp3, $4  }
0x157: {  	[tilespmem:v62+s11+$0x0] =	vst.idx.add.f32.msk $0xffff, v12  }
0x158: {  	[tilespmem:v3+s11+$0x0] =	vst.idx.add.f32.msk $0xffff, v9  }
0x159: {  	[tilespmem:v6+s11+$0x0] =	vst.idx.add.f32.msk $0xffff, v8  }
0x15a: {  	s18 =	simm.s32 $0x8000;
	p1 =	por $0x0, $0x0;
	[tilespmem:v63+s11+$0x0] =	vst.idx.add.f32.msk $0xffff, v4  }
0x15b: {  	s16 =	sadd.s32 $0x1, s16  }
0x15c: {  	p0 =	sne.s32 s16, s8  }
.Ltmp4:
0x15d: {  	_ = 	snop;
	(pc) =	sbr.rel @p0 .LBB2_1-.Ltmp4, $4  }
0x15e: {  	[hbm4b:s7+s13] =	stream.strided.scatter [tilespmem:s11], [sflag:$0x3], $0x800, s14, s13, $0x38;
	[tilespmem:$0x8800] =	vst v63  }
0x15f: {  	_ =	swait.ge [sflag:s15], $0x800  }
0x160: {  	[sflag:s15] =	ssyncset.done $0x0  }
0x161: {  	[sflag:s15] =	ssyncadd.s32 $0xFFFFF800  }
0x162: {  	_ =	sfence.sel $0x180000  }
0x163: {  	[bflag:$0x0] =	sbarrier.arrive $0xFFFF  }
0x164: {  	p0 =	sne.s32 s1, $0x0;
	_ =	strace $0x9000004A  }
0x165: {  	s0 =	sadd.s32 @!p0 $0x100000, s0;
	[bflag:$0x2] =	sbarrier.arrive $0xFFFF  }
0x166: {  	[sflag:s0] =	ssyncadd.tile.s32 @!p0 $0x1;
	_ =	shalt  }
.Lfunc_end2:
_tile_overlayer_lowered:
.L_overlay_start_2:
0x167: {  	(tag) =	ssettag $0x2  }
0x168: {  	s0 =	rddreg [dreg:$0x0];
	s2 =	stileid.u32  }
0x169: {  	s1 =	rddreg [dreg:$0x1];
	p0 =	sne.s32 s2, $0x0  }
0x16a: {  	s3 =	rddreg [dreg:$0x2];
	[bflag:$0x3] =	sbarrier.arrive $0xFFFF;
	s2 =	simm.s32 @!p0 $0x1C03  }
0x16b: {  	[timem:s3], [sflag:s2] =	dma.local @!p0 [hbm:s0], s1  }
0x16c: {  	s0 =	simm.s32 @!p0 $0x3  }
0x16d: {  	_ =	swait.ge @!p0 [sflag:s0], s1  }
0x16e: {  	s1 =	ssub.s32 @!p0 $0x0, s1;
	[sflag:s0] =	ssyncset.done @!p0 $0x0  }
0x16f: {  	[sflag:s0] =	ssyncadd.s32 @!p0 s1  }
0x170: {  	[bflag:$0x3] =	sbarrier.arrive $0xFFFF  }
0x171: {  	_ =	shalt  }

// kernel: sc_hist_half.7.cloned.1.call-start
scs
__scs_entry_jumppad:
0x0: {  	(pc) =	sbr.rel $0x88, $3  }
0x1: {  	(tag) =	ssettag $0x0;
	lr =	simm.s32 $0x1  }
0x2: {  	[smem:$0x3F9F] =	sst lr;
	_ =	strace $0xD0000000  }
0x3: {  	_ = 	snop  }
0x4: {  	_ = 	snop  }
0x5: {  	_ = 	snop  }
0x6: {  	_ = 	snop  }
0x7: {  	_ = 	snop  }
__scs_overlays_trampoline_lowered:
0x8: {  	[smem:$0x3FAE] =	sst s0  }
0x9: {  	[smem:$0x3FAF] =	sst s1  }
0xa: {  	[smem:$0x3FB0] =	sst s2  }
0xb: {  	[smem:$0x3FB1] =	sst s3  }
0xc: {  	[smem:$0x3FB2] =	sst s4  }
0xd: {  	[smem:$0x3FB3] =	sst s5  }
0xe: {  	[smem:$0x3FB4] =	sst s6  }
0xf: {  	[smem:$0x3FB5] =	sst s7  }
0x10: {  	[smem:$0x3FB6] =	sst s8  }
0x11: {  	[smem:$0x3FB7] =	sst s9;
	s0 =	simm.s32 @!p0 $0x0  }
0x12: {  	s1 =	sld [smem:$0x3F9D];
	s0 =	simm.s32 @p0 $0x1  }
0x13: {  	[smem:$0x3FB8] =	sst s0;
	s0 =	simm.s32 @!p1 $0x0  }
0x14: {  	s2 =	sld [smem:$0x3F9C];
	s0 =	simm.s32 @p1 $0x1  }
0x15: {  	[smem:$0x3FB9] =	sst s0;
	s0 =	simm.s32 @!p2 $0x0  }
0x16: {  	s3 =	sld [smem:$0x3FDB];
	s0 =	simm.s32 @p2 $0x1  }
0x17: {  	s4 =	simm.s32 $0x1BF5;
	[smem:$0x3FBB] =	sst s0  }
0x18: {  	s0 =	sld [smem:$0x3F9E];
	_ =	swait.ge [sflag:s4], $0x0  }
0x19: {  	s7 =	sld [smem:$0x3F9F]  }
0x1a: {  	s8 =	sadd.s32 $0xFFFFE003, lr  }
0x1b: {  	s9 =	sadd.s32 $0xFFFFFEF7, lr;
	s5 =	simm.s32 $0xFFFFFFFF;
	p2 =	slt.u32 s8, $0xFFFFF086  }
0x1c: {  	p1 =	slt.u32 s9, $0xF7A;
	s5 =	simm.s32 @!p2 $0x0  }
0x1d: {  	s5 =	simm.s32 @p1 $0x1;
	p0 =	seq.s32 s7, s2  }
0x1e: {  	s7 =	smul.u32 @!p0 $0xF7A, s2;
	p2 =	seq.s32 @!p0 s5, $0x0  }
0x1f: {  	s9 =	smul.u32 $0xF7A, s1;
	s8 =	simm.s32 @!p0 $0x1BF5;
	p2 =	por !p2, p0  }
0x20: {  	[sflag:s8] =	ssyncset.s32 @!p0 $0xFFFFF086;
	s6 =	sadd.s32 @!p0 s3, s7;
	s7 =	simm.s32 @!p0 $0x108  }
0x21: {  	s3 =	sadd.s32 s3, s9;
	s6 =	sadd.s32 @!p0 $0x88, s6;
	s7 =	simm.s32 @p2 $0x1082  }
0x22: {  	[simem:s7], [sflag:s8] =	dma.local @!p0 [hbm:s6], $0xF7A  }
0x23: {  	s9 =	sor.u32 $0xD0000000, s2;
	s6 =	simm.s32 $0x108;
	_ =	swait.ge @!p0 [sflag:s8], $0x0  }
0x24: {  	s3 =	sadd.s32 $0x88, s3;
	s6 =	simm.s32 @!p1 $0x1082;
	[sflag:s4] =	ssyncset.s32 $0xFFFFF086  }
0x25: {  	[simem:s6], [sflag:s4] =	dma.local [hbm:s3], $0xF7A  }
0x26: {  	[smem:$0x3F9F] =	sst s1;
	(tag) =	ssettag s2;
	_ =	strace s9  }
0x27: {  	s1 =	sld [smem:$0x3FAF]  }
0x28: {  	s2 =	sld [smem:$0x3FB0]  }
0x29: {  	s4 =	sld [smem:$0x3FB2]  }
0x2a: {  	p0 =	seq.s32 s5, $0x0;
	s5 =	sld [smem:$0x3FB3]  }
0x2b: {  	s6 =	sld [smem:$0x3FB4]  }
0x2c: {  	s7 =	sld [smem:$0x3FB5]  }
0x2d: {  	s3 =	simm.s32 $0x108;
	s8 =	sld [smem:$0x3FB6]  }
0x2e: {  	s3 =	simm.s32 @!p0 $0x1082;
	s9 =	sld [smem:$0x3FB7]  }
0x2f: {  	lr =	sadd.s32 s0, s3;
	s0 =	sld [smem:$0x3FAE]  }
0x30: {  	s3 =	sld [smem:$0x3FB1]  }
0x31: {  	[smem:$0x3FBA] =	sst s10  }
0x32: {  	s10 =	sld [smem:$0x3FB8];
	_ =	sdelay $0x3  }
0x33: {  	p0 =	seq.s32 s10, $0x1;
	s10 =	sld [smem:$0x3FBA];
	_ =	sdelay $0x3  }
0x34: {  	[smem:$0x3FBA] =	sst s10  }
0x35: {  	s10 =	sld [smem:$0x3FB9];
	_ =	sdelay $0x3  }
0x36: {  	p1 =	seq.s32 s10, $0x1;
	s10 =	sld [smem:$0x3FBA];
	_ =	sdelay $0x3  }
0x37: {  	[smem:$0x3FBA] =	sst s10  }
0x38: {  	s10 =	sld [smem:$0x3FBB]  }
0x39: {  	_ = 	snop;
	(pc) =	sbr.ind lr, $3  }
0x3a: {  	_ = 	snop  }
0x3b: {  	_ = 	snop  }
0x3c: {  	p2 =	seq.s32 s10, $0x1;
	s10 =	sld [smem:$0x3FBA]  }
0x3d: {  	_ =	shalt  }
0x3e: {  	_ =	shalt  }
0x3f: {  	_ =	shalt  }
0x40: {  	_ =	shalt  }
0x41: {  	_ =	shalt  }
0x42: {  	_ =	shalt  }
0x43: {  	_ =	shalt  }
0x44: {  	_ =	shalt  }
0x45: {  	_ =	shalt  }
0x46: {  	_ =	shalt  }
0x47: {  	_ =	shalt  }
0x48: {  	_ =	shalt  }
0x49: {  	_ =	shalt  }
0x4a: {  	_ =	shalt  }
0x4b: {  	_ =	shalt  }
0x4c: {  	_ =	shalt  }
0x4d: {  	_ =	shalt  }
0x4e: {  	_ =	shalt  }
0x4f: {  	_ =	shalt  }
0x50: {  	_ =	shalt  }
0x51: {  	_ =	shalt  }
0x52: {  	_ =	shalt  }
0x53: {  	_ =	shalt  }
0x54: {  	_ =	shalt  }
0x55: {  	_ =	shalt  }
0x56: {  	_ =	shalt  }
0x57: {  	_ =	shalt  }
0x58: {  	_ =	shalt  }
0x59: {  	_ =	shalt  }
0x5a: {  	_ =	shalt  }
0x5b: {  	_ =	shalt  }
0x5c: {  	_ =	shalt  }
0x5d: {  	_ =	shalt  }
0x5e: {  	_ =	shalt  }
0x5f: {  	_ =	shalt  }
0x60: {  	_ =	shalt  }
0x61: {  	_ =	shalt  }
0x62: {  	_ =	shalt  }
0x63: {  	_ =	shalt  }
0x64: {  	_ =	shalt  }
0x65: {  	_ =	shalt  }
0x66: {  	_ =	shalt  }
0x67: {  	_ =	shalt  }
0x68: {  	_ =	shalt  }
0x69: {  	_ =	shalt  }
0x6a: {  	_ =	shalt  }
0x6b: {  	_ =	shalt  }
0x6c: {  	_ =	shalt  }
0x6d: {  	_ =	shalt  }
0x6e: {  	_ =	shalt  }
0x6f: {  	_ =	shalt  }
0x70: {  	_ =	shalt  }
0x71: {  	_ =	shalt  }
0x72: {  	_ =	shalt  }
0x73: {  	_ =	shalt  }
0x74: {  	_ =	shalt  }
0x75: {  	_ =	shalt  }
0x76: {  	_ =	shalt  }
0x77: {  	_ =	shalt  }
0x78: {  	_ =	shalt  }
0x79: {  	_ =	shalt  }
0x7a: {  	_ =	shalt  }
0x7b: {  	_ =	shalt  }
0x7c: {  	_ =	shalt  }
0x7d: {  	_ =	shalt  }
0x7e: {  	_ =	shalt  }
0x7f: {  	_ =	shalt  }
0x80: {  	_ =	shalt  }
0x81: {  	_ =	shalt  }
0x82: {  	_ =	shalt  }
0x83: {  	_ =	shalt  }
0x84: {  	_ =	shalt  }
0x85: {  	_ =	shalt  }
0x86: {  	_ =	shalt  }
0x87: {  	_ =	shalt  }
.Lfunc_end0:
.L_simem_size_0:
called_computation.1_lowered:
.L_overlay_start_0:
0x88: {  	s2 =	sld [smem:$0x3FD9]  }
0x89: {  	s3 =	sld [smem:$0x3FFE];
	_ =	sdelay $0x1  }
0x8a: {  	s1 =	srdreg.scid  }
0x8b: {  	s0 =	sand.u32 $0x1, s1  }
0x8c: {  	s16 =	sshll.u32 s0, $0xA;
	s2 =	sadd.s32 s3, s2  }
0x8d: {  	s2 =	sadd.s32 s2, s16  }
0x8e: {  	[smem:$0x3FC6] =	sst s2  }
0x8f: {  	_ = 	snop  }
0x90: {  	(tm) =	ssettm $0x1  }
0x91: {  	s17 =	sld [smem:$0x3FFB];
	_ =	sdelay $0x3  }
0x92: {  	_ =	strace s17  }
0x93: {  	s2 =	sld [smem:$0x3FFC];
	_ =	sdelay $0x3  }
0x94: {  	_ =	strace s2  }
0x95: {  	s2 =	sld [smem:$0x3FFD];
	_ =	sdelay $0x3  }
0x96: {  	_ =	strace s2  }
0x97: {  	_ =	strace $0x8FFFFFFF  }
0x98: {  	s18 =	sld [smem:$0x3FDB];
	_ =	sdelay $0x1  }
0x99: {  	s19 =	simm.s32 $_scs_section_size  }
0x9a: {  	s4 =	simm.s32 $_size__tile_overlayer_lowered;
	s5 =	simm.s32 $_tile_overlayer_lowered  }
0x9b: {  	s22 =	simm.s32 $0x1BFF;
	s21 =	sshll.u32 s5, $0x1;
	s2 =	sadd.s32 s19, s18  }
0x9c: {  	s6 =	simm.s32 $0x0;
	s20 =	sshll.u32 s4, $0x1;
	s4 =	sadd.s32 s21, s2  }
0x9d: {  	[timem:s6], [sflag:s22] =	dma.local [hbm:s4], s20  }
0x9e: {  	_ =	swait.ge [sflag:s22], s20  }
0x9f: {  	s3 =	ssub.s32 $0x0, s20;
	[sflag:s22] =	ssyncset.done $0x0  }
0xa0: {  	[sflag:s22] =	ssyncadd.s32 s3;
	_ =	sdelay $0x1  }
0xa1: {  	s23 =	simm.s32 $0x1B8B  }
0xa2: {  	_ =	swait.ge [sflag:s23], $0x1  }
0xa3: {  	[sflag:s23] =	ssyncset.done $0x0  }
0xa4: {  	s25 =	simm.s32 $0x1B8E;
	s24 =	sld [smem:$0x3FFE];
	[sflag:s23] =	ssyncadd.s32 $0xFFFFFFFF  }
0xa5: {  	s26 =	simm.s32 $execute0_lowered;
	[smem:$0x3FD2] =	sst s25  }
0xa6: {  	s4 =	sshll.u32 s26, $0x1;
	_ =	strace $0x80000046;
	[dreg:$0x1] =	wrdreg $0xFFFFFFFF  }
0xa7: {  	s28 =	simm.s32 $_size_execute0_lowered;
	s2 =	sadd.s32 s2, s4;
	[dreg:$0x0] =	wrdreg $0x0  }
0xa8: {  	s4 =	sshll.u32 s28, $0x1;
	[dreg:$0x2] =	wrdreg s2  }
0xa9: {  	[dreg:$0x3] =	wrdreg s4  }
0xaa: {  	[dreg:$0x4] =	wrdreg $0xC0  }
0xab: {  	_ =	task [dreg:s6], $0x5FFFF  }
0xac: {  	[dreg:$0x1] =	wrdreg $0xFFFFFFFF  }
0xad: {  	[dreg:$0x0] =	wrdreg $0x60  }
0xae: {  	[dreg:$0x2] =	wrdreg s24  }
0xaf: {  	[dreg:$0x3] =	wrdreg $0xA  }
0xb0: {  	_ =	task.clear_ibuf [dreg:s6], $0x4FFFF;
	_ =	strace $0x90000046  }
0xb1: {  	s29 =	simm.s32 $0xA;
	_ =	strace $0x80000048  }
0xb2: {  	_ =	swait.ge [sflag:s29], $0x1  }
0xb3: {  	[sflag:s29] =	ssyncadd.s32 $0xFFFFFFFF  }
0xb4: {  	_ =	strace $0x90000048  }
0xb5: {  	_ =	sfence  }
0xb6: {  	s30 =	sld [smem:$0x0];
	_ =	sdelay $0x2  }
0xb7: {  	s31 =	sshll.u32 s1, $0xD;
	s1 =	sshrl.u32 s1, $0x2  }
0xb8: {  	s3 =	sand.u32 $0x4000, s31;
	s1 =	sadd.s32 s1, s30  }
0xb9: {  	s0 =	sor.u32 s3, s0;
	s1 =	sshll.u32 s1, $0x11  }
0xba: {  	s0 =	sor.u32 s1, s0  }
0xbb: {  	s0 =	sadd.s32 $0x8F2B, s0  }
0xbc: {  	[sflag:s0] =	ssyncadd.remote.s32 $0x1  }
0xbd: {  	_ =	sfence.sel $0xFFFF  }
0xbe: {  	[dreg:$0x0] =	wrdreg $0xFFFFFFFF;
	(pc) =	sbr.abs _section_cstart, $3  }
0xbf: {  	[dreg:$0x1] =	wrdreg $0xFFFFFFFF  }
0xc0: {  	_ =	task.clear_ibuf [dreg:s6], $0x2FFFF;
	_ =	strace $0x9FFFFFFF  }
0xc1: {  	(tm) =	ssettm $0x7FFFFFFF  }
tec
execute0_lowered:
.L_overlay_start_1:
0x0: {  	(tag) =	ssettag $0x1  }
0x1: {  	s4 =	rddreg [dreg:$0x0]  }
0x2: {  	s0 =	rddreg [dreg:$0x1];
	s2 =	simm.s32 $0x0  }
0x3: {  	s1 =	stileid.u32;
	s3 =	srdreg.scid;
	s12 =	simm.s32 $0x2  }
0x4: {  	s13 =	simm.s32 $0x80;
	s14 =	simm.s32 $0x400;
	s15 =	simm.s32 $0x3  }
0x5: {  	s16 =	simm.s32 $0x0;
	[smem:$0x7FF] =	sst s2;
	s5 =	sand.u32 $0x1, s3  }
0x6: {  	s6 =	sshll.u32 s1, $0x1;
	s3 =	sadd.s32 $0xA00, s4;
	s7 =	sshll.u32 s1, $0x9  }
0x7: {  	s9 =	sshll.u32 s1, $0x11;
	_ =	strace $0x80000047;
	s6 =	sor.u32 s5, s6  }
0x8: {  	s7 =	sand.u32 $0x1800, s7;
	s28 =	sand.u32 $0x1C0000, s9;
	s5 =	ssub.s32 $0x2, s5  }
0x9: {  	s9 =	simm.s32 $0x1;
	s8 =	sshll.u32 s6, $0x10;
	s7 =	sadd.s32 s7, s4  }
0xa: {  	s29 =	sshll.u32 s6, $0x4;
	s30 =	sshrl.u32 s5, $0x1;
	s26 =	sand.u32 $0x30000, s8  }
0xb: {  	s10 =	sand.u32 $0x70, s29;
	s11 =	ssub.s32 s5, s30;
	s8 =	sor.u32 s28, s26  }
0xc: {  	s7 =	sadd.s32 s10, s7;
	s10 =	simm.s32 $0x4000;
	s31 =	sshrl.u32 s8, $0x3  }
0xd: {  	s5 =	sor.u32 $0x4000, s8;
	s7 =	sadd.s32 $0x40A00, s7;
	s4 =	sadd.s32 s3, s31  }
0xe: {  	v0 =	vimm.f32 $0.0e+00;
	s8 =	smax.u32 s11, $0x1;
	s11 =	simm.s32 $0x8000;
	s6 =	sadd.s32 $0x1000, s4  }
.LBB2_1:
0xf: {  	[tilespmem:s2], [sflag:$0x1] =	stream.linear.gather [hbm4b:s4+s2], $0x4000, $0x38;
	[tilespmem:$0x8800] =	vst v63  }
0x10: {  	s17 =	simm.s32 $0x0  }
.LBB2_2:
0x11: {  	p0 =	sne.s32 s17, $0x1FC0  }
.Ltmp0:
0x12: {  	_ = 	snop;
	(pc) =	sbr.rel @p0 .LBB2_2-.Ltmp0, $3  }
0x13: {  	_ =	sdelay $0x1  }
0x14: {  	s18 =	sshra.s32 s17, $0x2  }
0x15: {  	s17 =	sadd.s32 $0x40, s17;
	[tilespmem:s18+$0x8000] =	vst v0  }
0x16: {  	s17 =	simm.s32 $0x0;
	p1 =	por $0x1, $0x1;
	s18 =	simm.s32 $0x0  }
.LBB2_4:
0x17: {  	_ =	swait.ge [sflag:s9], $0x4000;
	s18 =	sor.u32 s5, s18  }
0x18: {  	s31 =	sand.u32 $0x3000, s17;
	[sflag:s9] =	ssyncset.done $0x0;
	s18 =	sshrl.u32 s18, $0x3  }
0x19: {  	s19 =	sand.u32 $0x380, s17;
	[sflag:s9] =	ssyncadd.s32 $0xFFFFC000;
	s18 =	sadd.s32 s3, s18  }
0x1a: {  	[tilespmem:s10], [sflag:$0x2] =	stream.linear.gather [hbm4b:s18+s17], $0x4000, $0x38;
	[tilespmem:$0x8800] =	vst v63  }
0x1b: {  	s18 =	sor.u32 s19, s31  }
0x1c: {  	v10 =	vld [tilespmem:s18+$0x70]  }
0x1d: {  	v13 =	vld [tilespmem:s18+$0x50]  }
0x1e: {  	v1 =	vld [tilespmem:s18+$0x470]  }
0x1f: {  	v2 =	vld [tilespmem:s18+$0x460]  }
0x20: {  	v38 =	vld [tilespmem:s18+$0x30]  }
0x21: {  	v40 =	vld [tilespmem:s18+$0x20]  }
0x22: {  	v41 =	vld [tilespmem:s18+$0x10]  }
0x23: {  	v42 =	vld [tilespmem:s18+$0x0]  }
0x24: {  	v15 =	vld [tilespmem:s18+$0x410]  }
0x25: {  	v16 =	vld [tilespmem:s18+$0x420]  }
0x26: {  	v17 =	vld [tilespmem:s18+$0x430]  }
0x27: {  	v46 =	vld [tilespmem:s18+$0x40];
	v3 =	vmul.f32 $2.048000000e+03, v10  }
0x28: {  	v33 =	vld [tilespmem:s18+$0x440];
	v4 =	vmul.f32 $2.048000000e+03, v13;
	v5 =	vmul.f32 $2.048000000e+03, v2  }
0x29: {  	v34 =	vld [tilespmem:s18+$0x450];
	v6 =	vmul.f32 $2.048000000e+03, v38;
	v8 =	vmul.f32 $2.048000000e+03, v1  }
0x2a: {  	v7 =	vmul.f32 $2.048000000e+03, v40;
	v9 =	vmul.f32 $2.048000000e+03, v41  }
0x2b: {  	v12 =	vmul.f32 $2.048000000e+03, v42;
	v18 =	vmul.f32 $2.048000000e+03, v15  }
0x2c: {  	v19 =	vmul.f32 $2.048000000e+03, v16;
	v25 =	vmul.f32 $2.048000000e+03, v17  }
0x2d: {  	v26 =	vmul.f32 $2.048000000e+03, v46;
	v50 =	vmul.f32 $2.048000000e+03, v33  }
0x2e: {  	v59 =	vmul.f32 $2.048000000e+03, v34;
	v3 =	vtrunc.f32 v3  }
0x2f: {  	v4 =	vtrunc.f32 v4;
	v6 =	vtrunc.f32 v6  }
0x30: {  	v14 =	vtrunc.f32 v7;
	v9 =	vtrunc.f32 v9  }
0x31: {  	v5 =	vtrunc.f32 v5;
	v12 =	vtrunc.f32 v12  }
0x32: {  	v19 =	vtrunc.f32 v19;
	v30 =	vtrunc.f32 v26  }
0x33: {  	v11 =	vld [tilespmem:s18+$0x400];
	v60 =	vtrunc.f32 v50;
	v63 =	vtrunc.f32 v59  }
0x34: {  	v3 =	vcvt.f32.s32 v3;
	v4 =	vcvt.f32.s32 v4  }
0x35: {  	v5 =	vcvt.f32.s32 v5;
	v14 =	vcvt.f32.s32 v14  }
0x36: {  	v7 =	vld [tilespmem:s18+$0x840];
	v49 =	vcvt.f32.s32 v19;
	v51 =	vcvt.f32.s32 v30  }
0x37: {  	v26 =	vld [tilespmem:s18+$0x810];
	vm0 =	vlt.s32 v3, $0x7FF;
	vm11 =	vlt.s32 v4, $0x7FF;
	vm12 =	vlt.s32 v5, $0x7FF  }
0x38: {  	vm14 =	vlt.s32 v14, $0x7FF;
	v21 =	vnsel vm0, $0x7FF, v3;
	v3 =	vmul.f32 $2.048000000e+03, v11  }
0x39: {  	v24 =	vnsel vm11, $0x7FF, v4;
	v4 =	vcvt.f32.s32 v12;
	v12 =	vcvt.f32.s32 v6  }
0x3a: {  	vm9 =	vlt.s32 v51, $0x7FF;
	v6 =	vtrunc.f32 v8;
	v8 =	vcvt.f32.s32 v9  }
0x3b: {  	v32 =	vld [tilespmem:s18+$0x60];
	v20 =	vnsel vm12, $0x7FF, v5;
	v48 =	vnsel vm14, $0x7FF, v14;
	v9 =	vcvt.f32.s32 v6  }
0x3c: {  	v51 =	vnsel vm9, $0x7FF, v51;
	v27 =	vmul.f32 $2.048000000e+03, v7;
	v54 =	vmul.f32 $2.048000000e+03, v26  }
0x3d: {  	v5 =	vld [tilespmem:s18+$0x860];
	vm1 =	vlt.s32 v4, $0x7FF;
	vm13 =	vlt.s32 v8, $0x7FF;
	vm2 =	vlt.s32 v12, $0x7FF  }
0x3e: {  	v22 =	vtrunc.f32 v3;
	vm3 =	vlt.s32 v9, $0x7FF;
	v44 =	vnsel vm1, $0x7FF, v4  }
0x3f: {  	v6 =	vld [tilespmem:s18+$0x850];
	v4 =	vtrunc.f32 v18;
	v45 =	vnsel vm13, $0x7FF, v8;
	v29 =	vtrunc.f32 v27  }
0x40: {  	v3 =	vld [tilespmem:s18+$0x870];
	v47 =	vnsel vm2, $0x7FF, v12;
	v12 =	vmul.f32 $2.048000000e+03, v32;
	v22 =	vcvt.f32.s32 v22  }
0x41: {  	v27 =	vld [tilespmem:s18+$0x800];
	v61 =	vtrunc.f32 v54;
	v23 =	vnsel vm3, $0x7FF, v9;
	v9 =	vtrunc.f32 v25  }
0x42: {  	v18 =	vcvt.f32.s32 v4;
	v4 =	vld [tilespmem:s18+$0xC70];
	v8 =	vmul.f32 $2.048000000e+03, v5;
	vm6 =	vlt.s32 v22, $0x7FF  }
0x43: {  	v29 =	vcvt.f32.s32 v29;
	v62 =	vcvt.f32.s32 v61;
	v39 =	vnsel vm6, $0x7FF, v22;
	v22 =	vld [tilespmem:s18+$0xC00]  }
0x44: {  	v28 =	vcvt.f32.s32 v9;
	vm4 =	vlt.s32 v18, $0x7FF;
	v14 =	vtrunc.f32 v8;
	v8 =	vld [tilespmem:s18+$0xC60]  }
0x45: {  	v9 =	vmul.f32 $2.048000000e+03, v3;
	v36 =	vnsel vm4, $0x7FF, v18;
	v18 =	vtrunc.f32 v12;
	v12 =	vld [tilespmem:s18+$0xC40]  }
0x46: {  	vm12 =	vlt.s32 v49, $0x7FF;
	v25 =	vmul.f32 $2.048000000e+03, v6;
	v43 =	vcvt.f32.s32 v14;
	v14 =	vld [tilespmem:s18+$0xC30]  }
0x47: {  	vm15 =	vlt.s32 v28, $0x7FF;
	v52 =	vcvt.f32.s32 v18;
	v18 =	vld [tilespmem:s18+$0xC20];
	v9 =	vtrunc.f32 v9  }
0x48: {  	v19 =	vmul.f32 $2.048000000e+03, v27;
	v37 =	vnsel vm15, $0x7FF, v28;
	v28 =	vld [tilespmem:s18+$0x830];
	v31 =	vcvt.f32.s32 v9  }
0x49: {  	vm7 =	vlt.s32 v29, $0x7FF;
	v35 =	vtrunc.f32 v25;
	vm15 =	vlt.s32 v62, $0x7FF;
	v9 =	vld [tilespmem:s18+$0xC50]  }
0x4a: {  	v35 =	vcvt.f32.s32 v35;
	v53 =	vtrunc.f32 v19;
	v19 =	vld [tilespmem:s18+$0xC10];
	vm5 =	vlt.s32 v31, $0x7FF  }
0x4b: {  	vm8 =	vlt.s32 v43, $0x7FF;
	v25 =	vnsel vm5, $0x7FF, v31;
	v31 =	vnsel vm7, $0x7FF, v29;
	v29 =	vld [tilespmem:s18+$0x820]  }
0x4c: {  	vm10 =	vlt.s32 v52, $0x7FF;
	v30 =	vnsel vm8, $0x7FF, v43;
	v53 =	vcvt.f32.s32 v53;
	[tilespmem:v44+s11+$0x0] =	vst.idx.add.f32.msk $0xffff, v42  }
0x4d: {  	vm11 =	vlt.s32 v35, $0x7FF;
	v43 =	vnsel vm10, $0x7FF, v52;
	v42 =	vcvt.f32.s32 v60;
	[tilespmem:v45+s11+$0x0] =	vst.idx.add.f32.msk $0xffff, v41  }
0x4e: {  	v35 =	vnsel vm11, $0x7FF, v35;
	vm13 =	vlt.s32 v53, $0x7FF;
	v44 =	vcvt.f32.s32 v63;
	[tilespmem:v48+s11+$0x0] =	vst.idx.add.f32.msk $0xffff, v40  }
0x4f: {  	v41 =	vnsel vm12, $0x7FF, v49;
	v40 =	vnsel vm13, $0x7FF, v53;
	vm14 =	vlt.s32 v42, $0x7FF;
	[tilespmem:v47+s11+$0x0] =	vst.idx.add.f32.msk $0xffff, v38  }
0x50: {  	p0 =	por p1, p1;
	s19 =	simm.s32 $0x0;
	s18 =	simm.s32 $0x200;
	v42 =	vnsel vm14, $0x7FF, v42;
	v38 =	vnsel vm15, $0x7FF, v62;
	[tilespmem:v51+s11+$0x0] =	vst.idx.add.f32.msk $0xffff, v46;
	v45 =	vmul.f32 $2.048000000e+03, v29  }
.LBB2_5:
0x51: {  	p1 =	sne.s32 s18, $0x3E00  }
0x52: {  	vm0 =	vlt.s32 v44, $0x7FF;
	v46 =	vmul.f32 $2.048000000e+03, v28;
	v47 =	vmul.f32 $2.048000000e+03, v22;
	[tilespmem:v24+s11+$0x0] =	vst.idx.add.f32.msk $0xffff, v13;
	s19 =	sadd.s32 $0x80, s19;
	s20 =	smov.u32 s18;
	s18 =	sadd.s32 $0x200, s18  }
0x53: {  	v13 =	vnsel vm0, $0x7FF, v44;
	v24 =	vtrunc.f32 v45;
	v44 =	vmul.f32 $2.048000000e+03, v19;
	[tilespmem:v43+s11+$0x0] =	vst.idx.add.f32.msk $0xffff, v32  }
0x54: {  	v24 =	vcvt.f32.s32 v24;
	v32 =	vtrunc.f32 v46;
	[tilespmem:v21+s11+$0x0] =	vst.idx.add.f32.msk $0xffff, v10  }
0x55: {  	v21 =	vtrunc.f32 v47;
	v10 =	vcvt.f32.s32 v32;
	[tilespmem:v39+s11+$0x0] =	vst.idx.add.f32.msk $0xffff, v11  }
0x56: {  	v11 =	vcvt.f32.s32 v21;
	v21 =	vtrunc.f32 v44;
	vm0 =	vlt.s32 v24, $0x7FF;
	[tilespmem:v36+s11+$0x0] =	vst.idx.add.f32.msk $0xffff, v15  }
0x57: {  	v21 =	vcvt.f32.s32 v21;
	v15 =	vnsel vm0, $0x7FF, v24;
	vm0 =	vlt.s32 v10, $0x7FF;
	[tilespmem:v41+s11+$0x0] =	vst.idx.add.f32.msk $0xffff, v16  }
0x58: {  	v16 =	vmul.f32 $2.048000000e+03, v18;
	v10 =	vnsel vm0, $0x7FF, v10;
	vm0 =	vlt.s32 v11, $0x7FF;
	[tilespmem:v37+s11+$0x0] =	vst.idx.add.f32.msk $0xffff, v17  }
0x59: {  	v17 =	vmul.f32 $2.048000000e+03, v14;
	v11 =	vnsel vm0, $0x7FF, v11;
	vm0 =	vlt.s32 v21, $0x7FF;
	[tilespmem:v42+s11+$0x0] =	vst.idx.add.f32.msk $0xffff, v33  }
0x5a: {  	v24 =	vmul.f32 $2.048000000e+03, v12;
	v16 =	vtrunc.f32 v16;
	v21 =	vnsel vm0, $0x7FF, v21;
	[tilespmem:v13+s11+$0x0] =	vst.idx.add.f32.msk $0xffff, v34  }
0x5b: {  	v13 =	vcvt.f32.s32 v16;
	v16 =	vtrunc.f32 v17;
	[tilespmem:v20+s11+$0x0] =	vst.idx.add.f32.msk $0xffff, v2  }
0x5c: {  	v2 =	vcvt.f32.s32 v16;
	v16 =	vtrunc.f32 v24;
	[tilespmem:v23+s11+$0x0] =	vst.idx.add.f32.msk $0xffff, v1  }
0x5d: {  	vm0 =	vlt.s32 v13, $0x7FF;
	v1 =	vcvt.f32.s32 v16;
	v16 =	vmul.f32 $2.048000000e+03, v9;
	[tilespmem:v40+s11+$0x0] =	vst.idx.add.f32.msk $0xffff, v27  }
0x5e: {  	v17 =	vmul.f32 $2.048000000e+03, v8;
	v13 =	vnsel vm0, $0x7FF, v13;
	vm0 =	vlt.s32 v2, $0x7FF;
	[tilespmem:v38+s11+$0x0] =	vst.idx.add.f32.msk $0xffff, v26  }
0x5f: {  	v2 =	vnsel vm0, $0x7FF, v2;
	vm0 =	vlt.s32 v1, $0x7FF;
	v16 =	vtrunc.f32 v16;
	[tilespmem:v15+s11+$0x0] =	vst.idx.add.f32.msk $0xffff, v29  }
0x60: {  	v1 =	vnsel vm0, $0x7FF, v1;
	v15 =	vcvt.f32.s32 v16;
	v16 =	vtrunc.f32 v17;
	[tilespmem:v10+s11+$0x0] =	vst.idx.add.f32.msk $0xffff, v28  }
0x61: {  	v10 =	vcvt.f32.s32 v16;
	v16 =	vmul.f32 $2.048000000e+03, v4;
	[tilespmem:v31+s11+$0x0] =	vst.idx.add.f32.msk $0xffff, v7  }
0x62: {  	vm0 =	vlt.s32 v15, $0x7FF;
	[tilespmem:v35+s11+$0x0] =	vst.idx.add.f32.msk $0xffff, v6  }
0x63: {  	v6 =	vnsel vm0, $0x7FF, v15;
	vm0 =	vlt.s32 v10, $0x7FF;
	v7 =	vtrunc.f32 v16;
	[tilespmem:v30+s11+$0x0] =	vst.idx.add.f32.msk $0xffff, v5  }
0x64: {  	v5 =	vnsel vm0, $0x7FF, v10;
	v7 =	vcvt.f32.s32 v7;
	[tilespmem:v25+s11+$0x0] =	vst.idx.add.f32.msk $0xffff, v3  }
0x65: {  	[tilespmem:v11+s11+$0x0] =	vst.idx.add.f32.msk $0xffff, v22  }
0x66: {  	vm0 =	vlt.s32 v7, $0x7FF;
	[tilespmem:v21+s11+$0x0] =	vst.idx.add.f32.msk $0xffff, v19  }
0x67: {  	v3 =	vnsel vm0, $0x7FF, v7;
	[tilespmem:v13+s11+$0x0] =	vst.idx.add.f32.msk $0xffff, v18  }
0x68: {  	[tilespmem:v2+s11+$0x0] =	vst.idx.add.f32.msk $0xffff, v14  }
0x69: {  	[tilespmem:v1+s11+$0x0] =	vst.idx.add.f32.msk $0xffff, v12  }
0x6a: {  	[tilespmem:v6+s11+$0x0] =	vst.idx.add.f32.msk $0xffff, v9  }
0x6b: {  	s20 =	sand.u32 $0x3000, s20;
	s21 =	sand.u32 $0x380, s19;
	[tilespmem:v5+s11+$0x0] =	vst.idx.add.f32.msk $0xffff, v8  }
0x6c: {  	s20 =	sor.u32 s21, s20;
	[tilespmem:v3+s11+$0x0] =	vst.idx.add.f32.msk $0xffff, v4  }
0x6d: {  	v10 =	vld [tilespmem:s20+$0x70]  }
0x6e: {  	v11 =	vld [tilespmem:s20+$0x400]  }
0x6f: {  	v13 =	vld [tilespmem:s20+$0x50]  }
0x70: {  	v1 =	vld [tilespmem:s20+$0x470]  }
0x71: {  	v2 =	vld [tilespmem:s20+$0x460]  }
0x72: {  	v30 =	vld [tilespmem:s20+$0x30];
	v3 =	vmul.f32 $2.048000000e+03, v10  }
0x73: {  	v31 =	vld [tilespmem:s20+$0x20]  }
0x74: {  	v25 =	vld [tilespmem:s20+$0x10];
	v4 =	vmul.f32 $2.048000000e+03, v13;
	v3 =	vtrunc.f32 v3  }
0x75: {  	v35 =	vld [tilespmem:s20+$0x0];
	v3 =	vcvt.f32.s32 v3  }
0x76: {  	v15 =	vld [tilespmem:s20+$0x410];
	v4 =	vtrunc.f32 v4;
	v8 =	vmul.f32 $2.048000000e+03, v2  }
0x77: {  	v9 =	vmul.f32 $2.048000000e+03, v1;
	v16 =	vld [tilespmem:s20+$0x420];
	v5 =	vmul.f32 $2.048000000e+03, v30;
	vm0 =	vlt.s32 v3, $0x7FF  }
0x78: {  	v4 =	vcvt.f32.s32 v4;
	v17 =	vld [tilespmem:s20+$0x430];
	v6 =	vmul.f32 $2.048000000e+03, v31;
	v21 =	vnsel vm0, $0x7FF, v3  }
0x79: {  	v3 =	vld [tilespmem:s20+$0x870];
	v7 =	vmul.f32 $2.048000000e+03, v25;
	v12 =	vtrunc.f32 v5  }
0x7a: {  	vm0 =	vlt.s32 v4, $0x7FF;
	v5 =	vld [tilespmem:s20+$0x860];
	v14 =	vmul.f32 $2.048000000e+03, v35;
	v22 =	vtrunc.f32 v6  }
0x7b: {  	v19 =	vmul.f32 $2.048000000e+03, v11;
	v24 =	vnsel vm0, $0x7FF, v4;
	v6 =	vld [tilespmem:s20+$0x850];
	v18 =	vtrunc.f32 v7  }
0x7c: {  	v8 =	vtrunc.f32 v8;
	v7 =	vld [tilespmem:s20+$0x840];
	v14 =	vtrunc.f32 v14  }
0x7d: {  	v4 =	vld [tilespmem:s20+$0xC70];
	v23 =	vcvt.f32.s32 v14;
	v14 =	vcvt.f32.s32 v8  }
0x7e: {  	v26 =	vcvt.f32.s32 v12;
	v12 =	vtrunc.f32 v9;
	v8 =	vld [tilespmem:s20+$0xC60]  }
0x7f: {  	v27 =	vcvt.f32.s32 v18;
	v18 =	vcvt.f32.s32 v12;
	v9 =	vld [tilespmem:s20+$0xC50];
	vm0 =	vlt.s32 v14, $0x7FF  }
0x80: {  	v28 =	vmul.f32 $2.048000000e+03, v15;
	vm1 =	vlt.s32 v23, $0x7FF;
	v46 =	vld [tilespmem:s20+$0x40];
	v20 =	vnsel vm0, $0x7FF, v14  }
0x81: {  	vm2 =	vlt.s32 v26, $0x7FF;
	vm3 =	vlt.s32 v18, $0x7FF;
	vm0 =	vlt.s32 v27, $0x7FF;
	v12 =	vld [tilespmem:s20+$0xC40]  }
0x82: {  	v29 =	vmul.f32 $2.048000000e+03, v16;
	v37 =	vnsel vm1, $0x7FF, v23;
	v23 =	vnsel vm3, $0x7FF, v18;
	v14 =	vld [tilespmem:s20+$0xC30]  }
0x83: {  	v36 =	vtrunc.f32 v19;
	v38 =	vnsel vm0, $0x7FF, v27;
	v27 =	vmul.f32 $2.048000000e+03, v17;
	v18 =	vld [tilespmem:s20+$0xC20]  }
0x84: {  	v33 =	vcvt.f32.s32 v22;
	v40 =	vnsel vm2, $0x7FF, v26;
	v39 =	vtrunc.f32 v29;
	v19 =	vld [tilespmem:s20+$0xC10]  }
0x85: {  	v41 =	vmul.f32 $2.048000000e+03, v7;
	v22 =	vld [tilespmem:s20+$0xC00];
	v34 =	vmul.f32 $2.048000000e+03, v46  }
0x86: {  	v26 =	vtrunc.f32 v28;
	vm0 =	vlt.s32 v33, $0x7FF;
	v27 =	vtrunc.f32 v27;
	v32 =	vld [tilespmem:s20+$0x60]  }
0x87: {  	v43 =	vcvt.f32.s32 v26;
	v44 =	vmul.f32 $2.048000000e+03, v6;
	v42 =	vnsel vm0, $0x7FF, v33;
	v28 =	vld [tilespmem:s20+$0x830]  }
0x88: {  	v33 =	vmul.f32 $2.048000000e+03, v5;
	v45 =	vcvt.f32.s32 v27;
	v29 =	vld [tilespmem:s20+$0x820]  }
0x89: {  	v47 =	vmul.f32 $2.048000000e+03, v3;
	v41 =	vtrunc.f32 v41;
	v26 =	vld [tilespmem:s20+$0x810]  }
0x8a: {  	v49 =	vtrunc.f32 v33;
	v48 =	vtrunc.f32 v34;
	v27 =	vld [tilespmem:s20+$0x800]  }
0x8b: {  	v47 =	vtrunc.f32 v47;
	vm1 =	vlt.s32 v45, $0x7FF;
	v34 =	vld [tilespmem:s20+$0x450];
	v50 =	vmul.f32 $2.048000000e+03, v32  }
0x8c: {  	v51 =	vcvt.f32.s32 v39;
	v39 =	vcvt.f32.s32 v47;
	vm0 =	vlt.s32 v43, $0x7FF;
	v33 =	vld [tilespmem:s20+$0x440]  }
0x8d: {  	v47 =	vcvt.f32.s32 v36;
	v36 =	vnsel vm0, $0x7FF, v43;
	v43 =	vtrunc.f32 v44;
	[tilespmem:v37+s11+$0x0] =	vst.idx.add.f32.msk $0xffff, v35  }
0x8e: {  	vm0 =	vlt.s32 v51, $0x7FF;
	vm2 =	vlt.s32 v39, $0x7FF;
	v35 =	vtrunc.f32 v50;
	[tilespmem:v38+s11+$0x0] =	vst.idx.add.f32.msk $0xffff, v25  }
0x8f: {  	vm3 =	vlt.s32 v47, $0x7FF;
	v38 =	vcvt.f32.s32 v49;
	v25 =	vnsel vm2, $0x7FF, v39;
	[tilespmem:v42+s11+$0x0] =	vst.idx.add.f32.msk $0xffff, v31  }
0x90: {  	v39 =	vnsel vm3, $0x7FF, v47;
	v31 =	vcvt.f32.s32 v41;
	v42 =	vmul.f32 $2.048000000e+03, v34;
	[tilespmem:v40+s11+$0x0] =	vst.idx.add.f32.msk $0xffff, v30  }
0x91: {  	v37 =	vnsel vm1, $0x7FF, v45;
	v30 =	vmul.f32 $2.048000000e+03, v27;
	v40 =	vmul.f32 $2.048000000e+03, v33  }
0x92: {  	v35 =	vcvt.f32.s32 v35;
	v41 =	vcvt.f32.s32 v48;
	vm1 =	vlt.s32 v31, $0x7FF  }
0x93: {  	v44 =	vmul.f32 $2.048000000e+03, v26;
	v30 =	vtrunc.f32 v30;
	v31 =	vnsel vm1, $0x7FF, v31  }
0x94: {  	v45 =	vcvt.f32.s32 v43;
	vm2 =	vlt.s32 v38, $0x7FF;
	vm1 =	vlt.s32 v41, $0x7FF  }
0x95: {  	vm3 =	vlt.s32 v35, $0x7FF;
	v47 =	vcvt.f32.s32 v30;
	v30 =	vnsel vm2, $0x7FF, v38  }
0x96: {  	v48 =	vnsel vm1, $0x7FF, v41;
	v38 =	vtrunc.f32 v40;
	vm1 =	vlt.s32 v45, $0x7FF  }
.Ltmp1:
0x97: {  	v43 =	vnsel vm3, $0x7FF, v35;
	v40 =	vtrunc.f32 v44;
	v35 =	vnsel vm1, $0x7FF, v45;
	(pc) =	sbr.rel @p1 .LBB2_5-.Ltmp1, $4  }
0x98: {  	v38 =	vcvt.f32.s32 v38;
	v45 =	vcvt.f32.s32 v40;
	vm1 =	vlt.s32 v47, $0x7FF  }
0x99: {  	v42 =	vtrunc.f32 v42;
	v41 =	vnsel vm0, $0x7FF, v51;
	v40 =	vnsel vm1, $0x7FF, v47  }
0x9a: {  	v44 =	vcvt.f32.s32 v42;
	vm0 =	vlt.s32 v38, $0x7FF;
	vm1 =	vlt.s32 v45, $0x7FF  }
0x9b: {  	v42 =	vnsel vm0, $0x7FF, v38;
	v38 =	vnsel vm1, $0x7FF, v45;
	v45 =	vmul.f32 $2.048000000e+03, v29;
	[tilespmem:v48+s11+$0x0] =	vst.idx.add.f32.msk $0xffff, v46  }
0x9c: {  	_ =	sdelay $0x3  }
0x9d: {  	[tilespmem:v24+s11+$0x0] =	vst.idx.add.f32.msk $0xffff, v13  }
0x9e: {  	[tilespmem:v43+s11+$0x0] =	vst.idx.add.f32.msk $0xffff, v32  }
0x9f: {  	vm0 =	vlt.s32 v44, $0x7FF;
	[tilespmem:v21+s11+$0x0] =	vst.idx.add.f32.msk $0xffff, v10  }
0xa0: {  	v13 =	vmul.f32 $2.048000000e+03, v22;
	v10 =	vmul.f32 $2.048000000e+03, v28;
	v21 =	vnsel vm0, $0x7FF, v44;
	[tilespmem:v39+s11+$0x0] =	vst.idx.add.f32.msk $0xffff, v11  }
0xa1: {  	v24 =	vmul.f32 $2.048000000e+03, v19;
	v11 =	vtrunc.f32 v45;
	[tilespmem:v36+s11+$0x0] =	vst.idx.add.f32.msk $0xffff, v15  }
0xa2: {  	v11 =	vcvt.f32.s32 v11;
	v10 =	vtrunc.f32 v10;
	[tilespmem:v41+s11+$0x0] =	vst.idx.add.f32.msk $0xffff, v16  }
0xa3: {  	v13 =	vtrunc.f32 v13;
	v10 =	vcvt.f32.s32 v10;
	[tilespmem:v37+s11+$0x0] =	vst.idx.add.f32.msk $0xffff, v17  }
0xa4: {  	v13 =	vcvt.f32.s32 v13;
	v15 =	vtrunc.f32 v24;
	vm12 =	vlt.s32 v11, $0x7FF;
	[tilespmem:v42+s11+$0x0] =	vst.idx.add.f32.msk $0xffff, v33  }
0xa5: {  	v16 =	vmul.f32 $2.048000000e+03, v18;
	v11 =	vnsel vm12, $0x7FF, v11;
	vm13 =	vlt.s32 v10, $0x7FF;
	[tilespmem:v21+s11+$0x0] =	vst.idx.add.f32.msk $0xffff, v34  }
0xa6: {  	v15 =	vcvt.f32.s32 v15;
	vm14 =	vlt.s32 v13, $0x7FF;
	v10 =	vnsel vm13, $0x7FF, v10;
	[tilespmem:v20+s11+$0x0] =	vst.idx.add.f32.msk $0xffff, v2  }
0xa7: {  	v17 =	vmul.f32 $2.048000000e+03, v14;
	v13 =	vnsel vm14, $0x7FF, v13;
	v2 =	vtrunc.f32 v16;
	[tilespmem:v23+s11+$0x0] =	vst.idx.add.f32.msk $0xffff, v1  }
0xa8: {  	vm1 =	vlt.s32 v15, $0x7FF;
	v16 =	vmul.f32 $2.048000000e+03, v12;
	v1 =	vcvt.f32.s32 v2;
	[tilespmem:v40+s11+$0x0] =	vst.idx.add.f32.msk $0xffff, v27  }
0xa9: {  	v15 =	vnsel vm1, $0x7FF, v15;
	v2 =	vtrunc.f32 v17;
	v17 =	vmul.f32 $2.048000000e+03, v9;
	[tilespmem:v38+s11+$0x0] =	vst.idx.add.f32.msk $0xffff, v26  }
0xaa: {  	v2 =	vcvt.f32.s32 v2;
	v16 =	vtrunc.f32 v16;
	vm15 =	vlt.s32 v1, $0x7FF;
	[tilespmem:v11+s11+$0x0] =	vst.idx.add.f32.msk $0xffff, v29  }
0xab: {  	v11 =	vcvt.f32.s32 v16;
	v1 =	vnsel vm15, $0x7FF, v1;
	v16 =	vmul.f32 $2.048000000e+03, v8;
	[tilespmem:v10+s11+$0x0] =	vst.idx.add.f32.msk $0xffff, v28  }
0xac: {  	vm4 =	vlt.s32 v2, $0x7FF;
	v10 =	vtrunc.f32 v17;
	v17 =	vmul.f32 $2.048000000e+03, v4;
	[tilespmem:v31+s11+$0x0] =	vst.idx.add.f32.msk $0xffff, v7  }
0xad: {  	v2 =	vnsel vm4, $0x7FF, v2;
	v7 =	vcvt.f32.s32 v10;
	v10 =	vtrunc.f32 v16;
	[tilespmem:v35+s11+$0x0] =	vst.idx.add.f32.msk $0xffff, v6  }
0xae: {  	vm5 =	vlt.s32 v11, $0x7FF;
	v6 =	vcvt.f32.s32 v10;
	v10 =	vtrunc.f32 v17;
	[tilespmem:v30+s11+$0x0] =	vst.idx.add.f32.msk $0xffff, v5  }
0xaf: {  	v5 =	vnsel vm5, $0x7FF, v11;
	vm6 =	vlt.s32 v7, $0x7FF;
	v10 =	vcvt.f32.s32 v10;
	[tilespmem:v25+s11+$0x0] =	vst.idx.add.f32.msk $0xffff, v3  }
0xb0: {  	v3 =	vnsel vm6, $0x7FF, v7;
	vm7 =	vlt.s32 v6, $0x7FF;
	[tilespmem:v13+s11+$0x0] =	vst.idx.add.f32.msk $0xffff, v22  }
0xb1: {  	v6 =	vnsel vm7, $0x7FF, v6;
	vm8 =	vlt.s32 v10, $0x7FF;
	[tilespmem:v15+s11+$0x0] =	vst.idx.add.f32.msk $0xffff, v19  }
0xb2: {  	v7 =	vnsel vm8, $0x7FF, v10;
	[tilespmem:v1+s11+$0x0] =	vst.idx.add.f32.msk $0xffff, v18  }
0xb3: {  	[tilespmem:v2+s11+$0x0] =	vst.idx.add.f32.msk $0xffff, v14  }
0xb4: {  	[tilespmem:v5+s11+$0x0] =	vst.idx.add.f32.msk $0xffff, v12  }
0xb5: {  	[tilespmem:v3+s11+$0x0] =	vst.idx.add.f32.msk $0xffff, v9  }
0xb6: {  	[tilespmem:v6+s11+$0x0] =	vst.idx.add.f32.msk $0xffff, v8  }
0xb7: {  	[tilespmem:v7+s11+$0x0] =	vst.idx.add.f32.msk $0xffff, v4  }
0xb8: {  	_ =	swait.ge [sflag:s12], $0x4000  }
0xb9: {  	[sflag:s12] =	ssyncset.done $0x0  }
0xba: {  	s18 =	simm.s32 @p0 $0x0;
	[sflag:s12] =	ssyncadd.s32 $0xFFFFC000  }
0xbb: {  	[tilespmem:s18], [sflag:$0x1] =	stream.linear.gather @p0 [hbm4b:s6+s18], $0x4000, $0x38;
	[tilespmem:$0x8800] =	vst v63  }
0xbc: {  	s18 =	simm.s32 $0x0  }
0xbd: {  	s19 =	sand.u32 $0x3000, s18;
	s20 =	sand.u32 $0x380, s18  }
0xbe: {  	s19 =	sor.u32 s20, s19  }
0xbf: {  	v10 =	vld [tilespmem:s19+$0x4070]  }
0xc0: {  	v13 =	vld [tilespmem:s19+$0x4050]  }
0xc1: {  	v1 =	vld [tilespmem:s19+$0x4470]  }
0xc2: {  	v2 =	vld [tilespmem:s19+$0x4460]  }
0xc3: {  	v38 =	vld [tilespmem:s19+$0x4030]  }
0xc4: {  	v40 =	vld [tilespmem:s19+$0x4020]  }
0xc5: {  	v41 =	vld [tilespmem:s19+$0x4010]  }
0xc6: {  	v60 =	vld [tilespmem:s19+$0x4000]  }
0xc7: {  	v15 =	vld [tilespmem:s19+$0x4410]  }
0xc8: {  	v16 =	vld [tilespmem:s19+$0x4420]  }
0xc9: {  	v17 =	vld [tilespmem:s19+$0x4430]  }
0xca: {  	v46 =	vld [tilespmem:s19+$0x4040]  }
0xcb: {  	v33 =	vld [tilespmem:s19+$0x4440];
	v3 =	vmul.f32 $2.048000000e+03, v10;
	v4 =	vmul.f32 $2.048000000e+03, v13  }
0xcc: {  	v34 =	vld [tilespmem:s19+$0x4450];
	v5 =	vmul.f32 $2.048000000e+03, v2;
	v6 =	vmul.f32 $2.048000000e+03, v38  }
0xcd: {  	v8 =	vmul.f32 $2.048000000e+03, v1;
	v7 =	vmul.f32 $2.048000000e+03, v40  }
0xce: {  	v9 =	vmul.f32 $2.048000000e+03, v41;
	v12 =	vmul.f32 $2.048000000e+03, v60  }
0xcf: {  	v18 =	vmul.f32 $2.048000000e+03, v15;
	v19 =	vmul.f32 $2.048000000e+03, v16  }
0xd0: {  	v25 =	vmul.f32 $2.048000000e+03, v17;
	v26 =	vmul.f32 $2.048000000e+03, v46  }
0xd1: {  	v50 =	vmul.f32 $2.048000000e+03, v33;
	v58 =	vmul.f32 $2.048000000e+03, v34  }
0xd2: {  	v3 =	vtrunc.f32 v3;
	v4 =	vtrunc.f32 v4  }
0xd3: {  	v6 =	vtrunc.f32 v6;
	v14 =	vtrunc.f32 v7  }
0xd4: {  	v9 =	vtrunc.f32 v9;
	v5 =	vtrunc.f32 v5  }
0xd5: {  	v12 =	vtrunc.f32 v12;
	v19 =	vtrunc.f32 v19  }
0xd6: {  	v11 =	vld [tilespmem:s19+$0x4400];
	v30 =	vtrunc.f32 v26;
	v59 =	vtrunc.f32 v50  }
0xd7: {  	v3 =	vcvt.f32.s32 v3;
	v4 =	vcvt.f32.s32 v4  }
0xd8: {  	v5 =	vcvt.f32.s32 v5;
	v14 =	vcvt.f32.s32 v14  }
0xd9: {  	v7 =	vld [tilespmem:s19+$0x4840];
	v49 =	vcvt.f32.s32 v19;
	v51 =	vcvt.f32.s32 v30;
	vm9 =	vlt.s32 v3, $0x7FF  }
0xda: {  	v26 =	vld [tilespmem:s19+$0x4810];
	vm10 =	vlt.s32 v4, $0x7FF;
	vm11 =	vlt.s32 v5, $0x7FF;
	v21 =	vnsel vm9, $0x7FF, v3  }
0xdb: {  	v3 =	vmul.f32 $2.048000000e+03, v11;
	v24 =	vnsel vm10, $0x7FF, v4;
	v4 =	vcvt.f32.s32 v12  }
0xdc: {  	vm14 =	vlt.s32 v14, $0x7FF;
	v12 =	vcvt.f32.s32 v6;
	v6 =	vtrunc.f32 v8  }
0xdd: {  	v8 =	vcvt.f32.s32 v9;
	v20 =	vnsel vm11, $0x7FF, v5;
	v48 =	vnsel vm14, $0x7FF, v14  }
0xde: {  	v32 =	vld [tilespmem:s19+$0x4060];
	vm9 =	vlt.s32 v51, $0x7FF;
	v9 =	vcvt.f32.s32 v6;
	v27 =	vmul.f32 $2.048000000e+03, v7  }
0xdf: {  	v54 =	vmul.f32 $2.048000000e+03, v26;
	v51 =	vnsel vm9, $0x7FF, v51;
	vm12 =	vlt.s32 v4, $0x7FF  }
0xe0: {  	v5 =	vld [tilespmem:s19+$0x4860];
	vm13 =	vlt.s32 v8, $0x7FF;
	vm2 =	vlt.s32 v12, $0x7FF;
	v22 =	vtrunc.f32 v3  }
0xe1: {  	v6 =	vld [tilespmem:s19+$0x4850];
	vm3 =	vlt.s32 v9, $0x7FF;
	v61 =	vnsel vm12, $0x7FF, v4;
	v4 =	vtrunc.f32 v18  }
0xe2: {  	v3 =	vld [tilespmem:s19+$0x4870];
	v62 =	vnsel vm13, $0x7FF, v8;
	v47 =	vnsel vm2, $0x7FF, v12;
	v29 =	vtrunc.f32 v27  }
0xe3: {  	v12 =	vmul.f32 $2.048000000e+03, v32;
	v22 =	vcvt.f32.s32 v22;
	vm12 =	vlt.s32 v49, $0x7FF  }
0xe4: {  	v27 =	vld [tilespmem:s19+$0x4800];
	v23 =	vnsel vm3, $0x7FF, v9;
	v9 =	vtrunc.f32 v25;
	v18 =	vcvt.f32.s32 v4  }
0xe5: {  	v4 =	vld [tilespmem:s19+$0x4C70];
	v29 =	vcvt.f32.s32 v29;
	v8 =	vmul.f32 $2.048000000e+03, v5;
	vm6 =	vlt.s32 v22, $0x7FF  }
0xe6: {  	v28 =	vcvt.f32.s32 v9;
	v25 =	vmul.f32 $2.048000000e+03, v6;
	v39 =	vnsel vm6, $0x7FF, v22;
	v22 =	vld [tilespmem:s19+$0x4C00]  }
0xe7: {  	vm4 =	vlt.s32 v18, $0x7FF;
	v9 =	vmul.f32 $2.048000000e+03, v3;
	v14 =	vtrunc.f32 v8;
	v8 =	vld [tilespmem:s19+$0x4C60]  }
0xe8: {  	v36 =	vnsel vm4, $0x7FF, v18;
	v18 =	vtrunc.f32 v12;
	v12 =	vld [tilespmem:s19+$0x4C40];
	v63 =	vtrunc.f32 v25  }
0xe9: {  	v42 =	vnsel vm12, $0x7FF, v49;
	v57 =	vcvt.f32.s32 v14;
	v14 =	vld [tilespmem:s19+$0x4C30];
	v19 =	vmul.f32 $2.048000000e+03, v27  }
0xea: {  	vm15 =	vlt.s32 v28, $0x7FF;
	v52 =	vcvt.f32.s32 v18;
	v18 =	vld [tilespmem:s19+$0x4C20];
	v9 =	vtrunc.f32 v9  }
0xeb: {  	v37 =	vnsel vm15, $0x7FF, v28;
	v28 =	vld [tilespmem:s19+$0x4830];
	v35 =	vcvt.f32.s32 v63;
	v31 =	vcvt.f32.s32 v9  }
0xec: {  	vm7 =	vlt.s32 v29, $0x7FF;
	v63 =	vtrunc.f32 v58;
	v9 =	vld [tilespmem:s19+$0x4C50];
	v53 =	vtrunc.f32 v19  }
0xed: {  	v19 =	vld [tilespmem:s19+$0x4C10];
	vm8 =	vlt.s32 v57, $0x7FF;
	vm10 =	vlt.s32 v52, $0x7FF;
	vm5 =	vlt.s32 v31, $0x7FF  }
0xee: {  	v44 =	vcvt.f32.s32 v63;
	v25 =	vnsel vm5, $0x7FF, v31;
	v31 =	vnsel vm7, $0x7FF, v29;
	v29 =	vld [tilespmem:s19+$0x4820]  }
0xef: {  	v30 =	vnsel vm8, $0x7FF, v57;
	v53 =	vcvt.f32.s32 v53;
	[tilespmem:v61+s11+$0x0] =	vst.idx.add.f32.msk $0xffff, v60;
	v60 =	vtrunc.f32 v54  }
0xf0: {  	vm11 =	vlt.s32 v35, $0x7FF;
	v61 =	vcvt.f32.s32 v59;
	[tilespmem:v62+s11+$0x0] =	vst.idx.add.f32.msk $0xffff, v41;
	v62 =	vcvt.f32.s32 v60  }
0xf1: {  	v43 =	vnsel vm10, $0x7FF, v52;
	v35 =	vnsel vm11, $0x7FF, v35;
	vm13 =	vlt.s32 v53, $0x7FF;
	[tilespmem:v48+s11+$0x0] =	vst.idx.add.f32.msk $0xffff, v40  }
0xf2: {  	v40 =	vnsel vm13, $0x7FF, v53;
	vm14 =	vlt.s32 v61, $0x7FF;
	[tilespmem:v47+s11+$0x0] =	vst.idx.add.f32.msk $0xffff, v38;
	vm15 =	vlt.s32 v62, $0x7FF  }
0xf3: {  	s19 =	simm.s32 $0x200;
	v41 =	vnsel vm14, $0x7FF, v61;
	v38 =	vnsel vm15, $0x7FF, v62;
	[tilespmem:v51+s11+$0x0] =	vst.idx.add.f32.msk $0xffff, v46;
	v45 =	vmul.f32 $2.048000000e+03, v29  }
.LBB2_7:
0xf4: {  	p1 =	sne.s32 s19, $0x3E00  }
0xf5: {  	vm0 =	vlt.s32 v44, $0x7FF;
	v46 =	vmul.f32 $2.048000000e+03, v28;
	v47 =	vmul.f32 $2.048000000e+03, v22;
	[tilespmem:v24+s11+$0x0] =	vst.idx.add.f32.msk $0xffff, v13;
	s18 =	sadd.s32 $0x80, s18;
	s20 =	smov.u32 s19;
	s19 =	sadd.s32 $0x200, s19  }
0xf6: {  	v13 =	vnsel vm0, $0x7FF, v44;
	v24 =	vtrunc.f32 v45;
	v44 =	vmul.f32 $2.048000000e+03, v19;
	[tilespmem:v43+s11+$0x0] =	vst.idx.add.f32.msk $0xffff, v32  }
0xf7: {  	v24 =	vcvt.f32.s32 v24;
	v32 =	vtrunc.f32 v46;
	[tilespmem:v21+s11+$0x0] =	vst.idx.add.f32.msk $0xffff, v10  }
0xf8: {  	v21 =	vtrunc.f32 v47;
	v10 =	vcvt.f32.s32 v32;
	[tilespmem:v39+s11+$0x0] =	vst.idx.add.f32.msk $0xffff, v11  }
0xf9: {  	v11 =	vcvt.f32.s32 v21;
	v21 =	vtrunc.f32 v44;
	vm0 =	vlt.s32 v24, $0x7FF;
	[tilespmem:v36+s11+$0x0] =	vst.idx.add.f32.msk $0xffff, v15  }
0xfa: {  	v21 =	vcvt.f32.s32 v21;
	v15 =	vnsel vm0, $0x7FF, v24;
	vm0 =	vlt.s32 v10, $0x7FF;
	[tilespmem:v42+s11+$0x0] =	vst.idx.add.f32.msk $0xffff, v16  }
0xfb: {  	v16 =	vmul.f32 $2.048000000e+03, v18;
	v10 =	vnsel vm0, $0x7FF, v10;
	vm0 =	vlt.s32 v11, $0x7FF;
	[tilespmem:v37+s11+$0x0] =	vst.idx.add.f32.msk $0xffff, v17  }
0xfc: {  	v17 =	vmul.f32 $2.048000000e+03, v14;
	v11 =	vnsel vm0, $0x7FF, v11;
	vm0 =	vlt.s32 v21, $0x7FF;
	[tilespmem:v41+s11+$0x0] =	vst.idx.add.f32.msk $0xffff, v33  }
0xfd: {  	v24 =	vmul.f32 $2.048000000e+03, v12;
	v16 =	vtrunc.f32 v16;
	v21 =	vnsel vm0, $0x7FF, v21;
	[tilespmem:v13+s11+$0x0] =	vst.idx.add.f32.msk $0xffff, v34  }
0xfe: {  	v13 =	vcvt.f32.s32 v16;
	v16 =	vtrunc.f32 v17;
	[tilespmem:v20+s11+$0x0] =	vst.idx.add.f32.msk $0xffff, v2  }
0xff: {  	v2 =	vcvt.f32.s32 v16;
	v16 =	vtrunc.f32 v24;
	[tilespmem:v23+s11+$0x0] =	vst.idx.add.f32.msk $0xffff, v1  }
0x100: {  	vm0 =	vlt.s32 v13, $0x7FF;
	v1 =	vcvt.f32.s32 v16;
	v16 =	vmul.f32 $2.048000000e+03, v9;
	[tilespmem:v40+s11+$0x0] =	vst.idx.add.f32.msk $0xffff, v27  }
0x101: {  	v17 =	vmul.f32 $2.048000000e+03, v8;
	v13 =	vnsel vm0, $0x7FF, v13;
	vm0 =	vlt.s32 v2, $0x7FF;
	[tilespmem:v38+s11+$0x0] =	vst.idx.add.f32.msk $0xffff, v26  }
0x102: {  	v2 =	vnsel vm0, $0x7FF, v2;
	vm0 =	vlt.s32 v1, $0x7FF;
	v16 =	vtrunc.f32 v16;
	[tilespmem:v15+s11+$0x0] =	vst.idx.add.f32.msk $0xffff, v29  }
0x103: {  	v1 =	vnsel vm0, $0x7FF, v1;
	v15 =	vcvt.f32.s32 v16;
	v16 =	vtrunc.f32 v17;
	[tilespmem:v10+s11+$0x0] =	vst.idx.add.f32.msk $0xffff, v28  }
0x104: {  	v10 =	vcvt.f32.s32 v16;
	v16 =	vmul.f32 $2.048000000e+03, v4;
	[tilespmem:v31+s11+$0x0] =	vst.idx.add.f32.msk $0xffff, v7  }
0x105: {  	vm0 =	vlt.s32 v15, $0x7FF;
	[tilespmem:v35+s11+$0x0] =	vst.idx.add.f32.msk $0xffff, v6  }
0x106: {  	v6 =	vnsel vm0, $0x7FF, v15;
	vm0 =	vlt.s32 v10, $0x7FF;
	v7 =	vtrunc.f32 v16;
	[tilespmem:v30+s11+$0x0] =	vst.idx.add.f32.msk $0xffff, v5  }
0x107: {  	v5 =	vnsel vm0, $0x7FF, v10;
	v7 =	vcvt.f32.s32 v7;
	[tilespmem:v25+s11+$0x0] =	vst.idx.add.f32.msk $0xffff, v3  }
0x108: {  	[tilespmem:v11+s11+$0x0] =	vst.idx.add.f32.msk $0xffff, v22  }
0x109: {  	vm0 =	vlt.s32 v7, $0x7FF;
	[tilespmem:v21+s11+$0x0] =	vst.idx.add.f32.msk $0xffff, v19  }
0x10a: {  	v3 =	vnsel vm0, $0x7FF, v7;
	[tilespmem:v13+s11+$0x0] =	vst.idx.add.f32.msk $0xffff, v18  }
0x10b: {  	[tilespmem:v2+s11+$0x0] =	vst.idx.add.f32.msk $0xffff, v14  }
0x10c: {  	[tilespmem:v1+s11+$0x0] =	vst.idx.add.f32.msk $0xffff, v12  }
0x10d: {  	[tilespmem:v6+s11+$0x0] =	vst.idx.add.f32.msk $0xffff, v9  }
0x10e: {  	s20 =	sand.u32 $0x3000, s20;
	s21 =	sand.u32 $0x380, s18;
	[tilespmem:v5+s11+$0x0] =	vst.idx.add.f32.msk $0xffff, v8  }
0x10f: {  	s20 =	sor.u32 s21, s20;
	[tilespmem:v3+s11+$0x0] =	vst.idx.add.f32.msk $0xffff, v4  }
0x110: {  	v10 =	vld [tilespmem:s20+$0x4070]  }
0x111: {  	v11 =	vld [tilespmem:s20+$0x4400]  }
0x112: {  	v13 =	vld [tilespmem:s20+$0x4050]  }
0x113: {  	v1 =	vld [tilespmem:s20+$0x4470]  }
0x114: {  	v2 =	vld [tilespmem:s20+$0x4460]  }
0x115: {  	v30 =	vld [tilespmem:s20+$0x4030];
	v3 =	vmul.f32 $2.048000000e+03, v10  }
0x116: {  	v31 =	vld [tilespmem:s20+$0x4020]  }
0x117: {  	v25 =	vld [tilespmem:s20+$0x4010];
	v4 =	vmul.f32 $2.048000000e+03, v13;
	v3 =	vtrunc.f32 v3  }
0x118: {  	v35 =	vld [tilespmem:s20+$0x4000];
	v3 =	vcvt.f32.s32 v3  }
0x119: {  	v15 =	vld [tilespmem:s20+$0x4410];
	v4 =	vtrunc.f32 v4;
	v8 =	vmul.f32 $2.048000000e+03, v2  }
0x11a: {  	v9 =	vmul.f32 $2.048000000e+03, v1;
	v16 =	vld [tilespmem:s20+$0x4420];
	v5 =	vmul.f32 $2.048000000e+03, v30;
	vm0 =	vlt.s32 v3, $0x7FF  }
0x11b: {  	v4 =	vcvt.f32.s32 v4;
	v17 =	vld [tilespmem:s20+$0x4430];
	v6 =	vmul.f32 $2.048000000e+03, v31;
	v21 =	vnsel vm0, $0x7FF, v3  }
0x11c: {  	v3 =	vld [tilespmem:s20+$0x4870];
	v7 =	vmul.f32 $2.048000000e+03, v25;
	v12 =	vtrunc.f32 v5  }
0x11d: {  	vm0 =	vlt.s32 v4, $0x7FF;
	v5 =	vld [tilespmem:s20+$0x4860];
	v14 =	vmul.f32 $2.048000000e+03, v35;
	v22 =	vtrunc.f32 v6  }
0x11e: {  	v19 =	vmul.f32 $2.048000000e+03, v11;
	v24 =	vnsel vm0, $0x7FF, v4;
	v6 =	vld [tilespmem:s20+$0x4850];
	v18 =	vtrunc.f32 v7  }
0x11f: {  	v8 =	vtrunc.f32 v8;
	v7 =	vld [tilespmem:s20+$0x4840];
	v14 =	vtrunc.f32 v14  }
0x120: {  	v4 =	vld [tilespmem:s20+$0x4C70];
	v23 =	vcvt.f32.s32 v14;
	v14 =	vcvt.f32.s32 v8  }
0x121: {  	v26 =	vcvt.f32.s32 v12;
	v12 =	vtrunc.f32 v9;
	v8 =	vld [tilespmem:s20+$0x4C60]  }
0x122: {  	v27 =	vcvt.f32.s32 v18;
	v18 =	vcvt.f32.s32 v12;
	v9 =	vld [tilespmem:s20+$0x4C50];
	vm0 =	vlt.s32 v14, $0x7FF  }
0x123: {  	v28 =	vmul.f32 $2.048000000e+03, v15;
	vm1 =	vlt.s32 v23, $0x7FF;
	v46 =	vld [tilespmem:s20+$0x4040];
	v20 =	vnsel vm0, $0x7FF, v14  }
0x124: {  	vm2 =	vlt.s32 v26, $0x7FF;
	vm3 =	vlt.s32 v18, $0x7FF;
	vm0 =	vlt.s32 v27, $0x7FF;
	v12 =	vld [tilespmem:s20+$0x4C40]  }
0x125: {  	v29 =	vmul.f32 $2.048000000e+03, v16;
	v37 =	vnsel vm1, $0x7FF, v23;
	v23 =	vnsel vm3, $0x7FF, v18;
	v14 =	vld [tilespmem:s20+$0x4C30]  }
0x126: {  	v36 =	vtrunc.f32 v19;
	v38 =	vnsel vm0, $0x7FF, v27;
	v27 =	vmul.f32 $2.048000000e+03, v17;
	v18 =	vld [tilespmem:s20+$0x4C20]  }
0x127: {  	v33 =	vcvt.f32.s32 v22;
	v40 =	vnsel vm2, $0x7FF, v26;
	v39 =	vtrunc.f32 v29;
	v19 =	vld [tilespmem:s20+$0x4C10]  }
0x128: {  	v41 =	vmul.f32 $2.048000000e+03, v7;
	v22 =	vld [tilespmem:s20+$0x4C00];
	v34 =	vmul.f32 $2.048000000e+03, v46  }
0x129: {  	v26 =	vtrunc.f32 v28;
	vm0 =	vlt.s32 v33, $0x7FF;
	v27 =	vtrunc.f32 v27;
	v32 =	vld [tilespmem:s20+$0x4060]  }
0x12a: {  	v43 =	vcvt.f32.s32 v26;
	v44 =	vmul.f32 $2.048000000e+03, v6;
	v42 =	vnsel vm0, $0x7FF, v33;
	v28 =	vld [tilespmem:s20+$0x4830]  }
0x12b: {  	v33 =	vmul.f32 $2.048000000e+03, v5;
	v45 =	vcvt.f32.s32 v27;
	v29 =	vld [tilespmem:s20+$0x4820]  }
0x12c: {  	v47 =	vmul.f32 $2.048000000e+03, v3;
	v41 =	vtrunc.f32 v41;
	v26 =	vld [tilespmem:s20+$0x4810]  }
0x12d: {  	v49 =	vtrunc.f32 v33;
	v48 =	vtrunc.f32 v34;
	v27 =	vld [tilespmem:s20+$0x4800]  }
0x12e: {  	v47 =	vtrunc.f32 v47;
	vm1 =	vlt.s32 v45, $0x7FF;
	v34 =	vld [tilespmem:s20+$0x4450];
	v50 =	vmul.f32 $2.048000000e+03, v32  }
0x12f: {  	v51 =	vcvt.f32.s32 v39;
	v39 =	vcvt.f32.s32 v47;
	vm0 =	vlt.s32 v43, $0x7FF;
	v33 =	vld [tilespmem:s20+$0x4440]  }
0x130: {  	v47 =	vcvt.f32.s32 v36;
	v36 =	vnsel vm0, $0x7FF, v43;
	v43 =	vtrunc.f32 v44;
	[tilespmem:v37+s11+$0x0] =	vst.idx.add.f32.msk $0xffff, v35  }
0x131: {  	vm0 =	vlt.s32 v51, $0x7FF;
	vm2 =	vlt.s32 v39, $0x7FF;
	v35 =	vtrunc.f32 v50;
	[tilespmem:v38+s11+$0x0] =	vst.idx.add.f32.msk $0xffff, v25  }
0x132: {  	vm3 =	vlt.s32 v47, $0x7FF;
	v38 =	vcvt.f32.s32 v49;
	v25 =	vnsel vm2, $0x7FF, v39;
	[tilespmem:v42+s11+$0x0] =	vst.idx.add.f32.msk $0xffff, v31  }
0x133: {  	v39 =	vnsel vm3, $0x7FF, v47;
	v31 =	vcvt.f32.s32 v41;
	v44 =	vmul.f32 $2.048000000e+03, v34;
	[tilespmem:v40+s11+$0x0] =	vst.idx.add.f32.msk $0xffff, v30  }
0x134: {  	v37 =	vnsel vm1, $0x7FF, v45;
	v30 =	vmul.f32 $2.048000000e+03, v27;
	v40 =	vmul.f32 $2.048000000e+03, v33  }
0x135: {  	v35 =	vcvt.f32.s32 v35;
	v41 =	vcvt.f32.s32 v48;
	vm1 =	vlt.s32 v31, $0x7FF  }
0x136: {  	v42 =	vmul.f32 $2.048000000e+03, v26;
	v30 =	vtrunc.f32 v30;
	v31 =	vnsel vm1, $0x7FF, v31  }
0x137: {  	v45 =	vcvt.f32.s32 v43;
	vm2 =	vlt.s32 v38, $0x7FF;
	vm1 =	vlt.s32 v41, $0x7FF  }
0x138: {  	vm3 =	vlt.s32 v35, $0x7FF;
	v47 =	vcvt.f32.s32 v30;
	v30 =	vnsel vm2, $0x7FF, v38  }
0x139: {  	v48 =	vnsel vm1, $0x7FF, v41;
	v38 =	vtrunc.f32 v40;
	vm1 =	vlt.s32 v45, $0x7FF  }
.Ltmp2:
0x13a: {  	v43 =	vnsel vm3, $0x7FF, v35;
	v40 =	vtrunc.f32 v42;
	v35 =	vnsel vm1, $0x7FF, v45;
	(pc) =	sbr.rel @p1 .LBB2_7-.Ltmp2, $4  }
0x13b: {  	v38 =	vcvt.f32.s32 v38;
	v45 =	vcvt.f32.s32 v40;
	vm1 =	vlt.s32 v47, $0x7FF  }
0x13c: {  	v42 =	vnsel vm0, $0x7FF, v51;
	v41 =	vtrunc.f32 v44;
	v40 =	vnsel vm1, $0x7FF, v47  }
0x13d: {  	v44 =	vcvt.f32.s32 v41;
	vm0 =	vlt.s32 v38, $0x7FF;
	vm1 =	vlt.s32 v45, $0x7FF  }
0x13e: {  	v41 =	vnsel vm0, $0x7FF, v38;
	v38 =	vnsel vm1, $0x7FF, v45;
	v45 =	vmul.f32 $2.048000000e+03, v29;
	[tilespmem:v48+s11+$0x0] =	vst.idx.add.f32.msk $0xffff, v46  }
0x13f: {  	_ =	sdelay $0x3  }
0x140: {  	[tilespmem:v24+s11+$0x0] =	vst.idx.add.f32.msk $0xffff, v13  }
0x141: {  	v48 =	vmul.f32 $2.048000000e+03, v19;
	[tilespmem:v43+s11+$0x0] =	vst.idx.add.f32.msk $0xffff, v32  }
0x142: {  	vm0 =	vlt.s32 v44, $0x7FF;
	v50 =	vmul.f32 $2.048000000e+03, v18;
	v51 =	vmul.f32 $2.048000000e+03, v14;
	[tilespmem:v21+s11+$0x0] =	vst.idx.add.f32.msk $0xffff, v10  }
0x143: {  	v52 =	vmul.f32 $2.048000000e+03, v12;
	v32 =	vmul.f32 $2.048000000e+03, v28;
	v46 =	vnsel vm0, $0x7FF, v44;
	[tilespmem:v39+s11+$0x0] =	vst.idx.add.f32.msk $0xffff, v11  }
0x144: {  	v53 =	vmul.f32 $2.048000000e+03, v9;
	v47 =	vtrunc.f32 v45;
	[tilespmem:v36+s11+$0x0] =	vst.idx.add.f32.msk $0xffff, v15  }
0x145: {  	v11 =	vcvt.f32.s32 v47;
	v10 =	vtrunc.f32 v32;
	[tilespmem:v42+s11+$0x0] =	vst.idx.add.f32.msk $0xffff, v16  }
0x146: {  	v55 =	vmul.f32 $2.048000000e+03, v8;
	v10 =	vcvt.f32.s32 v10;
	[tilespmem:v37+s11+$0x0] =	vst.idx.add.f32.msk $0xffff, v17  }
0x147: {  	v57 =	vmul.f32 $2.048000000e+03, v4;
	v43 =	vmul.f32 $2.048000000e+03, v22;
	vm7 =	vlt.s32 v11, $0x7FF;
	[tilespmem:v41+s11+$0x0] =	vst.idx.add.f32.msk $0xffff, v33  }
0x148: {  	v49 =	vtrunc.f32 v48;
	v11 =	vnsel vm7, $0x7FF, v11;
	vm8 =	vlt.s32 v10, $0x7FF;
	[tilespmem:v46+s11+$0x0] =	vst.idx.add.f32.msk $0xffff, v34  }
0x149: {  	v56 =	vtrunc.f32 v53;
	v59 =	vtrunc.f32 v55;
	v10 =	vnsel vm8, $0x7FF, v10;
	[tilespmem:v20+s11+$0x0] =	vst.idx.add.f32.msk $0xffff, v2  }
0x14a: {  	v61 =	vtrunc.f32 v57;
	v13 =	vtrunc.f32 v43;
	[tilespmem:v23+s11+$0x0] =	vst.idx.add.f32.msk $0xffff, v1  }
0x14b: {  	v13 =	vcvt.f32.s32 v13;
	v15 =	vcvt.f32.s32 v49;
	[tilespmem:v40+s11+$0x0] =	vst.idx.add.f32.msk $0xffff, v27  }
0x14c: {  	v16 =	vtrunc.f32 v52;
	v2 =	vtrunc.f32 v50;
	[tilespmem:v38+s11+$0x0] =	vst.idx.add.f32.msk $0xffff, v26  }
0x14d: {  	vm9 =	vlt.s32 v13, $0x7FF;
	v1 =	vcvt.f32.s32 v2;
	v2 =	vtrunc.f32 v51;
	[tilespmem:v11+s11+$0x0] =	vst.idx.add.f32.msk $0xffff, v29  }
0x14e: {  	vm1 =	vlt.s32 v15, $0x7FF;
	v13 =	vnsel vm9, $0x7FF, v13;
	v2 =	vcvt.f32.s32 v2;
	[tilespmem:v10+s11+$0x0] =	vst.idx.add.f32.msk $0xffff, v28  }
0x14f: {  	v54 =	vcvt.f32.s32 v16;
	v15 =	vnsel vm1, $0x7FF, v15;
	vm10 =	vlt.s32 v1, $0x7FF;
	[tilespmem:v31+s11+$0x0] =	vst.idx.add.f32.msk $0xffff, v7  }
0x150: {  	v58 =	vcvt.f32.s32 v56;
	v1 =	vnsel vm10, $0x7FF, v1;
	vm11 =	vlt.s32 v2, $0x7FF;
	[tilespmem:v35+s11+$0x0] =	vst.idx.add.f32.msk $0xffff, v6  }
0x151: {  	v60 =	vcvt.f32.s32 v59;
	vm12 =	vlt.s32 v54, $0x7FF;
	v2 =	vnsel vm11, $0x7FF, v2;
	[tilespmem:v30+s11+$0x0] =	vst.idx.add.f32.msk $0xffff, v5  }
0x152: {  	vm13 =	vlt.s32 v58, $0x7FF;
	v62 =	vnsel vm12, $0x7FF, v54;
	v10 =	vcvt.f32.s32 v61;
	[tilespmem:v25+s11+$0x0] =	vst.idx.add.f32.msk $0xffff, v3  }
0x153: {  	vm14 =	vlt.s32 v60, $0x7FF;
	v3 =	vnsel vm13, $0x7FF, v58;
	[tilespmem:v13+s11+$0x0] =	vst.idx.add.f32.msk $0xffff, v22  }
0x154: {  	v6 =	vnsel vm14, $0x7FF, v60;
	vm15 =	vlt.s32 v10, $0x7FF;
	[tilespmem:v15+s11+$0x0] =	vst.idx.add.f32.msk $0xffff, v19  }
0x155: {  	v63 =	vnsel vm15, $0x7FF, v10;
	[tilespmem:v1+s11+$0x0] =	vst.idx.add.f32.msk $0xffff, v18  }
.Ltmp3:
0x156: {  	[tilespmem:v2+s11+$0x0] =	vst.idx.add.f32.msk $0xffff, v14;
	(pc) =	sbr.rel @p0 .LBB2_4-.Ltmp3, $4  }
0x157: {  	[tilespmem:v62+s11+$0x0] =	vst.idx.add.f32.msk $0xffff, v12  }
0x158: {  	[tilespmem:v3+s11+$0x0] =	vst.idx.add.f32.msk $0xffff, v9  }
0x159: {  	[tilespmem:v6+s11+$0x0] =	vst.idx.add.f32.msk $0xffff, v8  }
0x15a: {  	s18 =	simm.s32 $0x8000;
	p1 =	por $0x0, $0x0;
	[tilespmem:v63+s11+$0x0] =	vst.idx.add.f32.msk $0xffff, v4  }
0x15b: {  	s16 =	sadd.s32 $0x1, s16  }
0x15c: {  	p0 =	sne.s32 s16, s8  }
.Ltmp4:
0x15d: {  	_ = 	snop;
	(pc) =	sbr.rel @p0 .LBB2_1-.Ltmp4, $4  }
0x15e: {  	[hbm4b:s7+s13] =	stream.strided.scatter [tilespmem:s11], [sflag:$0x3], $0x800, s14, s13, $0x38;
	[tilespmem:$0x8800] =	vst v63  }
0x15f: {  	_ =	swait.ge [sflag:s15], $0x800  }
0x160: {  	[sflag:s15] =	ssyncset.done $0x0  }
0x161: {  	[sflag:s15] =	ssyncadd.s32 $0xFFFFF800  }
0x162: {  	_ =	sfence.sel $0x180000  }
0x163: {  	[bflag:$0x0] =	sbarrier.arrive $0xFFFF  }
0x164: {  	p0 =	sne.s32 s1, $0x0;
	_ =	strace $0x90000047  }
0x165: {  	s0 =	sadd.s32 @!p0 $0x100000, s0;
	[bflag:$0x2] =	sbarrier.arrive $0xFFFF  }
0x166: {  	[sflag:s0] =	ssyncadd.tile.s32 @!p0 $0x1;
	_ =	shalt  }
.Lfunc_end2:
_tile_overlayer_lowered:
.L_overlay_start_2:
0x167: {  	(tag) =	ssettag $0x2  }
0x168: {  	s0 =	rddreg [dreg:$0x0];
	s2 =	stileid.u32  }
0x169: {  	s1 =	rddreg [dreg:$0x1];
	p0 =	sne.s32 s2, $0x0  }
0x16a: {  	s3 =	rddreg [dreg:$0x2];
	[bflag:$0x3] =	sbarrier.arrive $0xFFFF;
	s2 =	simm.s32 @!p0 $0x1C03  }
0x16b: {  	[timem:s3], [sflag:s2] =	dma.local @!p0 [hbm:s0], s1  }
0x16c: {  	s0 =	simm.s32 @!p0 $0x3  }
0x16d: {  	_ =	swait.ge @!p0 [sflag:s0], s1  }
0x16e: {  	s1 =	ssub.s32 @!p0 $0x0, s1;
	[sflag:s0] =	ssyncset.done @!p0 $0x0  }
0x16f: {  	[sflag:s0] =	ssyncadd.s32 @!p0 s1  }
0x170: {  	[bflag:$0x3] =	sbarrier.arrive $0xFFFF  }
0x171: {  	_ =	shalt  }

</sc_bundles>
